<compile_context>
chip_gen: v7x
topology: tpu7x:2x2x1
jax: 0.10.2.dev20260603
libtpu: 0.0.44.dev20260713+nightly
codegen_flags: <defaults>
</compile_context>

<pallas_src>
import functools

import jax
import jax.numpy as jnp
from jax import lax
from jax.experimental import pallas as pl
from jax.experimental.pallas import tpu as pltpu
from jax.experimental.pallas import tpu_sc as plsc

_A = 5
_H = 26
_W = 26
_T = 30
_HW = _H * _W
_C = _A * _HW
_POS_THRESH = 0.6
_NROW = 16


def _tc_body(xy_ref, wh_ref, obj_ref, truth_ref, bias_ref, brow_ref,
             tnoobj_ref, tab_ref):
    f32 = jnp.float32
    tx = truth_ref[0, :, 0:1]
    ty = truth_ref[0, :, 1:2]
    tw = truth_ref[0, :, 2:3]
    th = truth_ref[0, :, 3:4]
    tcls = truth_ref[0, :, 4:5]
    valid = tw > 1e-6

    twc = tw * _W
    thc = th * _H
    ci = jnp.clip((tx * _W).astype(jnp.int32), 0, _W - 1)
    cj = jnp.clip((ty * _H).astype(jnp.int32), 0, _H - 1)
    tgt_x = tx * _W - ci.astype(f32)
    tgt_y = ty * _H - cj.astype(f32)
    wgt = 2.0 - tw * th

    best_r = jnp.full_like(tx, -1.0)
    ba = jnp.zeros_like(ci)
    bw_sel = jnp.zeros_like(tx)
    bh_sel = jnp.zeros_like(tx)
    for a in range(_A):
        bw_a = bias_ref[0:1, 2 * a:2 * a + 1]
        bh_a = bias_ref[0:1, 2 * a + 1:2 * a + 2]
        inter = jnp.minimum(twc, bw_a) * jnp.minimum(thc, bh_a)
        union = twc * thc + bw_a * bh_a - inter
        rr = inter / jnp.maximum(union, 1e-12)
        upd = rr > best_r
        best_r = jnp.where(upd, rr, best_r)
        ba = jnp.where(upd, a, ba)
        bw_sel = jnp.where(upd, bw_a, bw_sel)
        bh_sel = jnp.where(upd, bh_a, bh_sel)
    tgt_w = jnp.log(jnp.maximum(twc, 1e-12) / bw_sel)
    tgt_h = jnp.log(jnp.maximum(thc, 1e-12) / bh_sel)

    m = jnp.where(valid, ba * _HW + cj * _W + ci, -1)
    mT = jnp.transpose(m, (1, 0))
    tcol = lax.broadcasted_iota(jnp.int32, (_T, 1), 0)
    tcolT = jnp.transpose(tcol, (1, 0))
    dup = jnp.max(((m == mT) & (tcolT > tcol)).astype(jnp.int32),
                  axis=1, keepdims=True)
    wins = dup == 0
    m_f = jnp.where(wins, m, -1).astype(f32)

    pad3 = jnp.full((_T, _NROW - 13), -1.0, dtype=f32)
    tab = jnp.concatenate(
        [m_f, tgt_x, tgt_y, tgt_w, tgt_h, wgt, tcls,
         tx, ty, tw, th, bw_sel, bh_sel, pad3], axis=1)
    tab = jnp.transpose(tab, (1, 0))
    tab = jnp.concatenate(
        [tab, jnp.full((_NROW, 2), -1.0, dtype=f32)], axis=1)
    tab_ref[0] = tab

    half_tw = tw * 0.5
    half_th = th * 0.5
    tl = jnp.where(valid, tx - half_tw, 1e30)
    tr = jnp.where(valid, tx + half_tw, -1e30)
    tt = ty - half_th
    tb = ty + half_th
    c1 = (tw * th) * (_POS_THRESH / (1.0 + _POS_THRESH))

    idx_row = lax.broadcasted_iota(jnp.int32, (1, _C), 1)
    gx = (idx_row % _W).astype(f32)
    gy = ((idx_row // _W) % _H).astype(f32)

    xy0 = xy_ref[0, 0:1, :]
    xy1 = xy_ref[0, 1:2, :]
    wh0 = wh_ref[0, 0:1, :]
    wh1 = wh_ref[0, 1:2, :]
    obj_r = obj_ref[0, 0:1, :]
    bw_row = brow_ref[0, 0:1, :]
    bh_row = brow_ref[0, 1:2, :]

    px = (gx + xy0) * (1.0 / _W)
    py = (gy + xy1) * (1.0 / _H)
    pw = jnp.exp(wh0) * bw_row
    ph = jnp.exp(wh1) * bh_row
    p_l = px - pw * 0.5
    p_r = px + pw * 0.5
    p_t = py - ph * 0.5
    p_b = py + ph * 0.5
    c0 = (pw * ph) * (_POS_THRESH / (1.0 + _POS_THRESH))

    l = jnp.maximum(p_l, tl)
    r = jnp.minimum(p_r, tr)
    t = jnp.maximum(p_t, tt)
    b = jnp.minimum(p_b, tb)
    inter = jnp.maximum(r - l, 0.0) * jnp.maximum(b - t, 0.0)
    over_f = (inter > (c0 + c1)).astype(f32)
    any_over = jnp.max(over_f, axis=0, keepdims=True) > 0.0
    tnoobj_ref[0, 0:1, :] = jnp.where(any_over, obj_r, 0.0)


def _sc_assign(B):
    f32 = jnp.float32
    mesh = plsc.VectorSubcoreMesh(core_axis_name="c", subcore_axis_name="s")
    n_tec = 32
    img_per_tec = B // n_tec
    assert img_per_tec == 2
    out_t = tuple(jax.ShapeDtypeStruct(s, f32) for s in
                  [(2 * B, _C), (2 * B, _C), (B, _C), (B, _C), (B, _C),
                   (B, _C)])
    scr = ([pltpu.VMEM((_C,), f32) for _ in range(16)] +
           [pltpu.VMEM((_NROW, 2 * _T - 28), f32) for _ in range(2)] +
           [pltpu.SemaphoreType.DMA for _ in range(3)])

    @functools.partial(
        pl.kernel, mesh=mesh, out_type=out_t, scratch_types=scr,
        compiler_params=pltpu.CompilerParams(needs_layout_passes=False))
    def k(xy2, wh2, obj1, noobj1, glc, tab3,
          o_xy, o_wh, o_g, o_obj, o_noobj, o_lab,
          a_x0, a_x1, a_w0, a_w1, a_obj, a_noobj, a_g, a_lab,
          b_x0, b_x1, b_w0, b_w1, b_obj, b_noobj, b_g, b_lab,
          a_tab, b_tab, sem_a, sem_b, sem_o):
        wid = lax.axis_index("s") * 2 + lax.axis_index("c")
        bufs = [
            (a_x0, a_x1, a_w0, a_w1, a_obj, a_noobj, a_g, a_lab, a_tab,
             sem_a),
            (b_x0, b_x1, b_w0, b_w1, b_obj, b_noobj, b_g, b_lab, b_tab,
             sem_b),
        ]

        def stage(j):
            bimg = wid * img_per_tec + j
            s_x0, s_x1, s_w0, s_w1, s_obj, s_noobj, s_g, s_lab, s_tab, sem = \
                bufs[j]
            cps = [
                pltpu.make_async_copy(xy2.at[2 * bimg], s_x0, sem),
                pltpu.make_async_copy(xy2.at[2 * bimg + 1], s_x1, sem),
                pltpu.make_async_copy(wh2.at[2 * bimg], s_w0, sem),
                pltpu.make_async_copy(wh2.at[2 * bimg + 1], s_w1, sem),
                pltpu.make_async_copy(obj1.at[bimg], s_obj, sem),
                pltpu.make_async_copy(noobj1.at[bimg], s_noobj, sem),
                pltpu.make_async_copy(glc.at[0], s_g, sem),
                pltpu.make_async_copy(glc.at[1], s_lab, sem),
                pltpu.make_async_copy(tab3.at[bimg], s_tab, sem),
            ]
            for c in cps:
                c.start()
            return cps

        def compute(j):
            s_x0, s_x1, s_w0, s_w1, s_obj, s_noobj, s_g, s_lab, s_tab, _ = \
                bufs[j]
            for v in range(2):
                sl = pl.ds(16 * v, 16)
                mi = s_tab[0, sl].astype(jnp.int32)
                mk = mi >= 0
                safe = jnp.maximum(mi, 0)
                tgx = s_tab[1, sl]
                tgy = s_tab[2, sl]
                tgw = s_tab[3, sl]
                tgh = s_tab[4, sl]
                wgt = s_tab[5, sl]
                tcl = s_tab[6, sl]
                txv = s_tab[7, sl]
                tyv = s_tab[8, sl]
                twv = s_tab[9, sl]
                thv = s_tab[10, sl]
                bwv = s_tab[11, sl]
                bhv = s_tab[12, sl]

                x0 = plsc.load_gather(s_x0, [safe])
                x1 = plsc.load_gather(s_x1, [safe])
                w0 = plsc.load_gather(s_w0, [safe])
                w1 = plsc.load_gather(s_w1, [safe])
                ov = plsc.load_gather(s_obj, [safe])

                gxv = (safe % 26).astype(f32)
                gyv = ((safe // 26) % 26).astype(f32)
                px = (gxv + x0) * (1.0 / _W)
                py = (gyv + x1) * (1.0 / _H)
                pw = jnp.exp(w0) * bwv * (1.0 / _W)
                ph = jnp.exp(w1) * bhv * (1.0 / _H)
                ll = jnp.maximum(px - pw * 0.5, txv - twv * 0.5)
                rr = jnp.minimum(px + pw * 0.5, txv + twv * 0.5)
                tt = jnp.maximum(py - ph * 0.5, tyv - thv * 0.5)
                bb = jnp.minimum(py + ph * 0.5, tyv + thv * 0.5)
                inter = (jnp.maximum(rr - ll, 0.0) *
                         jnp.maximum(bb - tt, 0.0))
                union = pw * ph + twv * thv - inter
                iou = jnp.where(union > 0,
                                inter / jnp.maximum(union, 1e-12), 0.0)

                plsc.store_scatter(s_x0, [safe], tgx, mask=mk)
                plsc.store_scatter(s_x1, [safe], tgy, mask=mk)
                plsc.store_scatter(s_w0, [safe], tgw, mask=mk)
                plsc.store_scatter(s_w1, [safe], tgh, mask=mk)
                plsc.store_scatter(s_g, [safe], wgt, mask=mk)
                plsc.store_scatter(s_obj, [safe], iou, mask=mk)
                plsc.store_scatter(s_noobj, [safe], ov, mask=mk)
                plsc.store_scatter(s_lab, [safe], tcl, mask=mk)

        def writeout(j):
            bimg = wid * img_per_tec + j
            s_x0, s_x1, s_w0, s_w1, s_obj, s_noobj, s_g, s_lab, _, _ = \
                bufs[j]
            ops = [
                pltpu.make_async_copy(s_x0, o_xy.at[2 * bimg], sem_o),
                pltpu.make_async_copy(s_x1, o_xy.at[2 * bimg + 1], sem_o),
                pltpu.make_async_copy(s_w0, o_wh.at[2 * bimg], sem_o),
                pltpu.make_async_copy(s_w1, o_wh.at[2 * bimg + 1], sem_o),
                pltpu.make_async_copy(s_g, o_g.at[bimg], sem_o),
                pltpu.make_async_copy(s_obj, o_obj.at[bimg], sem_o),
                pltpu.make_async_copy(s_noobj, o_noobj.at[bimg], sem_o),
                pltpu.make_async_copy(s_lab, o_lab.at[bimg], sem_o),
            ]
            for c in ops:
                c.start()
            return ops

        in0 = stage(0)
        in1 = stage(1)
        for c in in0:
            c.wait()
        compute(0)
        out0 = writeout(0)
        for c in in1:
            c.wait()
        compute(1)
        out1 = writeout(1)
        for c in out0:
            c.wait()
        for c in out1:
            c.wait()

    return k


def kernel(xy, wh, obj, truth, biases):
    B = xy.shape[0]
    f32 = jnp.float32
    xy_t = xy.reshape(B, _A, 2, _HW).transpose(0, 2, 1, 3).reshape(B, 2, _C)
    wh_t = wh.reshape(B, _A, 2, _HW).transpose(0, 2, 1, 3).reshape(B, 2, _C)
    obj_r = obj.reshape(B, 1, _C)
    bias_r = biases.reshape(1, 2 * _A)
    bi = biases.reshape(_A, 2)
    brow = jnp.stack([jnp.repeat(bi[:, 0] * (1.0 / _W), _HW),
                      jnp.repeat(bi[:, 1] * (1.0 / _H), _HW)], axis=0)
    brow = brow.reshape(1, 2, _C)

    tnoobj_base, table = pl.pallas_call(
        _tc_body,
        grid=(B,),
        in_specs=[
            pl.BlockSpec((1, 2, _C), lambda b: (b, 0, 0)),
            pl.BlockSpec((1, 2, _C), lambda b: (b, 0, 0)),
            pl.BlockSpec((1, 1, _C), lambda b: (b, 0, 0)),
            pl.BlockSpec((1, _T, 5), lambda b: (b, 0, 0)),
            pl.BlockSpec((1, 2 * _A), lambda b: (0, 0)),
            pl.BlockSpec((1, 2, _C), lambda b: (0, 0, 0)),
        ],
        out_specs=(
            pl.BlockSpec((1, 1, _C), lambda b: (b, 0, 0)),
            pl.BlockSpec((1, _NROW, 2 * _T - 28), lambda b: (b, 0, 0)),
        ),
        out_shape=(
            jax.ShapeDtypeStruct((B, 1, _C), f32),
            jax.ShapeDtypeStruct((B, _NROW, 2 * _T - 28), f32),
        ),
    )(xy_t, wh_t, obj_r, truth, bias_r, brow)

    glc = jnp.stack([jnp.zeros((_C,), f32), jnp.full((_C,), -1.0, f32)])
    xyo, who, g, tobj, tnoobj, tlabel = _sc_assign(B)(
        xy_t.reshape(2 * B, _C), wh_t.reshape(2 * B, _C),
        obj_r.reshape(B, _C), tnoobj_base.reshape(B, _C), glc, table)

    t_xy = xyo.reshape(B, 2, _A, _HW).transpose(0, 2, 1, 3).reshape(
        B, 2 * _A, _H, _W)
    t_wh = who.reshape(B, 2, _A, _HW).transpose(0, 2, 1, 3).reshape(
        B, 2 * _A, _H, _W)
    g4 = g.reshape(B, 1, _A, _HW)
    t_w = jnp.broadcast_to(g4, (B, 2, _A, _HW)).transpose(0, 2, 1, 3).reshape(
        B, 2 * _A, _H, _W)
    return (
        t_xy,
        t_wh,
        t_w,
        tobj.reshape(B, _A, _H, _W),
        tnoobj.reshape(B, _A, _H, _W),
        tlabel.reshape(B, _A, _H, _W),
    )

# --- scband reference (transcript-rebuilt; emitter-appended) ---
"""Pipeline reference for scband-region-target-55181739819592 (READ-ONLY COPY).

The authoritative reference and input builder live on the scoring server;
editing this copy changes nothing except your own understanding.
"""

import jax, jax.numpy as jnp
import numpy as np

BIASES = [1.3221, 1.73145, 3.19275, 4.00944, 5.05587, 8.09892, 9.47112, 4.84053, 11.2364, 10.0071]
COORD_SCALE = 1.0
POSITIVE_THRESH = 0.6
WARMUP = False  # seen_images=20000 >= anchor_aligned_images=12800
RESCORE = True

def setup_inputs(seed: int = 0):
    key = jax.random.key(seed)
    k1, k2, k3, k4 = jax.random.split(key, 4)
    B, A, H, W, T = 64, 5, 26, 26, 30
    xy = jax.random.uniform(k1, (B, 2 * A, H, W), dtype=jnp.float32)
    wh = jax.random.normal(k2, (B, 2 * A, H, W), dtype=jnp.float32)
    obj = jax.random.uniform(k3, (B, A, H, W), dtype=jnp.float32)
    truth = jax.random.uniform(k4, (B, T, 5), dtype=jnp.float32)
    biases = jnp.array(BIASES, dtype=jnp.float32)
    return {"xy": xy, "wh": wh, "obj": obj, "truth": truth, "biases": biases}

def _iou(cx1, cy1, w1, h1, cx2, cy2, w2, h2):
    l = jnp.maximum(cx1 - w1 * 0.5, cx2 - w2 * 0.5)
    r = jnp.minimum(cx1 + w1 * 0.5, cx2 + w2 * 0.5)
    t = jnp.maximum(cy1 - h1 * 0.5, cy2 - h2 * 0.5)
    b = jnp.minimum(cy1 + h1 * 0.5, cy2 + h2 * 0.5)
    inter = jnp.maximum(r - l, 0.0) * jnp.maximum(b - t, 0.0)
    union = w1 * h1 + w2 * h2 - inter
    return jnp.where(union > 0, inter / jnp.maximum(union, 1e-12), 0.0)

def _forward(xy, wh, obj, truth, biases):
    B, twoA, H, W = xy.shape
    A = twoA // 2
    T = truth.shape[1]
    bi = biases.reshape(A, 2)
    xy5 = xy.reshape(B, A, 2, H, W)
    wh5 = wh.reshape(B, A, 2, H, W)
    gx = jnp.arange(W, dtype=jnp.float32)
    gy = jnp.arange(H, dtype=jnp.float32)
    px = (gx[None, None, None, :] + xy5[:, :, 0]) / W
    py = (gy[None, None, :, None] + xy5[:, :, 1]) / H
    pw = jnp.exp(wh5[:, :, 0]) * bi[:, 0][None, :, None, None] / W
    ph = jnp.exp(wh5[:, :, 1]) * bi[:, 1][None, :, None, None] / H
    tx = truth[..., 0]; ty = truth[..., 1]; tw = truth[..., 2]; th = truth[..., 3]; tcls = truth[..., 4]
    valid = tw > 1e-6
    ious = _iou(px[..., None], py[..., None], pw[..., None], ph[..., None],
                tx[:, None, None, None, :], ty[:, None, None, None, :],
                tw[:, None, None, None, :], th[:, None, None, None, :])
    ious = jnp.where(valid[:, None, None, None, :], ious, 0.0)
    best_iou = jnp.max(ious, axis=-1)
    # anchors whose predicted box overlaps some truth above thresh get no noobj penalty (target = pred)
    t_o_noobj = jnp.where(best_iou > POSITIVE_THRESH, obj, 0.0)
    if WARMUP:
        t_xy5 = jnp.full_like(xy5, 0.5)
        t_wh5 = jnp.zeros_like(wh5)
        t_w5 = jnp.full_like(xy5, 0.01)
    else:
        t_xy5 = xy5
        t_wh5 = wh5
        t_w5 = jnp.zeros_like(xy5)
    t_o_obj = obj
    t_label = jnp.full((B, A, H, W), -1.0, dtype=jnp.float32)
    # per-truth assignment to best-matching anchor at the truth's cell
    ci = jnp.clip((tx * W).astype(jnp.int32), 0, W - 1)
    cj = jnp.clip((ty * H).astype(jnp.int32), 0, H - 1)
    twc = tw * W
    thc = th * H
    inter = jnp.minimum(twc[..., None], bi[:, 0][None, None, :]) * jnp.minimum(thc[..., None], bi[:, 1][None, None, :])
    union = twc[..., None] * thc[..., None] + (bi[:, 0] * bi[:, 1])[None, None, :] - inter
    ba = jnp.argmax(inter / jnp.maximum(union, 1e-12), axis=-1)
    bidx = jnp.broadcast_to(jnp.arange(B)[:, None], (B, T))
    tgt_x = tx * W - ci.astype(jnp.float32)
    tgt_y = ty * H - cj.astype(jnp.float32)
    bw = bi[ba, 0]
    bh = bi[ba, 1]
    tgt_w = jnp.log(jnp.maximum(twc, 1e-12) / bw)
    tgt_h = jnp.log(jnp.maximum(thc, 1e-12) / bh)
    wgt = COORD_SCALE * (2.0 - tw * th)
    def sset(arr, idx, vals):
        cur = arr[idx]
        return arr.at[idx].set(jnp.where(valid, vals, cur))
    zc = jnp.zeros_like(ba)
    oc = jnp.ones_like(ba)
    t_xy5 = sset(t_xy5, (bidx, ba, zc, cj, ci), tgt_x)
    t_xy5 = sset(t_xy5, (bidx, ba, oc, cj, ci), tgt_y)
    t_wh5 = sset(t_wh5, (bidx, ba, zc, cj, ci), tgt_w)
    t_wh5 = sset(t_wh5, (bidx, ba, oc, cj, ci), tgt_h)
    t_w5 = sset(t_w5, (bidx, ba, zc, cj, ci), wgt)
    t_w5 = sset(t_w5, (bidx, ba, oc, cj, ci), wgt)
    pred_iou = _iou(px[bidx, ba, cj, ci], py[bidx, ba, cj, ci], pw[bidx, ba, cj, ci], ph[bidx, ba, cj, ci], tx, ty, tw, th)
    obj_tgt = pred_iou if RESCORE else jnp.ones_like(pred_iou)
    t_o_obj = sset(t_o_obj, (bidx, ba, cj, ci), obj_tgt)
    t_o_noobj = sset(t_o_noobj, (bidx, ba, cj, ci), obj[bidx, ba, cj, ci])
    t_label = sset(t_label, (bidx, ba, cj, ci), tcls)
    return (t_xy5.reshape(B, twoA, H, W), t_wh5.reshape(B, twoA, H, W), t_w5.reshape(B, twoA, H, W), t_o_obj, t_o_noobj, t_label)

def reference(xy, wh, obj, truth, biases):
    return _forward(xy, wh, obj, truth, biases)

if __name__ == "__main__":
    import jax
    _d = setup_inputs()
    print(jax.jit(kernel)(*tuple(_d.values())))

</pallas_src>

<mosaic_0001>
#map = affine_map<(d0, d1) -> (0, 0)>
#map1 = affine_map<(d0, d1) -> (0, 0, 0)>
module attributes {stable_mosaic.version = 14 : i64} {
  func.func @k(%arg0: i32, %arg1: i32, %arg2: memref<128x3380xf32, #tpu.memory_space<hbm>>, %arg3: memref<128x3380xf32, #tpu.memory_space<hbm>>, %arg4: memref<64x3380xf32, #tpu.memory_space<hbm>>, %arg5: memref<64x3380xf32, #tpu.memory_space<hbm>>, %arg6: memref<2x3380xf32, #tpu.memory_space<hbm>>, %arg7: memref<64x16x32xf32, #tpu.memory_space<hbm>>, %arg8: memref<128x3380xf32, #tpu.memory_space<hbm>>, %arg9: memref<128x3380xf32, #tpu.memory_space<hbm>>, %arg10: memref<64x3380xf32, #tpu.memory_space<hbm>>, %arg11: memref<64x3380xf32, #tpu.memory_space<hbm>>, %arg12: memref<64x3380xf32, #tpu.memory_space<hbm>>, %arg13: memref<64x3380xf32, #tpu.memory_space<hbm>>, %arg14: memref<3380xf32, #tpu.memory_space<vmem>>, %arg15: memref<3380xf32, #tpu.memory_space<vmem>>, %arg16: memref<3380xf32, #tpu.memory_space<vmem>>, %arg17: memref<3380xf32, #tpu.memory_space<vmem>>, %arg18: memref<3380xf32, #tpu.memory_space<vmem>>, %arg19: memref<3380xf32, #tpu.memory_space<vmem>>, %arg20: memref<3380xf32, #tpu.memory_space<vmem>>, %arg21: memref<3380xf32, #tpu.memory_space<vmem>>, %arg22: memref<3380xf32, #tpu.memory_space<vmem>>, %arg23: memref<3380xf32, #tpu.memory_space<vmem>>, %arg24: memref<3380xf32, #tpu.memory_space<vmem>>, %arg25: memref<3380xf32, #tpu.memory_space<vmem>>, %arg26: memref<3380xf32, #tpu.memory_space<vmem>>, %arg27: memref<3380xf32, #tpu.memory_space<vmem>>, %arg28: memref<3380xf32, #tpu.memory_space<vmem>>, %arg29: memref<3380xf32, #tpu.memory_space<vmem>>, %arg30: memref<16x32xf32, #tpu.memory_space<vmem>>, %arg31: memref<16x32xf32, #tpu.memory_space<vmem>>, %arg32: memref<!tpu.dma_semaphore, #tpu.memory_space<semaphore_mem>>, %arg33: memref<!tpu.dma_semaphore, #tpu.memory_space<semaphore_mem>>, %arg34: memref<!tpu.dma_semaphore, #tpu.memory_space<semaphore_mem>>) attributes {dimension_semantics = [#tpu.dimension_semantics<core_parallel>, #tpu.dimension_semantics<subcore_parallel>], iteration_bounds = array<i64: 2, 16>, scalar_prefetch = 0 : i64, scratch_operands = 21 : i64, tpu.core_type = #tpu.core_type<sc_vector_subcore>, window_params = [{transform_indices = #map}, {transform_indices = #map}, {transform_indices = #map}, {transform_indices = #map}, {transform_indices = #map}, {transform_indices = #map1}, {transform_indices = #map}, {transform_indices = #map}, {transform_indices = #map}, {transform_indices = #map}, {transform_indices = #map}, {transform_indices = #map}]} {
    %mul3A = arith.constant 2 : i32
    %mul3A_0 = arith.muli %arg1, %mul3A : i32
    %add3A = arith.addi %mul3A_0, %arg0 : i32
    %mul3A_1 = arith.constant 2 : i32
    %mul3A_2 = arith.muli %add3A, %mul3A_1 : i32
    %add3A_3 = arith.constant 0 : i32
    %add3A_4 = arith.addi %mul3A_2, %add3A_3 : i32
    %mul3A_5 = arith.constant 2 : i32
    %mul3A_6 = arith.muli %mul3A_5, %add3A_4 : i32
    %mul3A_7 = arith.constant 2 : i32
    %mul3A_8 = arith.muli %mul3A_7, %add3A_4 : i32
    %add3A_9 = arith.constant 1 : i32
    %add3A_10 = arith.addi %mul3A_8, %add3A_9 : i32
    %mul3A_11 = arith.constant 2 : i32
    %mul3A_12 = arith.muli %mul3A_11, %add3A_4 : i32
    %mul3A_13 = arith.constant 2 : i32
    %mul3A_14 = arith.muli %mul3A_13, %add3A_4 : i32
    %add3A_15 = arith.constant 1 : i32
    %add3A_16 = arith.addi %mul3A_14, %add3A_15 : i32
    %dma_start3A = arith.constant 0 : i32
    %dma_start3A_17 = tpu.memref_slice %arg2[%mul3A_6, %dma_start3A] : memref<128x3380xf32, #tpu.memory_space<hbm>> -> memref<1x3380xf32, #tpu.memory_space<hbm>>
    %dma_start3A_18 = tpu.memref_squeeze %dma_start3A_17 : memref<1x3380xf32, #tpu.memory_space<hbm>> -> memref<3380xf32, #tpu.memory_space<hbm>>
    %dma_start3A_19 = arith.constant 0 : i32
    %dma_start3A_20 = tpu.memref_slice %arg2[%mul3A_6, %dma_start3A_19] : memref<128x3380xf32, #tpu.memory_space<hbm>> -> memref<1x3380xf32, #tpu.memory_space<hbm>>
    %dma_start3A_21 = tpu.memref_squeeze %dma_start3A_20 : memref<1x3380xf32, #tpu.memory_space<hbm>> -> memref<3380xf32, #tpu.memory_space<hbm>>
    tpu.enqueue_dma source(%dma_start3A_21 : memref<3380xf32, #tpu.memory_space<hbm>>) target(%arg14 : memref<3380xf32, #tpu.memory_space<vmem>>) target_semaphore(%arg32 : memref<!tpu.dma_semaphore, #tpu.memory_space<semaphore_mem>>)
    %dma_start3A_22 = arith.constant 0 : i32
    %dma_start3A_23 = tpu.memref_slice %arg2[%add3A_10, %dma_start3A_22] : memref<128x3380xf32, #tpu.memory_space<hbm>> -> memref<1x3380xf32, #tpu.memory_space<hbm>>
    %dma_start3A_24 = tpu.memref_squeeze %dma_start3A_23 : memref<1x3380xf32, #tpu.memory_space<hbm>> -> memref<3380xf32, #tpu.memory_space<hbm>>
    %dma_start3A_25 = arith.constant 0 : i32
    %dma_start3A_26 = tpu.memref_slice %arg2[%add3A_10, %dma_start3A_25] : memref<128x3380xf32, #tpu.memory_space<hbm>> -> memref<1x3380xf32, #tpu.memory_space<hbm>>
    %dma_start3A_27 = tpu.memref_squeeze %dma_start3A_26 : memref<1x3380xf32, #tpu.memory_space<hbm>> -> memref<3380xf32, #tpu.memory_space<hbm>>
    tpu.enqueue_dma source(%dma_start3A_27 : memref<3380xf32, #tpu.memory_space<hbm>>) target(%arg15 : memref<3380xf32, #tpu.memory_space<vmem>>) target_semaphore(%arg32 : memref<!tpu.dma_semaphore, #tpu.memory_space<semaphore_mem>>)
    %dma_start3A_28 = arith.constant 0 : i32
    %dma_start3A_29 = tpu.memref_slice %arg3[%mul3A_12, %dma_start3A_28] : memref<128x3380xf32, #tpu.memory_space<hbm>> -> memref<1x3380xf32, #tpu.memory_space<hbm>>
    %dma_start3A_30 = tpu.memref_squeeze %dma_start3A_29 : memref<1x3380xf32, #tpu.memory_space<hbm>> -> memref<3380xf32, #tpu.memory_space<hbm>>
    %dma_start3A_31 = arith.constant 0 : i32
    %dma_start3A_32 = tpu.memref_slice %arg3[%mul3A_12, %dma_start3A_31] : memref<128x3380xf32, #tpu.memory_space<hbm>> -> memref<1x3380xf32, #tpu.memory_space<hbm>>
    %dma_start3A_33 = tpu.memref_squeeze %dma_start3A_32 : memref<1x3380xf32, #tpu.memory_space<hbm>> -> memref<3380xf32, #tpu.memory_space<hbm>>
    tpu.enqueue_dma source(%dma_start3A_33 : memref<3380xf32, #tpu.memory_space<hbm>>) target(%arg16 : memref<3380xf32, #tpu.memory_space<vmem>>) target_semaphore(%arg32 : memref<!tpu.dma_semaphore, #tpu.memory_space<semaphore_mem>>)
    %dma_start3A_34 = arith.constant 0 : i32
    %dma_start3A_35 = tpu.memref_slice %arg3[%add3A_16, %dma_start3A_34] : memref<128x3380xf32, #tpu.memory_space<hbm>> -> memref<1x3380xf32, #tpu.memory_space<hbm>>
    %dma_start3A_36 = tpu.memref_squeeze %dma_start3A_35 : memref<1x3380xf32, #tpu.memory_space<hbm>> -> memref<3380xf32, #tpu.memory_space<hbm>>
    %dma_start3A_37 = arith.constant 0 : i32
    %dma_start3A_38 = tpu.memref_slice %arg3[%add3A_16, %dma_start3A_37] : memref<128x3380xf32, #tpu.memory_space<hbm>> -> memref<1x3380xf32, #tpu.memory_space<hbm>>
    %dma_start3A_39 = tpu.memref_squeeze %dma_start3A_38 : memref<1x3380xf32, #tpu.memory_space<hbm>> -> memref<3380xf32, #tpu.memory_space<hbm>>
    tpu.enqueue_dma source(%dma_start3A_39 : memref<3380xf32, #tpu.memory_space<hbm>>) target(%arg17 : memref<3380xf32, #tpu.memory_space<vmem>>) target_semaphore(%arg32 : memref<!tpu.dma_semaphore, #tpu.memory_space<semaphore_mem>>)
    %dma_start3A_40 = arith.constant 0 : i32
    %dma_start3A_41 = tpu.memref_slice %arg4[%add3A_4, %dma_start3A_40] : memref<64x3380xf32, #tpu.memory_space<hbm>> -> memref<1x3380xf32, #tpu.memory_space<hbm>>
    %dma_start3A_42 = tpu.memref_squeeze %dma_start3A_41 : memref<1x3380xf32, #tpu.memory_space<hbm>> -> memref<3380xf32, #tpu.memory_space<hbm>>
    %dma_start3A_43 = arith.constant 0 : i32
    %dma_start3A_44 = tpu.memref_slice %arg4[%add3A_4, %dma_start3A_43] : memref<64x3380xf32, #tpu.memory_space<hbm>> -> memref<1x3380xf32, #tpu.memory_space<hbm>>
    %dma_start3A_45 = tpu.memref_squeeze %dma_start3A_44 : memref<1x3380xf32, #tpu.memory_space<hbm>> -> memref<3380xf32, #tpu.memory_space<hbm>>
    tpu.enqueue_dma source(%dma_start3A_45 : memref<3380xf32, #tpu.memory_space<hbm>>) target(%arg18 : memref<3380xf32, #tpu.memory_space<vmem>>) target_semaphore(%arg32 : memref<!tpu.dma_semaphore, #tpu.memory_space<semaphore_mem>>)
    %dma_start3A_46 = arith.constant 0 : i32
    %dma_start3A_47 = tpu.memref_slice %arg5[%add3A_4, %dma_start3A_46] : memref<64x3380xf32, #tpu.memory_space<hbm>> -> memref<1x3380xf32, #tpu.memory_space<hbm>>
    %dma_start3A_48 = tpu.memref_squeeze %dma_start3A_47 : memref<1x3380xf32, #tpu.memory_space<hbm>> -> memref<3380xf32, #tpu.memory_space<hbm>>
    %dma_start3A_49 = arith.constant 0 : i32
    %dma_start3A_50 = tpu.memref_slice %arg5[%add3A_4, %dma_start3A_49] : memref<64x3380xf32, #tpu.memory_space<hbm>> -> memref<1x3380xf32, #tpu.memory_space<hbm>>
    %dma_start3A_51 = tpu.memref_squeeze %dma_start3A_50 : memref<1x3380xf32, #tpu.memory_space<hbm>> -> memref<3380xf32, #tpu.memory_space<hbm>>
    tpu.enqueue_dma source(%dma_start3A_51 : memref<3380xf32, #tpu.memory_space<hbm>>) target(%arg19 : memref<3380xf32, #tpu.memory_space<vmem>>) target_semaphore(%arg32 : memref<!tpu.dma_semaphore, #tpu.memory_space<semaphore_mem>>)
    %dma_start3A_52 = arith.constant 0 : i32
    %dma_start3A_53 = arith.constant 0 : i32
    %dma_start3A_54 = tpu.memref_slice %arg6[%dma_start3A_52, %dma_start3A_53] : memref<2x3380xf32, #tpu.memory_space<hbm>> -> memref<1x3380xf32, #tpu.memory_space<hbm>>
    %dma_start3A_55 = tpu.memref_squeeze %dma_start3A_54 : memref<1x3380xf32, #tpu.memory_space<hbm>> -> memref<3380xf32, #tpu.memory_space<hbm>>
    %dma_start3A_56 = arith.constant 0 : i32
    %dma_start3A_57 = tpu.memref_slice %arg6[%dma_start3A_52, %dma_start3A_56] : memref<2x3380xf32, #tpu.memory_space<hbm>> -> memref<1x3380xf32, #tpu.memory_space<hbm>>
    %dma_start3A_58 = tpu.memref_squeeze %dma_start3A_57 : memref<1x3380xf32, #tpu.memory_space<hbm>> -> memref<3380xf32, #tpu.memory_space<hbm>>
    tpu.enqueue_dma source(%dma_start3A_58 : memref<3380xf32, #tpu.memory_space<hbm>>) target(%arg20 : memref<3380xf32, #tpu.memory_space<vmem>>) target_semaphore(%arg32 : memref<!tpu.dma_semaphore, #tpu.memory_space<semaphore_mem>>)
    %dma_start3A_59 = arith.constant 1 : i32
    %dma_start3A_60 = arith.constant 0 : i32
    %dma_start3A_61 = tpu.memref_slice %arg6[%dma_start3A_59, %dma_start3A_60] : memref<2x3380xf32, #tpu.memory_space<hbm>> -> memref<1x3380xf32, #tpu.memory_space<hbm>>
    %dma_start3A_62 = tpu.memref_squeeze %dma_start3A_61 : memref<1x3380xf32, #tpu.memory_space<hbm>> -> memref<3380xf32, #tpu.memory_space<hbm>>
    %dma_start3A_63 = arith.constant 0 : i32
    %dma_start3A_64 = tpu.memref_slice %arg6[%dma_start3A_59, %dma_start3A_63] : memref<2x3380xf32, #tpu.memory_space<hbm>> -> memref<1x3380xf32, #tpu.memory_space<hbm>>
    %dma_start3A_65 = tpu.memref_squeeze %dma_start3A_64 : memref<1x3380xf32, #tpu.memory_space<hbm>> -> memref<3380xf32, #tpu.memory_space<hbm>>
    tpu.enqueue_dma source(%dma_start3A_65 : memref<3380xf32, #tpu.memory_space<hbm>>) target(%arg21 : memref<3380xf32, #tpu.memory_space<vmem>>) target_semaphore(%arg32 : memref<!tpu.dma_semaphore, #tpu.memory_space<semaphore_mem>>)
    %dma_start3A_66 = arith.constant 0 : i32
    %dma_start3A_67 = arith.constant 0 : i32
    %dma_start3A_68 = tpu.memref_slice %arg7[%add3A_4, %dma_start3A_66, %dma_start3A_67] : memref<64x16x32xf32, #tpu.memory_space<hbm>> -> memref<1x16x32xf32, #tpu.memory_space<hbm>>
    %dma_start3A_69 = tpu.memref_squeeze %dma_start3A_68 : memref<1x16x32xf32, #tpu.memory_space<hbm>> -> memref<16x32xf32, #tpu.memory_space<hbm>>
    %dma_start3A_70 = arith.constant 0 : i32
    %dma_start3A_71 = arith.constant 0 : i32
    %dma_start3A_72 = tpu.memref_slice %arg7[%add3A_4, %dma_start3A_70, %dma_start3A_71] : memref<64x16x32xf32, #tpu.memory_space<hbm>> -> memref<1x16x32xf32, #tpu.memory_space<hbm>>
    %dma_start3A_73 = tpu.memref_squeeze %dma_start3A_72 : memref<1x16x32xf32, #tpu.memory_space<hbm>> -> memref<16x32xf32, #tpu.memory_space<hbm>>
    tpu.enqueue_dma source(%dma_start3A_73 : memref<16x32xf32, #tpu.memory_space<hbm>>) target(%arg30 : memref<16x32xf32, #tpu.memory_space<vmem>>) target_semaphore(%arg32 : memref<!tpu.dma_semaphore, #tpu.memory_space<semaphore_mem>>)
    %mul3A_74 = arith.constant 2 : i32
    %mul3A_75 = arith.muli %add3A, %mul3A_74 : i32
    %add3A_76 = arith.constant 1 : i32
    %add3A_77 = arith.addi %mul3A_75, %add3A_76 : i32
    %mul3A_78 = arith.constant 2 : i32
    %mul3A_79 = arith.muli %mul3A_78, %add3A_77 : i32
    %mul3A_80 = arith.constant 2 : i32
    %mul3A_81 = arith.muli %mul3A_80, %add3A_77 : i32
    %add3A_82 = arith.constant 1 : i32
    %add3A_83 = arith.addi %mul3A_81, %add3A_82 : i32
    %mul3A_84 = arith.constant 2 : i32
    %mul3A_85 = arith.muli %mul3A_84, %add3A_77 : i32
    %mul3A_86 = arith.constant 2 : i32
    %mul3A_87 = arith.muli %mul3A_86, %add3A_77 : i32
    %add3A_88 = arith.constant 1 : i32
    %add3A_89 = arith.addi %mul3A_87, %add3A_88 : i32
    %dma_start3A_90 = arith.constant 0 : i32
    %dma_start3A_91 = tpu.memref_slice %arg2[%mul3A_79, %dma_start3A_90] : memref<128x3380xf32, #tpu.memory_space<hbm>> -> memref<1x3380xf32, #tpu.memory_space<hbm>>
    %dma_start3A_92 = tpu.memref_squeeze %dma_start3A_91 : memref<1x3380xf32, #tpu.memory_space<hbm>> -> memref<3380xf32, #tpu.memory_space<hbm>>
    %dma_start3A_93 = arith.constant 0 : i32
    %dma_start3A_94 = tpu.memref_slice %arg2[%mul3A_79, %dma_start3A_93] : memref<128x3380xf32, #tpu.memory_space<hbm>> -> memref<1x3380xf32, #tpu.memory_space<hbm>>
    %dma_start3A_95 = tpu.memref_squeeze %dma_start3A_94 : memref<1x3380xf32, #tpu.memory_space<hbm>> -> memref<3380xf32, #tpu.memory_space<hbm>>
    tpu.enqueue_dma source(%dma_start3A_95 : memref<3380xf32, #tpu.memory_space<hbm>>) target(%arg22 : memref<3380xf32, #tpu.memory_space<vmem>>) target_semaphore(%arg33 : memref<!tpu.dma_semaphore, #tpu.memory_space<semaphore_mem>>)
    %dma_start3A_96 = arith.constant 0 : i32
    %dma_start3A_97 = tpu.memref_slice %arg2[%add3A_83, %dma_start3A_96] : memref<128x3380xf32, #tpu.memory_space<hbm>> -> memref<1x3380xf32, #tpu.memory_space<hbm>>
    %dma_start3A_98 = tpu.memref_squeeze %dma_start3A_97 : memref<1x3380xf32, #tpu.memory_space<hbm>> -> memref<3380xf32, #tpu.memory_space<hbm>>
    %dma_start3A_99 = arith.constant 0 : i32
    %dma_start3A_100 = tpu.memref_slice %arg2[%add3A_83, %dma_start3A_99] : memref<128x3380xf32, #tpu.memory_space<hbm>> -> memref<1x3380xf32, #tpu.memory_space<hbm>>
    %dma_start3A_101 = tpu.memref_squeeze %dma_start3A_100 : memref<1x3380xf32, #tpu.memory_space<hbm>> -> memref<3380xf32, #tpu.memory_space<hbm>>
    tpu.enqueue_dma source(%dma_start3A_101 : memref<3380xf32, #tpu.memory_space<hbm>>) target(%arg23 : memref<3380xf32, #tpu.memory_space<vmem>>) target_semaphore(%arg33 : memref<!tpu.dma_semaphore, #tpu.memory_space<semaphore_mem>>)
    %dma_start3A_102 = arith.constant 0 : i32
    %dma_start3A_103 = tpu.memref_slice %arg3[%mul3A_85, %dma_start3A_102] : memref<128x3380xf32, #tpu.memory_space<hbm>> -> memref<1x3380xf32, #tpu.memory_space<hbm>>
    %dma_start3A_104 = tpu.memref_squeeze %dma_start3A_103 : memref<1x3380xf32, #tpu.memory_space<hbm>> -> memref<3380xf32, #tpu.memory_space<hbm>>
    %dma_start3A_105 = arith.constant 0 : i32
    %dma_start3A_106 = tpu.memref_slice %arg3[%mul3A_85, %dma_start3A_105] : memref<128x3380xf32, #tpu.memory_space<hbm>> -> memref<1x3380xf32, #tpu.memory_space<hbm>>
    %dma_start3A_107 = tpu.memref_squeeze %dma_start3A_106 : memref<1x3380xf32, #tpu.memory_space<hbm>> -> memref<3380xf32, #tpu.memory_space<hbm>>
    tpu.enqueue_dma source(%dma_start3A_107 : memref<3380xf32, #tpu.memory_space<hbm>>) target(%arg24 : memref<3380xf32, #tpu.memory_space<vmem>>) target_semaphore(%arg33 : memref<!tpu.dma_semaphore, #tpu.memory_space<semaphore_mem>>)
    %dma_start3A_108 = arith.constant 0 : i32
    %dma_start3A_109 = tpu.memref_slice %arg3[%add3A_89, %dma_start3A_108] : memref<128x3380xf32, #tpu.memory_space<hbm>> -> memref<1x3380xf32, #tpu.memory_space<hbm>>
    %dma_start3A_110 = tpu.memref_squeeze %dma_start3A_109 : memref<1x3380xf32, #tpu.memory_space<hbm>> -> memref<3380xf32, #tpu.memory_space<hbm>>
    %dma_start3A_111 = arith.constant 0 : i32
    %dma_start3A_112 = tpu.memref_slice %arg3[%add3A_89, %dma_start3A_111] : memref<128x3380xf32, #tpu.memory_space<hbm>> -> memref<1x3380xf32, #tpu.memory_space<hbm>>
    %dma_start3A_113 = tpu.memref_squeeze %dma_start3A_112 : memref<1x3380xf32, #tpu.memory_space<hbm>> -> memref<3380xf32, #tpu.memory_space<hbm>>
    tpu.enqueue_dma source(%dma_start3A_113 : memref<3380xf32, #tpu.memory_space<hbm>>) target(%arg25 : memref<3380xf32, #tpu.memory_space<vmem>>) target_semaphore(%arg33 : memref<!tpu.dma_semaphore, #tpu.memory_space<semaphore_mem>>)
    %dma_start3A_114 = arith.constant 0 : i32
    %dma_start3A_115 = tpu.memref_slice %arg4[%add3A_77, %dma_start3A_114] : memref<64x3380xf32, #tpu.memory_space<hbm>> -> memref<1x3380xf32, #tpu.memory_space<hbm>>
    %dma_start3A_116 = tpu.memref_squeeze %dma_start3A_115 : memref<1x3380xf32, #tpu.memory_space<hbm>> -> memref<3380xf32, #tpu.memory_space<hbm>>
    %dma_start3A_117 = arith.constant 0 : i32
    %dma_start3A_118 = tpu.memref_slice %arg4[%add3A_77, %dma_start3A_117] : memref<64x3380xf32, #tpu.memory_space<hbm>> -> memref<1x3380xf32, #tpu.memory_space<hbm>>
    %dma_start3A_119 = tpu.memref_squeeze %dma_start3A_118 : memref<1x3380xf32, #tpu.memory_space<hbm>> -> memref<3380xf32, #tpu.memory_space<hbm>>
    tpu.enqueue_dma source(%dma_start3A_119 : memref<3380xf32, #tpu.memory_space<hbm>>) target(%arg26 : memref<3380xf32, #tpu.memory_space<vmem>>) target_semaphore(%arg33 : memref<!tpu.dma_semaphore, #tpu.memory_space<semaphore_mem>>)
    %dma_start3A_120 = arith.constant 0 : i32
    %dma_start3A_121 = tpu.memref_slice %arg5[%add3A_77, %dma_start3A_120] : memref<64x3380xf32, #tpu.memory_space<hbm>> -> memref<1x3380xf32, #tpu.memory_space<hbm>>
    %dma_start3A_122 = tpu.memref_squeeze %dma_start3A_121 : memref<1x3380xf32, #tpu.memory_space<hbm>> -> memref<3380xf32, #tpu.memory_space<hbm>>
    %dma_start3A_123 = arith.constant 0 : i32
    %dma_start3A_124 = tpu.memref_slice %arg5[%add3A_77, %dma_start3A_123] : memref<64x3380xf32, #tpu.memory_space<hbm>> -> memref<1x3380xf32, #tpu.memory_space<hbm>>
    %dma_start3A_125 = tpu.memref_squeeze %dma_start3A_124 : memref<1x3380xf32, #tpu.memory_space<hbm>> -> memref<3380xf32, #tpu.memory_space<hbm>>
    tpu.enqueue_dma source(%dma_start3A_125 : memref<3380xf32, #tpu.memory_space<hbm>>) target(%arg27 : memref<3380xf32, #tpu.memory_space<vmem>>) target_semaphore(%arg33 : memref<!tpu.dma_semaphore, #tpu.memory_space<semaphore_mem>>)
    %dma_start3A_126 = arith.constant 0 : i32
    %dma_start3A_127 = arith.constant 0 : i32
    %dma_start3A_128 = tpu.memref_slice %arg6[%dma_start3A_126, %dma_start3A_127] : memref<2x3380xf32, #tpu.memory_space<hbm>> -> memref<1x3380xf32, #tpu.memory_space<hbm>>
    %dma_start3A_129 = tpu.memref_squeeze %dma_start3A_128 : memref<1x3380xf32, #tpu.memory_space<hbm>> -> memref<3380xf32, #tpu.memory_space<hbm>>
    %dma_start3A_130 = arith.constant 0 : i32
    %dma_start3A_131 = tpu.memref_slice %arg6[%dma_start3A_126, %dma_start3A_130] : memref<2x3380xf32, #tpu.memory_space<hbm>> -> memref<1x3380xf32, #tpu.memory_space<hbm>>
    %dma_start3A_132 = tpu.memref_squeeze %dma_start3A_131 : memref<1x3380xf32, #tpu.memory_space<hbm>> -> memref<3380xf32, #tpu.memory_space<hbm>>
    tpu.enqueue_dma source(%dma_start3A_132 : memref<3380xf32, #tpu.memory_space<hbm>>) target(%arg28 : memref<3380xf32, #tpu.memory_space<vmem>>) target_semaphore(%arg33 : memref<!tpu.dma_semaphore, #tpu.memory_space<semaphore_mem>>)
    %dma_start3A_133 = arith.constant 1 : i32
    %dma_start3A_134 = arith.constant 0 : i32
    %dma_start3A_135 = tpu.memref_slice %arg6[%dma_start3A_133, %dma_start3A_134] : memref<2x3380xf32, #tpu.memory_space<hbm>> -> memref<1x3380xf32, #tpu.memory_space<hbm>>
    %dma_start3A_136 = tpu.memref_squeeze %dma_start3A_135 : memref<1x3380xf32, #tpu.memory_space<hbm>> -> memref<3380xf32, #tpu.memory_space<hbm>>
    %dma_start3A_137 = arith.constant 0 : i32
    %dma_start3A_138 = tpu.memref_slice %arg6[%dma_start3A_133, %dma_start3A_137] : memref<2x3380xf32, #tpu.memory_space<hbm>> -> memref<1x3380xf32, #tpu.memory_space<hbm>>
    %dma_start3A_139 = tpu.memref_squeeze %dma_start3A_138 : memref<1x3380xf32, #tpu.memory_space<hbm>> -> memref<3380xf32, #tpu.memory_space<hbm>>
    tpu.enqueue_dma source(%dma_start3A_139 : memref<3380xf32, #tpu.memory_space<hbm>>) target(%arg29 : memref<3380xf32, #tpu.memory_space<vmem>>) target_semaphore(%arg33 : memref<!tpu.dma_semaphore, #tpu.memory_space<semaphore_mem>>)
    %dma_start3A_140 = arith.constant 0 : i32
    %dma_start3A_141 = arith.constant 0 : i32
    %dma_start3A_142 = tpu.memref_slice %arg7[%add3A_77, %dma_start3A_140, %dma_start3A_141] : memref<64x16x32xf32, #tpu.memory_space<hbm>> -> memref<1x16x32xf32, #tpu.memory_space<hbm>>
    %dma_start3A_143 = tpu.memref_squeeze %dma_start3A_142 : memref<1x16x32xf32, #tpu.memory_space<hbm>> -> memref<16x32xf32, #tpu.memory_space<hbm>>
    %dma_start3A_144 = arith.constant 0 : i32
    %dma_start3A_145 = arith.constant 0 : i32
    %dma_start3A_146 = tpu.memref_slice %arg7[%add3A_77, %dma_start3A_144, %dma_start3A_145] : memref<64x16x32xf32, #tpu.memory_space<hbm>> -> memref<1x16x32xf32, #tpu.memory_space<hbm>>
    %dma_start3A_147 = tpu.memref_squeeze %dma_start3A_146 : memref<1x16x32xf32, #tpu.memory_space<hbm>> -> memref<16x32xf32, #tpu.memory_space<hbm>>
    tpu.enqueue_dma source(%dma_start3A_147 : memref<16x32xf32, #tpu.memory_space<hbm>>) target(%arg31 : memref<16x32xf32, #tpu.memory_space<vmem>>) target_semaphore(%arg33 : memref<!tpu.dma_semaphore, #tpu.memory_space<semaphore_mem>>)
    %dma_wait3A = arith.constant 0 : i32
    %dma_wait3A_148 = tpu.memref_slice %arg2[%mul3A_6, %dma_wait3A] : memref<128x3380xf32, #tpu.memory_space<hbm>> -> memref<1x3380xf32, #tpu.memory_space<hbm>>
    %dma_wait3A_149 = tpu.memref_squeeze %dma_wait3A_148 : memref<1x3380xf32, #tpu.memory_space<hbm>> -> memref<3380xf32, #tpu.memory_space<hbm>>
    %dma_wait3A_150 = arith.constant 0 : i32
    %dma_wait3A_151 = tpu.memref_slice %arg2[%mul3A_6, %dma_wait3A_150] : memref<128x3380xf32, #tpu.memory_space<hbm>> -> memref<1x3380xf32, #tpu.memory_space<hbm>>
    %dma_wait3A_152 = tpu.memref_squeeze %dma_wait3A_151 : memref<1x3380xf32, #tpu.memory_space<hbm>> -> memref<3380xf32, #tpu.memory_space<hbm>>
    tpu.wait_dma2 semaphore(%arg32 : memref<!tpu.dma_semaphore, #tpu.memory_space<semaphore_mem>>) src(%dma_wait3A_152 : memref<3380xf32, #tpu.memory_space<hbm>>) dst(%arg14 : memref<3380xf32, #tpu.memory_space<vmem>>)
    %dma_wait3A_153 = arith.constant 0 : i32
    %dma_wait3A_154 = tpu.memref_slice %arg2[%add3A_10, %dma_wait3A_153] : memref<128x3380xf32, #tpu.memory_space<hbm>> -> memref<1x3380xf32, #tpu.memory_space<hbm>>
    %dma_wait3A_155 = tpu.memref_squeeze %dma_wait3A_154 : memref<1x3380xf32, #tpu.memory_space<hbm>> -> memref<3380xf32, #tpu.memory_space<hbm>>
    %dma_wait3A_156 = arith.constant 0 : i32
    %dma_wait3A_157 = tpu.memref_slice %arg2[%add3A_10, %dma_wait3A_156] : memref<128x3380xf32, #tpu.memory_space<hbm>> -> memref<1x3380xf32, #tpu.memory_space<hbm>>
    %dma_wait3A_158 = tpu.memref_squeeze %dma_wait3A_157 : memref<1x3380xf32, #tpu.memory_space<hbm>> -> memref<3380xf32, #tpu.memory_space<hbm>>
    tpu.wait_dma2 semaphore(%arg32 : memref<!tpu.dma_semaphore, #tpu.memory_space<semaphore_mem>>) src(%dma_wait3A_158 : memref<3380xf32, #tpu.memory_space<hbm>>) dst(%arg15 : memref<3380xf32, #tpu.memory_space<vmem>>)
    %dma_wait3A_159 = arith.constant 0 : i32
    %dma_wait3A_160 = tpu.memref_slice %arg3[%mul3A_12, %dma_wait3A_159] : memref<128x3380xf32, #tpu.memory_space<hbm>> -> memref<1x3380xf32, #tpu.memory_space<hbm>>
    %dma_wait3A_161 = tpu.memref_squeeze %dma_wait3A_160 : memref<1x3380xf32, #tpu.memory_space<hbm>> -> memref<3380xf32, #tpu.memory_space<hbm>>
    %dma_wait3A_162 = arith.constant 0 : i32
    %dma_wait3A_163 = tpu.memref_slice %arg3[%mul3A_12, %dma_wait3A_162] : memref<128x3380xf32, #tpu.memory_space<hbm>> -> memref<1x3380xf32, #tpu.memory_space<hbm>>
    %dma_wait3A_164 = tpu.memref_squeeze %dma_wait3A_163 : memref<1x3380xf32, #tpu.memory_space<hbm>> -> memref<3380xf32, #tpu.memory_space<hbm>>
    tpu.wait_dma2 semaphore(%arg32 : memref<!tpu.dma_semaphore, #tpu.memory_space<semaphore_mem>>) src(%dma_wait3A_164 : memref<3380xf32, #tpu.memory_space<hbm>>) dst(%arg16 : memref<3380xf32, #tpu.memory_space<vmem>>)
    %dma_wait3A_165 = arith.constant 0 : i32
    %dma_wait3A_166 = tpu.memref_slice %arg3[%add3A_16, %dma_wait3A_165] : memref<128x3380xf32, #tpu.memory_space<hbm>> -> memref<1x3380xf32, #tpu.memory_space<hbm>>
    %dma_wait3A_167 = tpu.memref_squeeze %dma_wait3A_166 : memref<1x3380xf32, #tpu.memory_space<hbm>> -> memref<3380xf32, #tpu.memory_space<hbm>>
    %dma_wait3A_168 = arith.constant 0 : i32
    %dma_wait3A_169 = tpu.memref_slice %arg3[%add3A_16, %dma_wait3A_168] : memref<128x3380xf32, #tpu.memory_space<hbm>> -> memref<1x3380xf32, #tpu.memory_space<hbm>>
    %dma_wait3A_170 = tpu.memref_squeeze %dma_wait3A_169 : memref<1x3380xf32, #tpu.memory_space<hbm>> -> memref<3380xf32, #tpu.memory_space<hbm>>
    tpu.wait_dma2 semaphore(%arg32 : memref<!tpu.dma_semaphore, #tpu.memory_space<semaphore_mem>>) src(%dma_wait3A_170 : memref<3380xf32, #tpu.memory_space<hbm>>) dst(%arg17 : memref<3380xf32, #tpu.memory_space<vmem>>)
    %dma_wait3A_171 = arith.constant 0 : i32
    %dma_wait3A_172 = tpu.memref_slice %arg4[%add3A_4, %dma_wait3A_171] : memref<64x3380xf32, #tpu.memory_space<hbm>> -> memref<1x3380xf32, #tpu.memory_space<hbm>>
    %dma_wait3A_173 = tpu.memref_squeeze %dma_wait3A_172 : memref<1x3380xf32, #tpu.memory_space<hbm>> -> memref<3380xf32, #tpu.memory_space<hbm>>
    %dma_wait3A_174 = arith.constant 0 : i32
    %dma_wait3A_175 = tpu.memref_slice %arg4[%add3A_4, %dma_wait3A_174] : memref<64x3380xf32, #tpu.memory_space<hbm>> -> memref<1x3380xf32, #tpu.memory_space<hbm>>
    %dma_wait3A_176 = tpu.memref_squeeze %dma_wait3A_175 : memref<1x3380xf32, #tpu.memory_space<hbm>> -> memref<3380xf32, #tpu.memory_space<hbm>>
    tpu.wait_dma2 semaphore(%arg32 : memref<!tpu.dma_semaphore, #tpu.memory_space<semaphore_mem>>) src(%dma_wait3A_176 : memref<3380xf32, #tpu.memory_space<hbm>>) dst(%arg18 : memref<3380xf32, #tpu.memory_space<vmem>>)
    %dma_wait3A_177 = arith.constant 0 : i32
    %dma_wait3A_178 = tpu.memref_slice %arg5[%add3A_4, %dma_wait3A_177] : memref<64x3380xf32, #tpu.memory_space<hbm>> -> memref<1x3380xf32, #tpu.memory_space<hbm>>
    %dma_wait3A_179 = tpu.memref_squeeze %dma_wait3A_178 : memref<1x3380xf32, #tpu.memory_space<hbm>> -> memref<3380xf32, #tpu.memory_space<hbm>>
    %dma_wait3A_180 = arith.constant 0 : i32
    %dma_wait3A_181 = tpu.memref_slice %arg5[%add3A_4, %dma_wait3A_180] : memref<64x3380xf32, #tpu.memory_space<hbm>> -> memref<1x3380xf32, #tpu.memory_space<hbm>>
    %dma_wait3A_182 = tpu.memref_squeeze %dma_wait3A_181 : memref<1x3380xf32, #tpu.memory_space<hbm>> -> memref<3380xf32, #tpu.memory_space<hbm>>
    tpu.wait_dma2 semaphore(%arg32 : memref<!tpu.dma_semaphore, #tpu.memory_space<semaphore_mem>>) src(%dma_wait3A_182 : memref<3380xf32, #tpu.memory_space<hbm>>) dst(%arg19 : memref<3380xf32, #tpu.memory_space<vmem>>)
    %dma_wait3A_183 = arith.constant 0 : i32
    %dma_wait3A_184 = arith.constant 0 : i32
    %dma_wait3A_185 = tpu.memref_slice %arg6[%dma_wait3A_183, %dma_wait3A_184] : memref<2x3380xf32, #tpu.memory_space<hbm>> -> memref<1x3380xf32, #tpu.memory_space<hbm>>
    %dma_wait3A_186 = tpu.memref_squeeze %dma_wait3A_185 : memref<1x3380xf32, #tpu.memory_space<hbm>> -> memref<3380xf32, #tpu.memory_space<hbm>>
    %dma_wait3A_187 = arith.constant 0 : i32
    %dma_wait3A_188 = tpu.memref_slice %arg6[%dma_wait3A_183, %dma_wait3A_187] : memref<2x3380xf32, #tpu.memory_space<hbm>> -> memref<1x3380xf32, #tpu.memory_space<hbm>>
    %dma_wait3A_189 = tpu.memref_squeeze %dma_wait3A_188 : memref<1x3380xf32, #tpu.memory_space<hbm>> -> memref<3380xf32, #tpu.memory_space<hbm>>
    tpu.wait_dma2 semaphore(%arg32 : memref<!tpu.dma_semaphore, #tpu.memory_space<semaphore_mem>>) src(%dma_wait3A_189 : memref<3380xf32, #tpu.memory_space<hbm>>) dst(%arg20 : memref<3380xf32, #tpu.memory_space<vmem>>)
    %dma_wait3A_190 = arith.constant 1 : i32
    %dma_wait3A_191 = arith.constant 0 : i32
    %dma_wait3A_192 = tpu.memref_slice %arg6[%dma_wait3A_190, %dma_wait3A_191] : memref<2x3380xf32, #tpu.memory_space<hbm>> -> memref<1x3380xf32, #tpu.memory_space<hbm>>
    %dma_wait3A_193 = tpu.memref_squeeze %dma_wait3A_192 : memref<1x3380xf32, #tpu.memory_space<hbm>> -> memref<3380xf32, #tpu.memory_space<hbm>>
    %dma_wait3A_194 = arith.constant 0 : i32
    %dma_wait3A_195 = tpu.memref_slice %arg6[%dma_wait3A_190, %dma_wait3A_194] : memref<2x3380xf32, #tpu.memory_space<hbm>> -> memref<1x3380xf32, #tpu.memory_space<hbm>>
    %dma_wait3A_196 = tpu.memref_squeeze %dma_wait3A_195 : memref<1x3380xf32, #tpu.memory_space<hbm>> -> memref<3380xf32, #tpu.memory_space<hbm>>
    tpu.wait_dma2 semaphore(%arg32 : memref<!tpu.dma_semaphore, #tpu.memory_space<semaphore_mem>>) src(%dma_wait3A_196 : memref<3380xf32, #tpu.memory_space<hbm>>) dst(%arg21 : memref<3380xf32, #tpu.memory_space<vmem>>)
    %dma_wait3A_197 = arith.constant 0 : i32
    %dma_wait3A_198 = arith.constant 0 : i32
    %dma_wait3A_199 = tpu.memref_slice %arg7[%add3A_4, %dma_wait3A_197, %dma_wait3A_198] : memref<64x16x32xf32, #tpu.memory_space<hbm>> -> memref<1x16x32xf32, #tpu.memory_space<hbm>>
    %dma_wait3A_200 = tpu.memref_squeeze %dma_wait3A_199 : memref<1x16x32xf32, #tpu.memory_space<hbm>> -> memref<16x32xf32, #tpu.memory_space<hbm>>
    %dma_wait3A_201 = arith.constant 0 : i32
    %dma_wait3A_202 = arith.constant 0 : i32
    %dma_wait3A_203 = tpu.memref_slice %arg7[%add3A_4, %dma_wait3A_201, %dma_wait3A_202] : memref<64x16x32xf32, #tpu.memory_space<hbm>> -> memref<1x16x32xf32, #tpu.memory_space<hbm>>
    %dma_wait3A_204 = tpu.memref_squeeze %dma_wait3A_203 : memref<1x16x32xf32, #tpu.memory_space<hbm>> -> memref<16x32xf32, #tpu.memory_space<hbm>>
    tpu.wait_dma2 semaphore(%arg32 : memref<!tpu.dma_semaphore, #tpu.memory_space<semaphore_mem>>) src(%dma_wait3A_204 : memref<16x32xf32, #tpu.memory_space<hbm>>) dst(%arg30 : memref<16x32xf32, #tpu.memory_space<vmem>>)
    %get3A = arith.constant 0 : i32
    %get3A_205 = arith.index_cast %get3A : i32 to index
    %get3A_206 = arith.constant 0 : index
    %get3A_207 = tpu.vector_load %arg30[%get3A_205, %get3A_206] {strides = array<i32>} : memref<16x32xf32, #tpu.memory_space<vmem>>, vector<16xf32>,
    %convert_element_type3A = arith.fptosi %get3A_207 : vector<16xf32> to vector<16xi32>
    %ge3A = arith.constant 0 : i32
    %ge3A_208 = vector.broadcast %ge3A : i32 to vector<16xi32>
    %ge3A_209 = arith.cmpi sge, %convert_element_type3A, %ge3A_208 : vector<16xi32>
    %max3A = arith.constant 0 : i32
    %max3A_210 = vector.broadcast %max3A : i32 to vector<16xi32>
    %max3A_211 = arith.maxsi %convert_element_type3A, %max3A_210 : vector<16xi32>
    %get3A_212 = arith.constant 1 : i32
    %get3A_213 = arith.index_cast %get3A_212 : i32 to index
    %get3A_214 = arith.constant 0 : index
    %get3A_215 = tpu.vector_load %arg30[%get3A_213, %get3A_214] {strides = array<i32>} : memref<16x32xf32, #tpu.memory_space<vmem>>, vector<16xf32>,
    %get3A_216 = arith.constant 2 : i32
    %get3A_217 = arith.index_cast %get3A_216 : i32 to index
    %get3A_218 = arith.constant 0 : index
    %get3A_219 = tpu.vector_load %arg30[%get3A_217, %get3A_218] {strides = array<i32>} : memref<16x32xf32, #tpu.memory_space<vmem>>, vector<16xf32>,
    %get3A_220 = arith.constant 3 : i32
    %get3A_221 = arith.index_cast %get3A_220 : i32 to index
    %get3A_222 = arith.constant 0 : index
    %get3A_223 = tpu.vector_load %arg30[%get3A_221, %get3A_222] {strides = array<i32>} : memref<16x32xf32, #tpu.memory_space<vmem>>, vector<16xf32>,
    %get3A_224 = arith.constant 4 : i32
    %get3A_225 = arith.index_cast %get3A_224 : i32 to index
    %get3A_226 = arith.constant 0 : index
    %get3A_227 = tpu.vector_load %arg30[%get3A_225, %get3A_226] {strides = array<i32>} : memref<16x32xf32, #tpu.memory_space<vmem>>, vector<16xf32>,
    %get3A_228 = arith.constant 5 : i32
    %get3A_229 = arith.index_cast %get3A_228 : i32 to index
    %get3A_230 = arith.constant 0 : index
    %get3A_231 = tpu.vector_load %arg30[%get3A_229, %get3A_230] {strides = array<i32>} : memref<16x32xf32, #tpu.memory_space<vmem>>, vector<16xf32>,
    %get3A_232 = arith.constant 6 : i32
    %get3A_233 = arith.index_cast %get3A_232 : i32 to index
    %get3A_234 = arith.constant 0 : index
    %get3A_235 = tpu.vector_load %arg30[%get3A_233, %get3A_234] {strides = array<i32>} : memref<16x32xf32, #tpu.memory_space<vmem>>, vector<16xf32>,
    %get3A_236 = arith.constant 7 : i32
    %get3A_237 = arith.index_cast %get3A_236 : i32 to index
    %get3A_238 = arith.constant 0 : index
    %get3A_239 = tpu.vector_load %arg30[%get3A_237, %get3A_238] {strides = array<i32>} : memref<16x32xf32, #tpu.memory_space<vmem>>, vector<16xf32>,
    %get3A_240 = arith.constant 8 : i32
    %get3A_241 = arith.index_cast %get3A_240 : i32 to index
    %get3A_242 = arith.constant 0 : index
    %get3A_243 = tpu.vector_load %arg30[%get3A_241, %get3A_242] {strides = array<i32>} : memref<16x32xf32, #tpu.memory_space<vmem>>, vector<16xf32>,
    %get3A_244 = arith.constant 9 : i32
    %get3A_245 = arith.index_cast %get3A_244 : i32 to index
    %get3A_246 = arith.constant 0 : index
    %get3A_247 = tpu.vector_load %arg30[%get3A_245, %get3A_246] {strides = array<i32>} : memref<16x32xf32, #tpu.memory_space<vmem>>, vector<16xf32>,
    %get3A_248 = arith.constant 10 : i32
    %get3A_249 = arith.index_cast %get3A_248 : i32 to index
    %get3A_250 = arith.constant 0 : index
    %get3A_251 = tpu.vector_load %arg30[%get3A_249, %get3A_250] {strides = array<i32>} : memref<16x32xf32, #tpu.memory_space<vmem>>, vector<16xf32>,
    %get3A_252 = arith.constant 11 : i32
    %get3A_253 = arith.index_cast %get3A_252 : i32 to index
    %get3A_254 = arith.constant 0 : index
    %get3A_255 = tpu.vector_load %arg30[%get3A_253, %get3A_254] {strides = array<i32>} : memref<16x32xf32, #tpu.memory_space<vmem>>, vector<16xf32>,
    %get3A_256 = arith.constant 12 : i32
    %get3A_257 = arith.index_cast %get3A_256 : i32 to index
    %get3A_258 = arith.constant 0 : index
    %get3A_259 = tpu.vector_load %arg30[%get3A_257, %get3A_258] {strides = array<i32>} : memref<16x32xf32, #tpu.memory_space<vmem>>, vector<16xf32>,
    %gather3A = tpu.vector_load_idx %arg14[%max3A_211] : memref<3380xf32, #tpu.memory_space<vmem>>[vector<16xi32>], vector<16xf32>,
    %gather3A_260 = tpu.vector_load_idx %arg15[%max3A_211] : memref<3380xf32, #tpu.memory_space<vmem>>[vector<16xi32>], vector<16xf32>,
    %gather3A_261 = tpu.vector_load_idx %arg16[%max3A_211] : memref<3380xf32, #tpu.memory_space<vmem>>[vector<16xi32>], vector<16xf32>,
    %gather3A_262 = tpu.vector_load_idx %arg17[%max3A_211] : memref<3380xf32, #tpu.memory_space<vmem>>[vector<16xi32>], vector<16xf32>,
    %gather3A_263 = tpu.vector_load_idx %arg18[%max3A_211] : memref<3380xf32, #tpu.memory_space<vmem>>[vector<16xi32>], vector<16xf32>,
    %jit3A = arith.constant 26 : i32
    %eq3A = arith.constant 0 : i32
    %eq3A_264 = arith.cmpi eq, %jit3A, %eq3A : i32
    %jit3A_265 = arith.constant 1 : i32
    %select_n3A = arith.select %eq3A_264, %jit3A_265, %jit3A : i32
    %rem3A = vector.broadcast %select_n3A : i32 to vector<16xi32>
    %rem3A_266 = arith.remsi %max3A_211, %rem3A : vector<16xi32>
    %ne3A = arith.constant 0 : i32
    %ne3A_267 = vector.broadcast %ne3A : i32 to vector<16xi32>
    %ne3A_268 = arith.cmpi ne, %rem3A_266, %ne3A_267 : vector<16xi32>
    %lt3A = arith.constant 0 : i32
    %lt3A_269 = vector.broadcast %lt3A : i32 to vector<16xi32>
    %lt3A_270 = arith.cmpi slt, %rem3A_266, %lt3A_269 : vector<16xi32>
    %lt3A_271 = arith.constant 0 : i32
    %lt3A_272 = arith.cmpi slt, %select_n3A, %lt3A_271 : i32
    %ne3A_273 = vector.broadcast %lt3A_272 : i1 to vector<16xi1>
    %ne3A_274 = vector.broadcast %ne3A_273 : vector<16xi1> to vector<16xi1>
    %ne3A_275 = arith.xori %lt3A_270, %ne3A_274 : vector<16xi1>
    %and3A = arith.andi %ne3A_275, %ne3A_268 : vector<16xi1>
    %add3A_276 = vector.broadcast %select_n3A : i32 to vector<16xi32>
    %add3A_277 = arith.addi %rem3A_266, %add3A_276 : vector<16xi32>
    %select_n3A_278 = arith.select %and3A, %add3A_277, %rem3A_266 : vector<16xi1>, vector<16xi32>
    %convert_element_type3A_279 = arith.sitofp %select_n3A_278 : vector<16xi32> to vector<16xf32>
    %jit3A_280 = arith.constant 26 : i32
    %div3A = vector.broadcast %jit3A_280 : i32 to vector<16xi32>
    %div3A_281 = arith.divsi %max3A_211, %div3A : vector<16xi32>
    %sign3A = arith.constant 0 : i32
    %sign3A_282 = vector.broadcast %sign3A : i32 to vector<16xi32>
    %sign3A_283 = arith.cmpi sgt, %max3A_211, %sign3A_282 : vector<16xi32>
    %sign3A_284 = arith.extui %sign3A_283 : vector<16xi1> to vector<16xi32>
    %sign3A_285 = arith.constant 0 : i32
    %sign3A_286 = vector.broadcast %sign3A_285 : i32 to vector<16xi32>
    %sign3A_287 = arith.cmpi slt, %max3A_211, %sign3A_286 : vector<16xi32>
    %sign3A_288 = arith.extui %sign3A_287 : vector<16xi1> to vector<16xi32>
    %sign3A_289 = arith.subi %sign3A_284, %sign3A_288 : vector<16xi32>
    %sign3A_290 = arith.constant 0 : i32
    %sign3A_291 = arith.cmpi sgt, %jit3A_280, %sign3A_290 : i32
    %sign3A_292 = arith.extui %sign3A_291 : i1 to i32
    %sign3A_293 = arith.constant 0 : i32
    %sign3A_294 = arith.cmpi slt, %jit3A_280, %sign3A_293 : i32
    %sign3A_295 = arith.extui %sign3A_294 : i1 to i32
    %sign3A_296 = arith.subi %sign3A_292, %sign3A_295 : i32
    %ne3A_297 = vector.broadcast %sign3A_296 : i32 to vector<16xi32>
    %ne3A_298 = arith.cmpi ne, %sign3A_289, %ne3A_297 : vector<16xi32>
    %rem3A_299 = vector.broadcast %jit3A_280 : i32 to vector<16xi32>
    %rem3A_300 = arith.remsi %max3A_211, %rem3A_299 : vector<16xi32>
    %ne3A_301 = arith.constant 0 : i32
    %ne3A_302 = vector.broadcast %ne3A_301 : i32 to vector<16xi32>
    %ne3A_303 = arith.cmpi ne, %rem3A_300, %ne3A_302 : vector<16xi32>
    %and3A_304 = arith.andi %ne3A_298, %ne3A_303 : vector<16xi1>
    %sub3A = arith.constant 1 : i32
    %sub3A_305 = vector.broadcast %sub3A : i32 to vector<16xi32>
    %sub3A_306 = arith.subi %div3A_281, %sub3A_305 : vector<16xi32>
    %select_n3A_307 = arith.select %and3A_304, %sub3A_306, %div3A_281 : vector<16xi1>, vector<16xi32>
    %jit3A_308 = arith.constant 26 : i32
    %eq3A_309 = arith.constant 0 : i32
    %eq3A_310 = arith.cmpi eq, %jit3A_308, %eq3A_309 : i32
    %jit3A_311 = arith.constant 1 : i32
    %select_n3A_312 = arith.select %eq3A_310, %jit3A_311, %jit3A_308 : i32
    %rem3A_313 = vector.broadcast %select_n3A_312 : i32 to vector<16xi32>
    %rem3A_314 = arith.remsi %select_n3A_307, %rem3A_313 : vector<16xi32>
    %ne3A_315 = arith.constant 0 : i32
    %ne3A_316 = vector.broadcast %ne3A_315 : i32 to vector<16xi32>
    %ne3A_317 = arith.cmpi ne, %rem3A_314, %ne3A_316 : vector<16xi32>
    %lt3A_318 = arith.constant 0 : i32
    %lt3A_319 = vector.broadcast %lt3A_318 : i32 to vector<16xi32>
    %lt3A_320 = arith.cmpi slt, %rem3A_314, %lt3A_319 : vector<16xi32>
    %lt3A_321 = arith.constant 0 : i32
    %lt3A_322 = arith.cmpi slt, %select_n3A_312, %lt3A_321 : i32
    %ne3A_323 = vector.broadcast %lt3A_322 : i1 to vector<16xi1>
    %ne3A_324 = vector.broadcast %ne3A_323 : vector<16xi1> to vector<16xi1>
    %ne3A_325 = arith.xori %lt3A_320, %ne3A_324 : vector<16xi1>
    %and3A_326 = arith.andi %ne3A_325, %ne3A_317 : vector<16xi1>
    %add3A_327 = vector.broadcast %select_n3A_312 : i32 to vector<16xi32>
    %add3A_328 = arith.addi %rem3A_314, %add3A_327 : vector<16xi32>
    %select_n3A_329 = arith.select %and3A_326, %add3A_328, %rem3A_314 : vector<16xi1>, vector<16xi32>
    %convert_element_type3A_330 = arith.sitofp %select_n3A_329 : vector<16xi32> to vector<16xf32>
    %add3A_331 = arith.addf %convert_element_type3A_279, %gather3A : vector<16xf32>
    %mul3A_332 = arith.constant 0.0384615399 : f32
    %mul3A_333 = vector.broadcast %mul3A_332 : f32 to vector<16xf32>
    %mul3A_334 = arith.mulf %add3A_331, %mul3A_333 : vector<16xf32>
    %add3A_335 = arith.addf %convert_element_type3A_330, %gather3A_260 : vector<16xf32>
    %mul3A_336 = arith.constant 0.0384615399 : f32
    %mul3A_337 = vector.broadcast %mul3A_336 : f32 to vector<16xf32>
    %mul3A_338 = arith.mulf %add3A_335, %mul3A_337 : vector<16xf32>
    %exp3A = math.exp %gather3A_261 : vector<16xf32>
    %mul3A_339 = arith.mulf %exp3A, %get3A_255 : vector<16xf32>
    %mul3A_340 = arith.constant 0.0384615399 : f32
    %mul3A_341 = vector.broadcast %mul3A_340 : f32 to vector<16xf32>
    %mul3A_342 = arith.mulf %mul3A_339, %mul3A_341 : vector<16xf32>
    %exp3A_343 = math.exp %gather3A_262 : vector<16xf32>
    %mul3A_344 = arith.mulf %exp3A_343, %get3A_259 : vector<16xf32>
    %mul3A_345 = arith.constant 0.0384615399 : f32
    %mul3A_346 = vector.broadcast %mul3A_345 : f32 to vector<16xf32>
    %mul3A_347 = arith.mulf %mul3A_344, %mul3A_346 : vector<16xf32>
    %mul3A_348 = arith.constant 5.000000e-01 : f32
    %mul3A_349 = vector.broadcast %mul3A_348 : f32 to vector<16xf32>
    %mul3A_350 = arith.mulf %mul3A_342, %mul3A_349 : vector<16xf32>
    %sub3A_351 = arith.subf %mul3A_334, %mul3A_350 : vector<16xf32>
    %mul3A_352 = arith.constant 5.000000e-01 : f32
    %mul3A_353 = vector.broadcast %mul3A_352 : f32 to vector<16xf32>
    %mul3A_354 = arith.mulf %get3A_247, %mul3A_353 : vector<16xf32>
    %sub3A_355 = arith.subf %get3A_239, %mul3A_354 : vector<16xf32>
    %max3A_356 = arith.maximumf %sub3A_351, %sub3A_355 : vector<16xf32>
    %mul3A_357 = arith.constant 5.000000e-01 : f32
    %mul3A_358 = vector.broadcast %mul3A_357 : f32 to vector<16xf32>
    %mul3A_359 = arith.mulf %mul3A_342, %mul3A_358 : vector<16xf32>
    %add3A_360 = arith.addf %mul3A_334, %mul3A_359 : vector<16xf32>
    %mul3A_361 = arith.constant 5.000000e-01 : f32
    %mul3A_362 = vector.broadcast %mul3A_361 : f32 to vector<16xf32>
    %mul3A_363 = arith.mulf %get3A_247, %mul3A_362 : vector<16xf32>
    %add3A_364 = arith.addf %get3A_239, %mul3A_363 : vector<16xf32>
    %min3A = arith.minimumf %add3A_360, %add3A_364 : vector<16xf32>
    %mul3A_365 = arith.constant 5.000000e-01 : f32
    %mul3A_366 = vector.broadcast %mul3A_365 : f32 to vector<16xf32>
    %mul3A_367 = arith.mulf %mul3A_347, %mul3A_366 : vector<16xf32>
    %sub3A_368 = arith.subf %mul3A_338, %mul3A_367 : vector<16xf32>
    %mul3A_369 = arith.constant 5.000000e-01 : f32
    %mul3A_370 = vector.broadcast %mul3A_369 : f32 to vector<16xf32>
    %mul3A_371 = arith.mulf %get3A_251, %mul3A_370 : vector<16xf32>
    %sub3A_372 = arith.subf %get3A_243, %mul3A_371 : vector<16xf32>
    %max3A_373 = arith.maximumf %sub3A_368, %sub3A_372 : vector<16xf32>
    %mul3A_374 = arith.constant 5.000000e-01 : f32
    %mul3A_375 = vector.broadcast %mul3A_374 : f32 to vector<16xf32>
    %mul3A_376 = arith.mulf %mul3A_347, %mul3A_375 : vector<16xf32>
    %add3A_377 = arith.addf %mul3A_338, %mul3A_376 : vector<16xf32>
    %mul3A_378 = arith.constant 5.000000e-01 : f32
    %mul3A_379 = vector.broadcast %mul3A_378 : f32 to vector<16xf32>
    %mul3A_380 = arith.mulf %get3A_251, %mul3A_379 : vector<16xf32>
    %add3A_381 = arith.addf %get3A_243, %mul3A_380 : vector<16xf32>
    %min3A_382 = arith.minimumf %add3A_377, %add3A_381 : vector<16xf32>
    %sub3A_383 = arith.subf %min3A, %max3A_356 : vector<16xf32>
    %max3A_384 = arith.constant 0.000000e+00 : f32
    %max3A_385 = vector.broadcast %max3A_384 : f32 to vector<16xf32>
    %max3A_386 = arith.maximumf %sub3A_383, %max3A_385 : vector<16xf32>
    %sub3A_387 = arith.subf %min3A_382, %max3A_373 : vector<16xf32>
    %max3A_388 = arith.constant 0.000000e+00 : f32
    %max3A_389 = vector.broadcast %max3A_388 : f32 to vector<16xf32>
    %max3A_390 = arith.maximumf %sub3A_387, %max3A_389 : vector<16xf32>
    %mul3A_391 = arith.mulf %max3A_386, %max3A_390 : vector<16xf32>
    %mul3A_392 = arith.mulf %mul3A_342, %mul3A_347 : vector<16xf32>
    %mul3A_393 = arith.mulf %get3A_247, %get3A_251 : vector<16xf32>
    %add3A_394 = arith.addf %mul3A_392, %mul3A_393 : vector<16xf32>
    %sub3A_395 = arith.subf %add3A_394, %mul3A_391 : vector<16xf32>
    %gt3A = arith.constant 0.000000e+00 : f32
    %gt3A_396 = vector.broadcast %gt3A : f32 to vector<16xf32>
    %gt3A_397 = arith.cmpf ogt, %sub3A_395, %gt3A_396 : vector<16xf32>
    %max3A_398 = arith.constant 9.99999996E-13 : f32
    %max3A_399 = vector.broadcast %max3A_398 : f32 to vector<16xf32>
    %max3A_400 = arith.maximumf %sub3A_395, %max3A_399 : vector<16xf32>
    %div3A_401 = arith.divf %mul3A_391, %max3A_400 : vector<16xf32>
    %jit3A_402 = arith.constant 0.000000e+00 : f32
    %broadcast_in_dim3A = vector.broadcast %jit3A_402 : f32 to vector<16xf32>
    %select_n3A_403 = arith.select %gt3A_397, %div3A_401, %broadcast_in_dim3A : vector<16xi1>, vector<16xf32>
    tpu.vector_store_idx %arg14[%max3A_211], %get3A_215 masked %ge3A_209 : memref<3380xf32, #tpu.memory_space<vmem>>[vector<16xi32>], vector<16xf32>, vector<16xi1>
    tpu.vector_store_idx %arg15[%max3A_211], %get3A_219 masked %ge3A_209 : memref<3380xf32, #tpu.memory_space<vmem>>[vector<16xi32>], vector<16xf32>, vector<16xi1>
    tpu.vector_store_idx %arg16[%max3A_211], %get3A_223 masked %ge3A_209 : memref<3380xf32, #tpu.memory_space<vmem>>[vector<16xi32>], vector<16xf32>, vector<16xi1>
    tpu.vector_store_idx %arg17[%max3A_211], %get3A_227 masked %ge3A_209 : memref<3380xf32, #tpu.memory_space<vmem>>[vector<16xi32>], vector<16xf32>, vector<16xi1>
    tpu.vector_store_idx %arg20[%max3A_211], %get3A_231 masked %ge3A_209 : memref<3380xf32, #tpu.memory_space<vmem>>[vector<16xi32>], vector<16xf32>, vector<16xi1>
    tpu.vector_store_idx %arg18[%max3A_211], %select_n3A_403 masked %ge3A_209 : memref<3380xf32, #tpu.memory_space<vmem>>[vector<16xi32>], vector<16xf32>, vector<16xi1>
    tpu.vector_store_idx %arg19[%max3A_211], %gather3A_263 masked %ge3A_209 : memref<3380xf32, #tpu.memory_space<vmem>>[vector<16xi32>], vector<16xf32>, vector<16xi1>
    tpu.vector_store_idx %arg21[%max3A_211], %get3A_235 masked %ge3A_209 : memref<3380xf32, #tpu.memory_space<vmem>>[vector<16xi32>], vector<16xf32>, vector<16xi1>
    %get3A_404 = arith.constant 0 : i32
    %get3A_405 = arith.index_cast %get3A_404 : i32 to index
    %get3A_406 = arith.constant 16 : index
    %get3A_407 = tpu.vector_load %arg30[%get3A_405, %get3A_406] {strides = array<i32>} : memref<16x32xf32, #tpu.memory_space<vmem>>, vector<16xf32>,
    %convert_element_type3A_408 = arith.fptosi %get3A_407 : vector<16xf32> to vector<16xi32>
    %ge3A_409 = arith.constant 0 : i32
    %ge3A_410 = vector.broadcast %ge3A_409 : i32 to vector<16xi32>
    %ge3A_411 = arith.cmpi sge, %convert_element_type3A_408, %ge3A_410 : vector<16xi32>
    %max3A_412 = arith.constant 0 : i32
    %max3A_413 = vector.broadcast %max3A_412 : i32 to vector<16xi32>
    %max3A_414 = arith.maxsi %convert_element_type3A_408, %max3A_413 : vector<16xi32>
    %get3A_415 = arith.constant 1 : i32
    %get3A_416 = arith.index_cast %get3A_415 : i32 to index
    %get3A_417 = arith.constant 16 : index
    %get3A_418 = tpu.vector_load %arg30[%get3A_416, %get3A_417] {strides = array<i32>} : memref<16x32xf32, #tpu.memory_space<vmem>>, vector<16xf32>,
    %get3A_419 = arith.constant 2 : i32
    %get3A_420 = arith.index_cast %get3A_419 : i32 to index
    %get3A_421 = arith.constant 16 : index
    %get3A_422 = tpu.vector_load %arg30[%get3A_420, %get3A_421] {strides = array<i32>} : memref<16x32xf32, #tpu.memory_space<vmem>>, vector<16xf32>,
    %get3A_423 = arith.constant 3 : i32
    %get3A_424 = arith.index_cast %get3A_423 : i32 to index
    %get3A_425 = arith.constant 16 : index
    %get3A_426 = tpu.vector_load %arg30[%get3A_424, %get3A_425] {strides = array<i32>} : memref<16x32xf32, #tpu.memory_space<vmem>>, vector<16xf32>,
    %get3A_427 = arith.constant 4 : i32
    %get3A_428 = arith.index_cast %get3A_427 : i32 to index
    %get3A_429 = arith.constant 16 : index
    %get3A_430 = tpu.vector_load %arg30[%get3A_428, %get3A_429] {strides = array<i32>} : memref<16x32xf32, #tpu.memory_space<vmem>>, vector<16xf32>,
    %get3A_431 = arith.constant 5 : i32
    %get3A_432 = arith.index_cast %get3A_431 : i32 to index
    %get3A_433 = arith.constant 16 : index
    %get3A_434 = tpu.vector_load %arg30[%get3A_432, %get3A_433] {strides = array<i32>} : memref<16x32xf32, #tpu.memory_space<vmem>>, vector<16xf32>,
    %get3A_435 = arith.constant 6 : i32
    %get3A_436 = arith.index_cast %get3A_435 : i32 to index
    %get3A_437 = arith.constant 16 : index
    %get3A_438 = tpu.vector_load %arg30[%get3A_436, %get3A_437] {strides = array<i32>} : memref<16x32xf32, #tpu.memory_space<vmem>>, vector<16xf32>,
    %get3A_439 = arith.constant 7 : i32
    %get3A_440 = arith.index_cast %get3A_439 : i32 to index
    %get3A_441 = arith.constant 16 : index
    %get3A_442 = tpu.vector_load %arg30[%get3A_440, %get3A_441] {strides = array<i32>} : memref<16x32xf32, #tpu.memory_space<vmem>>, vector<16xf32>,
    %get3A_443 = arith.constant 8 : i32
    %get3A_444 = arith.index_cast %get3A_443 : i32 to index
    %get3A_445 = arith.constant 16 : index
    %get3A_446 = tpu.vector_load %arg30[%get3A_444, %get3A_445] {strides = array<i32>} : memref<16x32xf32, #tpu.memory_space<vmem>>, vector<16xf32>,
    %get3A_447 = arith.constant 9 : i32
    %get3A_448 = arith.index_cast %get3A_447 : i32 to index
    %get3A_449 = arith.constant 16 : index
    %get3A_450 = tpu.vector_load %arg30[%get3A_448, %get3A_449] {strides = array<i32>} : memref<16x32xf32, #tpu.memory_space<vmem>>, vector<16xf32>,
    %get3A_451 = arith.constant 10 : i32
    %get3A_452 = arith.index_cast %get3A_451 : i32 to index
    %get3A_453 = arith.constant 16 : index
    %get3A_454 = tpu.vector_load %arg30[%get3A_452, %get3A_453] {strides = array<i32>} : memref<16x32xf32, #tpu.memory_space<vmem>>, vector<16xf32>,
    %get3A_455 = arith.constant 11 : i32
    %get3A_456 = arith.index_cast %get3A_455 : i32 to index
    %get3A_457 = arith.constant 16 : index
    %get3A_458 = tpu.vector_load %arg30[%get3A_456, %get3A_457] {strides = array<i32>} : memref<16x32xf32, #tpu.memory_space<vmem>>, vector<16xf32>,
    %get3A_459 = arith.constant 12 : i32
    %get3A_460 = arith.index_cast %get3A_459 : i32 to index
    %get3A_461 = arith.constant 16 : index
    %get3A_462 = tpu.vector_load %arg30[%get3A_460, %get3A_461] {strides = array<i32>} : memref<16x32xf32, #tpu.memory_space<vmem>>, vector<16xf32>,
    %gather3A_463 = tpu.vector_load_idx %arg14[%max3A_414] : memref<3380xf32, #tpu.memory_space<vmem>>[vector<16xi32>], vector<16xf32>,
    %gather3A_464 = tpu.vector_load_idx %arg15[%max3A_414] : memref<3380xf32, #tpu.memory_space<vmem>>[vector<16xi32>], vector<16xf32>,
    %gather3A_465 = tpu.vector_load_idx %arg16[%max3A_414] : memref<3380xf32, #tpu.memory_space<vmem>>[vector<16xi32>], vector<16xf32>,
    %gather3A_466 = tpu.vector_load_idx %arg17[%max3A_414] : memref<3380xf32, #tpu.memory_space<vmem>>[vector<16xi32>], vector<16xf32>,
    %gather3A_467 = tpu.vector_load_idx %arg18[%max3A_414] : memref<3380xf32, #tpu.memory_space<vmem>>[vector<16xi32>], vector<16xf32>,
    %jit3A_468 = arith.constant 26 : i32
    %eq3A_469 = arith.constant 0 : i32
    %eq3A_470 = arith.cmpi eq, %jit3A_468, %eq3A_469 : i32
    %jit3A_471 = arith.constant 1 : i32
    %select_n3A_472 = arith.select %eq3A_470, %jit3A_471, %jit3A_468 : i32
    %rem3A_473 = vector.broadcast %select_n3A_472 : i32 to vector<16xi32>
    %rem3A_474 = arith.remsi %max3A_414, %rem3A_473 : vector<16xi32>
    %ne3A_475 = arith.constant 0 : i32
    %ne3A_476 = vector.broadcast %ne3A_475 : i32 to vector<16xi32>
    %ne3A_477 = arith.cmpi ne, %rem3A_474, %ne3A_476 : vector<16xi32>
    %lt3A_478 = arith.constant 0 : i32
    %lt3A_479 = vector.broadcast %lt3A_478 : i32 to vector<16xi32>
    %lt3A_480 = arith.cmpi slt, %rem3A_474, %lt3A_479 : vector<16xi32>
    %lt3A_481 = arith.constant 0 : i32
    %lt3A_482 = arith.cmpi slt, %select_n3A_472, %lt3A_481 : i32
    %ne3A_483 = vector.broadcast %lt3A_482 : i1 to vector<16xi1>
    %ne3A_484 = vector.broadcast %ne3A_483 : vector<16xi1> to vector<16xi1>
    %ne3A_485 = arith.xori %lt3A_480, %ne3A_484 : vector<16xi1>
    %and3A_486 = arith.andi %ne3A_485, %ne3A_477 : vector<16xi1>
    %add3A_487 = vector.broadcast %select_n3A_472 : i32 to vector<16xi32>
    %add3A_488 = arith.addi %rem3A_474, %add3A_487 : vector<16xi32>
    %select_n3A_489 = arith.select %and3A_486, %add3A_488, %rem3A_474 : vector<16xi1>, vector<16xi32>
    %convert_element_type3A_490 = arith.sitofp %select_n3A_489 : vector<16xi32> to vector<16xf32>
    %jit3A_491 = arith.constant 26 : i32
    %div3A_492 = vector.broadcast %jit3A_491 : i32 to vector<16xi32>
    %div3A_493 = arith.divsi %max3A_414, %div3A_492 : vector<16xi32>
    %sign3A_494 = arith.constant 0 : i32
    %sign3A_495 = vector.broadcast %sign3A_494 : i32 to vector<16xi32>
    %sign3A_496 = arith.cmpi sgt, %max3A_414, %sign3A_495 : vector<16xi32>
    %sign3A_497 = arith.extui %sign3A_496 : vector<16xi1> to vector<16xi32>
    %sign3A_498 = arith.constant 0 : i32
    %sign3A_499 = vector.broadcast %sign3A_498 : i32 to vector<16xi32>
    %sign3A_500 = arith.cmpi slt, %max3A_414, %sign3A_499 : vector<16xi32>
    %sign3A_501 = arith.extui %sign3A_500 : vector<16xi1> to vector<16xi32>
    %sign3A_502 = arith.subi %sign3A_497, %sign3A_501 : vector<16xi32>
    %sign3A_503 = arith.constant 0 : i32
    %sign3A_504 = arith.cmpi sgt, %jit3A_491, %sign3A_503 : i32
    %sign3A_505 = arith.extui %sign3A_504 : i1 to i32
    %sign3A_506 = arith.constant 0 : i32
    %sign3A_507 = arith.cmpi slt, %jit3A_491, %sign3A_506 : i32
    %sign3A_508 = arith.extui %sign3A_507 : i1 to i32
    %sign3A_509 = arith.subi %sign3A_505, %sign3A_508 : i32
    %ne3A_510 = vector.broadcast %sign3A_509 : i32 to vector<16xi32>
    %ne3A_511 = arith.cmpi ne, %sign3A_502, %ne3A_510 : vector<16xi32>
    %rem3A_512 = vector.broadcast %jit3A_491 : i32 to vector<16xi32>
    %rem3A_513 = arith.remsi %max3A_414, %rem3A_512 : vector<16xi32>
    %ne3A_514 = arith.constant 0 : i32
    %ne3A_515 = vector.broadcast %ne3A_514 : i32 to vector<16xi32>
    %ne3A_516 = arith.cmpi ne, %rem3A_513, %ne3A_515 : vector<16xi32>
    %and3A_517 = arith.andi %ne3A_511, %ne3A_516 : vector<16xi1>
    %sub3A_518 = arith.constant 1 : i32
    %sub3A_519 = vector.broadcast %sub3A_518 : i32 to vector<16xi32>
    %sub3A_520 = arith.subi %div3A_493, %sub3A_519 : vector<16xi32>
    %select_n3A_521 = arith.select %and3A_517, %sub3A_520, %div3A_493 : vector<16xi1>, vector<16xi32>
    %jit3A_522 = arith.constant 26 : i32
    %eq3A_523 = arith.constant 0 : i32
    %eq3A_524 = arith.cmpi eq, %jit3A_522, %eq3A_523 : i32
    %jit3A_525 = arith.constant 1 : i32
    %select_n3A_526 = arith.select %eq3A_524, %jit3A_525, %jit3A_522 : i32
    %rem3A_527 = vector.broadcast %select_n3A_526 : i32 to vector<16xi32>
    %rem3A_528 = arith.remsi %select_n3A_521, %rem3A_527 : vector<16xi32>
    %ne3A_529 = arith.constant 0 : i32
    %ne3A_530 = vector.broadcast %ne3A_529 : i32 to vector<16xi32>
    %ne3A_531 = arith.cmpi ne, %rem3A_528, %ne3A_530 : vector<16xi32>
    %lt3A_532 = arith.constant 0 : i32
    %lt3A_533 = vector.broadcast %lt3A_532 : i32 to vector<16xi32>
    %lt3A_534 = arith.cmpi slt, %rem3A_528, %lt3A_533 : vector<16xi32>
    %lt3A_535 = arith.constant 0 : i32
    %lt3A_536 = arith.cmpi slt, %select_n3A_526, %lt3A_535 : i32
    %ne3A_537 = vector.broadcast %lt3A_536 : i1 to vector<16xi1>
    %ne3A_538 = vector.broadcast %ne3A_537 : vector<16xi1> to vector<16xi1>
    %ne3A_539 = arith.xori %lt3A_534, %ne3A_538 : vector<16xi1>
    %and3A_540 = arith.andi %ne3A_539, %ne3A_531 : vector<16xi1>
    %add3A_541 = vector.broadcast %select_n3A_526 : i32 to vector<16xi32>
    %add3A_542 = arith.addi %rem3A_528, %add3A_541 : vector<16xi32>
    %select_n3A_543 = arith.select %and3A_540, %add3A_542, %rem3A_528 : vector<16xi1>, vector<16xi32>
    %convert_element_type3A_544 = arith.sitofp %select_n3A_543 : vector<16xi32> to vector<16xf32>
    %add3A_545 = arith.addf %convert_element_type3A_490, %gather3A_463 : vector<16xf32>
    %mul3A_546 = arith.constant 0.0384615399 : f32
    %mul3A_547 = vector.broadcast %mul3A_546 : f32 to vector<16xf32>
    %mul3A_548 = arith.mulf %add3A_545, %mul3A_547 : vector<16xf32>
    %add3A_549 = arith.addf %convert_element_type3A_544, %gather3A_464 : vector<16xf32>
    %mul3A_550 = arith.constant 0.0384615399 : f32
    %mul3A_551 = vector.broadcast %mul3A_550 : f32 to vector<16xf32>
    %mul3A_552 = arith.mulf %add3A_549, %mul3A_551 : vector<16xf32>
    %exp3A_553 = math.exp %gather3A_465 : vector<16xf32>
    %mul3A_554 = arith.mulf %exp3A_553, %get3A_458 : vector<16xf32>
    %mul3A_555 = arith.constant 0.0384615399 : f32
    %mul3A_556 = vector.broadcast %mul3A_555 : f32 to vector<16xf32>
    %mul3A_557 = arith.mulf %mul3A_554, %mul3A_556 : vector<16xf32>
    %exp3A_558 = math.exp %gather3A_466 : vector<16xf32>
    %mul3A_559 = arith.mulf %exp3A_558, %get3A_462 : vector<16xf32>
    %mul3A_560 = arith.constant 0.0384615399 : f32
    %mul3A_561 = vector.broadcast %mul3A_560 : f32 to vector<16xf32>
    %mul3A_562 = arith.mulf %mul3A_559, %mul3A_561 : vector<16xf32>
    %mul3A_563 = arith.constant 5.000000e-01 : f32
    %mul3A_564 = vector.broadcast %mul3A_563 : f32 to vector<16xf32>
    %mul3A_565 = arith.mulf %mul3A_557, %mul3A_564 : vector<16xf32>
    %sub3A_566 = arith.subf %mul3A_548, %mul3A_565 : vector<16xf32>
    %mul3A_567 = arith.constant 5.000000e-01 : f32
    %mul3A_568 = vector.broadcast %mul3A_567 : f32 to vector<16xf32>
    %mul3A_569 = arith.mulf %get3A_450, %mul3A_568 : vector<16xf32>
    %sub3A_570 = arith.subf %get3A_442, %mul3A_569 : vector<16xf32>
    %max3A_571 = arith.maximumf %sub3A_566, %sub3A_570 : vector<16xf32>
    %mul3A_572 = arith.constant 5.000000e-01 : f32
    %mul3A_573 = vector.broadcast %mul3A_572 : f32 to vector<16xf32>
    %mul3A_574 = arith.mulf %mul3A_557, %mul3A_573 : vector<16xf32>
    %add3A_575 = arith.addf %mul3A_548, %mul3A_574 : vector<16xf32>
    %mul3A_576 = arith.constant 5.000000e-01 : f32
    %mul3A_577 = vector.broadcast %mul3A_576 : f32 to vector<16xf32>
    %mul3A_578 = arith.mulf %get3A_450, %mul3A_577 : vector<16xf32>
    %add3A_579 = arith.addf %get3A_442, %mul3A_578 : vector<16xf32>
    %min3A_580 = arith.minimumf %add3A_575, %add3A_579 : vector<16xf32>
    %mul3A_581 = arith.constant 5.000000e-01 : f32
    %mul3A_582 = vector.broadcast %mul3A_581 : f32 to vector<16xf32>
    %mul3A_583 = arith.mulf %mul3A_562, %mul3A_582 : vector<16xf32>
    %sub3A_584 = arith.subf %mul3A_552, %mul3A_583 : vector<16xf32>
    %mul3A_585 = arith.constant 5.000000e-01 : f32
    %mul3A_586 = vector.broadcast %mul3A_585 : f32 to vector<16xf32>
    %mul3A_587 = arith.mulf %get3A_454, %mul3A_586 : vector<16xf32>
    %sub3A_588 = arith.subf %get3A_446, %mul3A_587 : vector<16xf32>
    %max3A_589 = arith.maximumf %sub3A_584, %sub3A_588 : vector<16xf32>
    %mul3A_590 = arith.constant 5.000000e-01 : f32
    %mul3A_591 = vector.broadcast %mul3A_590 : f32 to vector<16xf32>
    %mul3A_592 = arith.mulf %mul3A_562, %mul3A_591 : vector<16xf32>
    %add3A_593 = arith.addf %mul3A_552, %mul3A_592 : vector<16xf32>
    %mul3A_594 = arith.constant 5.000000e-01 : f32
    %mul3A_595 = vector.broadcast %mul3A_594 : f32 to vector<16xf32>
    %mul3A_596 = arith.mulf %get3A_454, %mul3A_595 : vector<16xf32>
    %add3A_597 = arith.addf %get3A_446, %mul3A_596 : vector<16xf32>
    %min3A_598 = arith.minimumf %add3A_593, %add3A_597 : vector<16xf32>
    %sub3A_599 = arith.subf %min3A_580, %max3A_571 : vector<16xf32>
    %max3A_600 = arith.constant 0.000000e+00 : f32
    %max3A_601 = vector.broadcast %max3A_600 : f32 to vector<16xf32>
    %max3A_602 = arith.maximumf %sub3A_599, %max3A_601 : vector<16xf32>
    %sub3A_603 = arith.subf %min3A_598, %max3A_589 : vector<16xf32>
    %max3A_604 = arith.constant 0.000000e+00 : f32
    %max3A_605 = vector.broadcast %max3A_604 : f32 to vector<16xf32>
    %max3A_606 = arith.maximumf %sub3A_603, %max3A_605 : vector<16xf32>
    %mul3A_607 = arith.mulf %max3A_602, %max3A_606 : vector<16xf32>
    %mul3A_608 = arith.mulf %mul3A_557, %mul3A_562 : vector<16xf32>
    %mul3A_609 = arith.mulf %get3A_450, %get3A_454 : vector<16xf32>
    %add3A_610 = arith.addf %mul3A_608, %mul3A_609 : vector<16xf32>
    %sub3A_611 = arith.subf %add3A_610, %mul3A_607 : vector<16xf32>
    %gt3A_612 = arith.constant 0.000000e+00 : f32
    %gt3A_613 = vector.broadcast %gt3A_612 : f32 to vector<16xf32>
    %gt3A_614 = arith.cmpf ogt, %sub3A_611, %gt3A_613 : vector<16xf32>
    %max3A_615 = arith.constant 9.99999996E-13 : f32
    %max3A_616 = vector.broadcast %max3A_615 : f32 to vector<16xf32>
    %max3A_617 = arith.maximumf %sub3A_611, %max3A_616 : vector<16xf32>
    %div3A_618 = arith.divf %mul3A_607, %max3A_617 : vector<16xf32>
    %jit3A_619 = arith.constant 0.000000e+00 : f32
    %broadcast_in_dim3A_620 = vector.broadcast %jit3A_619 : f32 to vector<16xf32>
    %select_n3A_621 = arith.select %gt3A_614, %div3A_618, %broadcast_in_dim3A_620 : vector<16xi1>, vector<16xf32>
    tpu.vector_store_idx %arg14[%max3A_414], %get3A_418 masked %ge3A_411 : memref<3380xf32, #tpu.memory_space<vmem>>[vector<16xi32>], vector<16xf32>, vector<16xi1>
    tpu.vector_store_idx %arg15[%max3A_414], %get3A_422 masked %ge3A_411 : memref<3380xf32, #tpu.memory_space<vmem>>[vector<16xi32>], vector<16xf32>, vector<16xi1>
    tpu.vector_store_idx %arg16[%max3A_414], %get3A_426 masked %ge3A_411 : memref<3380xf32, #tpu.memory_space<vmem>>[vector<16xi32>], vector<16xf32>, vector<16xi1>
    tpu.vector_store_idx %arg17[%max3A_414], %get3A_430 masked %ge3A_411 : memref<3380xf32, #tpu.memory_space<vmem>>[vector<16xi32>], vector<16xf32>, vector<16xi1>
    tpu.vector_store_idx %arg20[%max3A_414], %get3A_434 masked %ge3A_411 : memref<3380xf32, #tpu.memory_space<vmem>>[vector<16xi32>], vector<16xf32>, vector<16xi1>
    tpu.vector_store_idx %arg18[%max3A_414], %select_n3A_621 masked %ge3A_411 : memref<3380xf32, #tpu.memory_space<vmem>>[vector<16xi32>], vector<16xf32>, vector<16xi1>
    tpu.vector_store_idx %arg19[%max3A_414], %gather3A_467 masked %ge3A_411 : memref<3380xf32, #tpu.memory_space<vmem>>[vector<16xi32>], vector<16xf32>, vector<16xi1>
    tpu.vector_store_idx %arg21[%max3A_414], %get3A_438 masked %ge3A_411 : memref<3380xf32, #tpu.memory_space<vmem>>[vector<16xi32>], vector<16xf32>, vector<16xi1>
    %mul3A_622 = arith.constant 2 : i32
    %mul3A_623 = arith.muli %add3A, %mul3A_622 : i32
    %add3A_624 = arith.constant 0 : i32
    %add3A_625 = arith.addi %mul3A_623, %add3A_624 : i32
    %mul3A_626 = arith.constant 2 : i32
    %mul3A_627 = arith.muli %mul3A_626, %add3A_625 : i32
    %mul3A_628 = arith.constant 2 : i32
    %mul3A_629 = arith.muli %mul3A_628, %add3A_625 : i32
    %add3A_630 = arith.constant 1 : i32
    %add3A_631 = arith.addi %mul3A_629, %add3A_630 : i32
    %mul3A_632 = arith.constant 2 : i32
    %mul3A_633 = arith.muli %mul3A_632, %add3A_625 : i32
    %mul3A_634 = arith.constant 2 : i32
    %mul3A_635 = arith.muli %mul3A_634, %add3A_625 : i32
    %add3A_636 = arith.constant 1 : i32
    %add3A_637 = arith.addi %mul3A_635, %add3A_636 : i32
    %dma_start3A_638 = arith.constant 0 : i32
    %dma_start3A_639 = tpu.memref_slice %arg8[%mul3A_627, %dma_start3A_638] : memref<128x3380xf32, #tpu.memory_space<hbm>> -> memref<1x3380xf32, #tpu.memory_space<hbm>>
    %dma_start3A_640 = tpu.memref_squeeze %dma_start3A_639 : memref<1x3380xf32, #tpu.memory_space<hbm>> -> memref<3380xf32, #tpu.memory_space<hbm>>
    %dma_start3A_641 = arith.constant 0 : i32
    %dma_start3A_642 = tpu.memref_slice %arg8[%mul3A_627, %dma_start3A_641] : memref<128x3380xf32, #tpu.memory_space<hbm>> -> memref<1x3380xf32, #tpu.memory_space<hbm>>
    %dma_start3A_643 = tpu.memref_squeeze %dma_start3A_642 : memref<1x3380xf32, #tpu.memory_space<hbm>> -> memref<3380xf32, #tpu.memory_space<hbm>>
    tpu.enqueue_dma source(%arg14 : memref<3380xf32, #tpu.memory_space<vmem>>) target(%dma_start3A_643 : memref<3380xf32, #tpu.memory_space<hbm>>) target_semaphore(%arg34 : memref<!tpu.dma_semaphore, #tpu.memory_space<semaphore_mem>>)
    %dma_start3A_644 = arith.constant 0 : i32
    %dma_start3A_645 = tpu.memref_slice %arg8[%add3A_631, %dma_start3A_644] : memref<128x3380xf32, #tpu.memory_space<hbm>> -> memref<1x3380xf32, #tpu.memory_space<hbm>>
    %dma_start3A_646 = tpu.memref_squeeze %dma_start3A_645 : memref<1x3380xf32, #tpu.memory_space<hbm>> -> memref<3380xf32, #tpu.memory_space<hbm>>
    %dma_start3A_647 = arith.constant 0 : i32
    %dma_start3A_648 = tpu.memref_slice %arg8[%add3A_631, %dma_start3A_647] : memref<128x3380xf32, #tpu.memory_space<hbm>> -> memref<1x3380xf32, #tpu.memory_space<hbm>>
    %dma_start3A_649 = tpu.memref_squeeze %dma_start3A_648 : memref<1x3380xf32, #tpu.memory_space<hbm>> -> memref<3380xf32, #tpu.memory_space<hbm>>
    tpu.enqueue_dma source(%arg15 : memref<3380xf32, #tpu.memory_space<vmem>>) target(%dma_start3A_649 : memref<3380xf32, #tpu.memory_space<hbm>>) target_semaphore(%arg34 : memref<!tpu.dma_semaphore, #tpu.memory_space<semaphore_mem>>)
    %dma_start3A_650 = arith.constant 0 : i32
    %dma_start3A_651 = tpu.memref_slice %arg9[%mul3A_633, %dma_start3A_650] : memref<128x3380xf32, #tpu.memory_space<hbm>> -> memref<1x3380xf32, #tpu.memory_space<hbm>>
    %dma_start3A_652 = tpu.memref_squeeze %dma_start3A_651 : memref<1x3380xf32, #tpu.memory_space<hbm>> -> memref<3380xf32, #tpu.memory_space<hbm>>
    %dma_start3A_653 = arith.constant 0 : i32
    %dma_start3A_654 = tpu.memref_slice %arg9[%mul3A_633, %dma_start3A_653] : memref<128x3380xf32, #tpu.memory_space<hbm>> -> memref<1x3380xf32, #tpu.memory_space<hbm>>
    %dma_start3A_655 = tpu.memref_squeeze %dma_start3A_654 : memref<1x3380xf32, #tpu.memory_space<hbm>> -> memref<3380xf32, #tpu.memory_space<hbm>>
    tpu.enqueue_dma source(%arg16 : memref<3380xf32, #tpu.memory_space<vmem>>) target(%dma_start3A_655 : memref<3380xf32, #tpu.memory_space<hbm>>) target_semaphore(%arg34 : memref<!tpu.dma_semaphore, #tpu.memory_space<semaphore_mem>>)
    %dma_start3A_656 = arith.constant 0 : i32
    %dma_start3A_657 = tpu.memref_slice %arg9[%add3A_637, %dma_start3A_656] : memref<128x3380xf32, #tpu.memory_space<hbm>> -> memref<1x3380xf32, #tpu.memory_space<hbm>>
    %dma_start3A_658 = tpu.memref_squeeze %dma_start3A_657 : memref<1x3380xf32, #tpu.memory_space<hbm>> -> memref<3380xf32, #tpu.memory_space<hbm>>
    %dma_start3A_659 = arith.constant 0 : i32
    %dma_start3A_660 = tpu.memref_slice %arg9[%add3A_637, %dma_start3A_659] : memref<128x3380xf32, #tpu.memory_space<hbm>> -> memref<1x3380xf32, #tpu.memory_space<hbm>>
    %dma_start3A_661 = tpu.memref_squeeze %dma_start3A_660 : memref<1x3380xf32, #tpu.memory_space<hbm>> -> memref<3380xf32, #tpu.memory_space<hbm>>
    tpu.enqueue_dma source(%arg17 : memref<3380xf32, #tpu.memory_space<vmem>>) target(%dma_start3A_661 : memref<3380xf32, #tpu.memory_space<hbm>>) target_semaphore(%arg34 : memref<!tpu.dma_semaphore, #tpu.memory_space<semaphore_mem>>)
    %dma_start3A_662 = arith.constant 0 : i32
    %dma_start3A_663 = tpu.memref_slice %arg10[%add3A_625, %dma_start3A_662] : memref<64x3380xf32, #tpu.memory_space<hbm>> -> memref<1x3380xf32, #tpu.memory_space<hbm>>
    %dma_start3A_664 = tpu.memref_squeeze %dma_start3A_663 : memref<1x3380xf32, #tpu.memory_space<hbm>> -> memref<3380xf32, #tpu.memory_space<hbm>>
    %dma_start3A_665 = arith.constant 0 : i32
    %dma_start3A_666 = tpu.memref_slice %arg10[%add3A_625, %dma_start3A_665] : memref<64x3380xf32, #tpu.memory_space<hbm>> -> memref<1x3380xf32, #tpu.memory_space<hbm>>
    %dma_start3A_667 = tpu.memref_squeeze %dma_start3A_666 : memref<1x3380xf32, #tpu.memory_space<hbm>> -> memref<3380xf32, #tpu.memory_space<hbm>>
    tpu.enqueue_dma source(%arg20 : memref<3380xf32, #tpu.memory_space<vmem>>) target(%dma_start3A_667 : memref<3380xf32, #tpu.memory_space<hbm>>) target_semaphore(%arg34 : memref<!tpu.dma_semaphore, #tpu.memory_space<semaphore_mem>>)
    %dma_start3A_668 = arith.constant 0 : i32
    %dma_start3A_669 = tpu.memref_slice %arg11[%add3A_625, %dma_start3A_668] : memref<64x3380xf32, #tpu.memory_space<hbm>> -> memref<1x3380xf32, #tpu.memory_space<hbm>>
    %dma_start3A_670 = tpu.memref_squeeze %dma_start3A_669 : memref<1x3380xf32, #tpu.memory_space<hbm>> -> memref<3380xf32, #tpu.memory_space<hbm>>
    %dma_start3A_671 = arith.constant 0 : i32
    %dma_start3A_672 = tpu.memref_slice %arg11[%add3A_625, %dma_start3A_671] : memref<64x3380xf32, #tpu.memory_space<hbm>> -> memref<1x3380xf32, #tpu.memory_space<hbm>>
    %dma_start3A_673 = tpu.memref_squeeze %dma_start3A_672 : memref<1x3380xf32, #tpu.memory_space<hbm>> -> memref<3380xf32, #tpu.memory_space<hbm>>
    tpu.enqueue_dma source(%arg18 : memref<3380xf32, #tpu.memory_space<vmem>>) target(%dma_start3A_673 : memref<3380xf32, #tpu.memory_space<hbm>>) target_semaphore(%arg34 : memref<!tpu.dma_semaphore, #tpu.memory_space<semaphore_mem>>)
    %dma_start3A_674 = arith.constant 0 : i32
    %dma_start3A_675 = tpu.memref_slice %arg12[%add3A_625, %dma_start3A_674] : memref<64x3380xf32, #tpu.memory_space<hbm>> -> memref<1x3380xf32, #tpu.memory_space<hbm>>
    %dma_start3A_676 = tpu.memref_squeeze %dma_start3A_675 : memref<1x3380xf32, #tpu.memory_space<hbm>> -> memref<3380xf32, #tpu.memory_space<hbm>>
    %dma_start3A_677 = arith.constant 0 : i32
    %dma_start3A_678 = tpu.memref_slice %arg12[%add3A_625, %dma_start3A_677] : memref<64x3380xf32, #tpu.memory_space<hbm>> -> memref<1x3380xf32, #tpu.memory_space<hbm>>
    %dma_start3A_679 = tpu.memref_squeeze %dma_start3A_678 : memref<1x3380xf32, #tpu.memory_space<hbm>> -> memref<3380xf32, #tpu.memory_space<hbm>>
    tpu.enqueue_dma source(%arg19 : memref<3380xf32, #tpu.memory_space<vmem>>) target(%dma_start3A_679 : memref<3380xf32, #tpu.memory_space<hbm>>) target_semaphore(%arg34 : memref<!tpu.dma_semaphore, #tpu.memory_space<semaphore_mem>>)
    %dma_start3A_680 = arith.constant 0 : i32
    %dma_start3A_681 = tpu.memref_slice %arg13[%add3A_625, %dma_start3A_680] : memref<64x3380xf32, #tpu.memory_space<hbm>> -> memref<1x3380xf32, #tpu.memory_space<hbm>>
    %dma_start3A_682 = tpu.memref_squeeze %dma_start3A_681 : memref<1x3380xf32, #tpu.memory_space<hbm>> -> memref<3380xf32, #tpu.memory_space<hbm>>
    %dma_start3A_683 = arith.constant 0 : i32
    %dma_start3A_684 = tpu.memref_slice %arg13[%add3A_625, %dma_start3A_683] : memref<64x3380xf32, #tpu.memory_space<hbm>> -> memref<1x3380xf32, #tpu.memory_space<hbm>>
    %dma_start3A_685 = tpu.memref_squeeze %dma_start3A_684 : memref<1x3380xf32, #tpu.memory_space<hbm>> -> memref<3380xf32, #tpu.memory_space<hbm>>
    tpu.enqueue_dma source(%arg21 : memref<3380xf32, #tpu.memory_space<vmem>>) target(%dma_start3A_685 : memref<3380xf32, #tpu.memory_space<hbm>>) target_semaphore(%arg34 : memref<!tpu.dma_semaphore, #tpu.memory_space<semaphore_mem>>)
    %dma_wait3A_686 = arith.constant 0 : i32
    %dma_wait3A_687 = tpu.memref_slice %arg2[%mul3A_79, %dma_wait3A_686] : memref<128x3380xf32, #tpu.memory_space<hbm>> -> memref<1x3380xf32, #tpu.memory_space<hbm>>
    %dma_wait3A_688 = tpu.memref_squeeze %dma_wait3A_687 : memref<1x3380xf32, #tpu.memory_space<hbm>> -> memref<3380xf32, #tpu.memory_space<hbm>>
    %dma_wait3A_689 = arith.constant 0 : i32
    %dma_wait3A_690 = tpu.memref_slice %arg2[%mul3A_79, %dma_wait3A_689] : memref<128x3380xf32, #tpu.memory_space<hbm>> -> memref<1x3380xf32, #tpu.memory_space<hbm>>
    %dma_wait3A_691 = tpu.memref_squeeze %dma_wait3A_690 : memref<1x3380xf32, #tpu.memory_space<hbm>> -> memref<3380xf32, #tpu.memory_space<hbm>>
    tpu.wait_dma2 semaphore(%arg33 : memref<!tpu.dma_semaphore, #tpu.memory_space<semaphore_mem>>) src(%dma_wait3A_691 : memref<3380xf32, #tpu.memory_space<hbm>>) dst(%arg22 : memref<3380xf32, #tpu.memory_space<vmem>>)
    %dma_wait3A_692 = arith.constant 0 : i32
    %dma_wait3A_693 = tpu.memref_slice %arg2[%add3A_83, %dma_wait3A_692] : memref<128x3380xf32, #tpu.memory_space<hbm>> -> memref<1x3380xf32, #tpu.memory_space<hbm>>
    %dma_wait3A_694 = tpu.memref_squeeze %dma_wait3A_693 : memref<1x3380xf32, #tpu.memory_space<hbm>> -> memref<3380xf32, #tpu.memory_space<hbm>>
    %dma_wait3A_695 = arith.constant 0 : i32
    %dma_wait3A_696 = tpu.memref_slice %arg2[%add3A_83, %dma_wait3A_695] : memref<128x3380xf32, #tpu.memory_space<hbm>> -> memref<1x3380xf32, #tpu.memory_space<hbm>>
    %dma_wait3A_697 = tpu.memref_squeeze %dma_wait3A_696 : memref<1x3380xf32, #tpu.memory_space<hbm>> -> memref<3380xf32, #tpu.memory_space<hbm>>
    tpu.wait_dma2 semaphore(%arg33 : memref<!tpu.dma_semaphore, #tpu.memory_space<semaphore_mem>>) src(%dma_wait3A_697 : memref<3380xf32, #tpu.memory_space<hbm>>) dst(%arg23 : memref<3380xf32, #tpu.memory_space<vmem>>)
    %dma_wait3A_698 = arith.constant 0 : i32
    %dma_wait3A_699 = tpu.memref_slice %arg3[%mul3A_85, %dma_wait3A_698] : memref<128x3380xf32, #tpu.memory_space<hbm>> -> memref<1x3380xf32, #tpu.memory_space<hbm>>
    %dma_wait3A_700 = tpu.memref_squeeze %dma_wait3A_699 : memref<1x3380xf32, #tpu.memory_space<hbm>> -> memref<3380xf32, #tpu.memory_space<hbm>>
    %dma_wait3A_701 = arith.constant 0 : i32
    %dma_wait3A_702 = tpu.memref_slice %arg3[%mul3A_85, %dma_wait3A_701] : memref<128x3380xf32, #tpu.memory_space<hbm>> -> memref<1x3380xf32, #tpu.memory_space<hbm>>
    %dma_wait3A_703 = tpu.memref_squeeze %dma_wait3A_702 : memref<1x3380xf32, #tpu.memory_space<hbm>> -> memref<3380xf32, #tpu.memory_space<hbm>>
    tpu.wait_dma2 semaphore(%arg33 : memref<!tpu.dma_semaphore, #tpu.memory_space<semaphore_mem>>) src(%dma_wait3A_703 : memref<3380xf32, #tpu.memory_space<hbm>>) dst(%arg24 : memref<3380xf32, #tpu.memory_space<vmem>>)
    %dma_wait3A_704 = arith.constant 0 : i32
    %dma_wait3A_705 = tpu.memref_slice %arg3[%add3A_89, %dma_wait3A_704] : memref<128x3380xf32, #tpu.memory_space<hbm>> -> memref<1x3380xf32, #tpu.memory_space<hbm>>
    %dma_wait3A_706 = tpu.memref_squeeze %dma_wait3A_705 : memref<1x3380xf32, #tpu.memory_space<hbm>> -> memref<3380xf32, #tpu.memory_space<hbm>>
    %dma_wait3A_707 = arith.constant 0 : i32
    %dma_wait3A_708 = tpu.memref_slice %arg3[%add3A_89, %dma_wait3A_707] : memref<128x3380xf32, #tpu.memory_space<hbm>> -> memref<1x3380xf32, #tpu.memory_space<hbm>>
    %dma_wait3A_709 = tpu.memref_squeeze %dma_wait3A_708 : memref<1x3380xf32, #tpu.memory_space<hbm>> -> memref<3380xf32, #tpu.memory_space<hbm>>
    tpu.wait_dma2 semaphore(%arg33 : memref<!tpu.dma_semaphore, #tpu.memory_space<semaphore_mem>>) src(%dma_wait3A_709 : memref<3380xf32, #tpu.memory_space<hbm>>) dst(%arg25 : memref<3380xf32, #tpu.memory_space<vmem>>)
    %dma_wait3A_710 = arith.constant 0 : i32
    %dma_wait3A_711 = tpu.memref_slice %arg4[%add3A_77, %dma_wait3A_710] : memref<64x3380xf32, #tpu.memory_space<hbm>> -> memref<1x3380xf32, #tpu.memory_space<hbm>>
    %dma_wait3A_712 = tpu.memref_squeeze %dma_wait3A_711 : memref<1x3380xf32, #tpu.memory_space<hbm>> -> memref<3380xf32, #tpu.memory_space<hbm>>
    %dma_wait3A_713 = arith.constant 0 : i32
    %dma_wait3A_714 = tpu.memref_slice %arg4[%add3A_77, %dma_wait3A_713] : memref<64x3380xf32, #tpu.memory_space<hbm>> -> memref<1x3380xf32, #tpu.memory_space<hbm>>
    %dma_wait3A_715 = tpu.memref_squeeze %dma_wait3A_714 : memref<1x3380xf32, #tpu.memory_space<hbm>> -> memref<3380xf32, #tpu.memory_space<hbm>>
    tpu.wait_dma2 semaphore(%arg33 : memref<!tpu.dma_semaphore, #tpu.memory_space<semaphore_mem>>) src(%dma_wait3A_715 : memref<3380xf32, #tpu.memory_space<hbm>>) dst(%arg26 : memref<3380xf32, #tpu.memory_space<vmem>>)
    %dma_wait3A_716 = arith.constant 0 : i32
    %dma_wait3A_717 = tpu.memref_slice %arg5[%add3A_77, %dma_wait3A_716] : memref<64x3380xf32, #tpu.memory_space<hbm>> -> memref<1x3380xf32, #tpu.memory_space<hbm>>
    %dma_wait3A_718 = tpu.memref_squeeze %dma_wait3A_717 : memref<1x3380xf32, #tpu.memory_space<hbm>> -> memref<3380xf32, #tpu.memory_space<hbm>>
    %dma_wait3A_719 = arith.constant 0 : i32
    %dma_wait3A_720 = tpu.memref_slice %arg5[%add3A_77, %dma_wait3A_719] : memref<64x3380xf32, #tpu.memory_space<hbm>> -> memref<1x3380xf32, #tpu.memory_space<hbm>>
    %dma_wait3A_721 = tpu.memref_squeeze %dma_wait3A_720 : memref<1x3380xf32, #tpu.memory_space<hbm>> -> memref<3380xf32, #tpu.memory_space<hbm>>
    tpu.wait_dma2 semaphore(%arg33 : memref<!tpu.dma_semaphore, #tpu.memory_space<semaphore_mem>>) src(%dma_wait3A_721 : memref<3380xf32, #tpu.memory_space<hbm>>) dst(%arg27 : memref<3380xf32, #tpu.memory_space<vmem>>)
    %dma_wait3A_722 = arith.constant 0 : i32
    %dma_wait3A_723 = arith.constant 0 : i32
    %dma_wait3A_724 = tpu.memref_slice %arg6[%dma_wait3A_722, %dma_wait3A_723] : memref<2x3380xf32, #tpu.memory_space<hbm>> -> memref<1x3380xf32, #tpu.memory_space<hbm>>
    %dma_wait3A_725 = tpu.memref_squeeze %dma_wait3A_724 : memref<1x3380xf32, #tpu.memory_space<hbm>> -> memref<3380xf32, #tpu.memory_space<hbm>>
    %dma_wait3A_726 = arith.constant 0 : i32
    %dma_wait3A_727 = tpu.memref_slice %arg6[%dma_wait3A_722, %dma_wait3A_726] : memref<2x3380xf32, #tpu.memory_space<hbm>> -> memref<1x3380xf32, #tpu.memory_space<hbm>>
    %dma_wait3A_728 = tpu.memref_squeeze %dma_wait3A_727 : memref<1x3380xf32, #tpu.memory_space<hbm>> -> memref<3380xf32, #tpu.memory_space<hbm>>
    tpu.wait_dma2 semaphore(%arg33 : memref<!tpu.dma_semaphore, #tpu.memory_space<semaphore_mem>>) src(%dma_wait3A_728 : memref<3380xf32, #tpu.memory_space<hbm>>) dst(%arg28 : memref<3380xf32, #tpu.memory_space<vmem>>)
    %dma_wait3A_729 = arith.constant 1 : i32
    %dma_wait3A_730 = arith.constant 0 : i32
    %dma_wait3A_731 = tpu.memref_slice %arg6[%dma_wait3A_729, %dma_wait3A_730] : memref<2x3380xf32, #tpu.memory_space<hbm>> -> memref<1x3380xf32, #tpu.memory_space<hbm>>
    %dma_wait3A_732 = tpu.memref_squeeze %dma_wait3A_731 : memref<1x3380xf32, #tpu.memory_space<hbm>> -> memref<3380xf32, #tpu.memory_space<hbm>>
    %dma_wait3A_733 = arith.constant 0 : i32
    %dma_wait3A_734 = tpu.memref_slice %arg6[%dma_wait3A_729, %dma_wait3A_733] : memref<2x3380xf32, #tpu.memory_space<hbm>> -> memref<1x3380xf32, #tpu.memory_space<hbm>>
    %dma_wait3A_735 = tpu.memref_squeeze %dma_wait3A_734 : memref<1x3380xf32, #tpu.memory_space<hbm>> -> memref<3380xf32, #tpu.memory_space<hbm>>
    tpu.wait_dma2 semaphore(%arg33 : memref<!tpu.dma_semaphore, #tpu.memory_space<semaphore_mem>>) src(%dma_wait3A_735 : memref<3380xf32, #tpu.memory_space<hbm>>) dst(%arg29 : memref<3380xf32, #tpu.memory_space<vmem>>)
    %dma_wait3A_736 = arith.constant 0 : i32
    %dma_wait3A_737 = arith.constant 0 : i32
    %dma_wait3A_738 = tpu.memref_slice %arg7[%add3A_77, %dma_wait3A_736, %dma_wait3A_737] : memref<64x16x32xf32, #tpu.memory_space<hbm>> -> memref<1x16x32xf32, #tpu.memory_space<hbm>>
    %dma_wait3A_739 = tpu.memref_squeeze %dma_wait3A_738 : memref<1x16x32xf32, #tpu.memory_space<hbm>> -> memref<16x32xf32, #tpu.memory_space<hbm>>
    %dma_wait3A_740 = arith.constant 0 : i32
    %dma_wait3A_741 = arith.constant 0 : i32
    %dma_wait3A_742 = tpu.memref_slice %arg7[%add3A_77, %dma_wait3A_740, %dma_wait3A_741] : memref<64x16x32xf32, #tpu.memory_space<hbm>> -> memref<1x16x32xf32, #tpu.memory_space<hbm>>
    %dma_wait3A_743 = tpu.memref_squeeze %dma_wait3A_742 : memref<1x16x32xf32, #tpu.memory_space<hbm>> -> memref<16x32xf32, #tpu.memory_space<hbm>>
    tpu.wait_dma2 semaphore(%arg33 : memref<!tpu.dma_semaphore, #tpu.memory_space<semaphore_mem>>) src(%dma_wait3A_743 : memref<16x32xf32, #tpu.memory_space<hbm>>) dst(%arg31 : memref<16x32xf32, #tpu.memory_space<vmem>>)
    %get3A_744 = arith.constant 0 : i32
    %get3A_745 = arith.index_cast %get3A_744 : i32 to index
    %get3A_746 = arith.constant 0 : index
    %get3A_747 = tpu.vector_load %arg31[%get3A_745, %get3A_746] {strides = array<i32>} : memref<16x32xf32, #tpu.memory_space<vmem>>, vector<16xf32>,
    %convert_element_type3A_748 = arith.fptosi %get3A_747 : vector<16xf32> to vector<16xi32>
    %ge3A_749 = arith.constant 0 : i32
    %ge3A_750 = vector.broadcast %ge3A_749 : i32 to vector<16xi32>
    %ge3A_751 = arith.cmpi sge, %convert_element_type3A_748, %ge3A_750 : vector<16xi32>
    %max3A_752 = arith.constant 0 : i32
    %max3A_753 = vector.broadcast %max3A_752 : i32 to vector<16xi32>
    %max3A_754 = arith.maxsi %convert_element_type3A_748, %max3A_753 : vector<16xi32>
    %get3A_755 = arith.constant 1 : i32
    %get3A_756 = arith.index_cast %get3A_755 : i32 to index
    %get3A_757 = arith.constant 0 : index
    %get3A_758 = tpu.vector_load %arg31[%get3A_756, %get3A_757] {strides = array<i32>} : memref<16x32xf32, #tpu.memory_space<vmem>>, vector<16xf32>,
    %get3A_759 = arith.constant 2 : i32
    %get3A_760 = arith.index_cast %get3A_759 : i32 to index
    %get3A_761 = arith.constant 0 : index
    %get3A_762 = tpu.vector_load %arg31[%get3A_760, %get3A_761] {strides = array<i32>} : memref<16x32xf32, #tpu.memory_space<vmem>>, vector<16xf32>,
    %get3A_763 = arith.constant 3 : i32
    %get3A_764 = arith.index_cast %get3A_763 : i32 to index
    %get3A_765 = arith.constant 0 : index
    %get3A_766 = tpu.vector_load %arg31[%get3A_764, %get3A_765] {strides = array<i32>} : memref<16x32xf32, #tpu.memory_space<vmem>>, vector<16xf32>,
    %get3A_767 = arith.constant 4 : i32
    %get3A_768 = arith.index_cast %get3A_767 : i32 to index
    %get3A_769 = arith.constant 0 : index
    %get3A_770 = tpu.vector_load %arg31[%get3A_768, %get3A_769] {strides = array<i32>} : memref<16x32xf32, #tpu.memory_space<vmem>>, vector<16xf32>,
    %get3A_771 = arith.constant 5 : i32
    %get3A_772 = arith.index_cast %get3A_771 : i32 to index
    %get3A_773 = arith.constant 0 : index
    %get3A_774 = tpu.vector_load %arg31[%get3A_772, %get3A_773] {strides = array<i32>} : memref<16x32xf32, #tpu.memory_space<vmem>>, vector<16xf32>,
    %get3A_775 = arith.constant 6 : i32
    %get3A_776 = arith.index_cast %get3A_775 : i32 to index
    %get3A_777 = arith.constant 0 : index
    %get3A_778 = tpu.vector_load %arg31[%get3A_776, %get3A_777] {strides = array<i32>} : memref<16x32xf32, #tpu.memory_space<vmem>>, vector<16xf32>,
    %get3A_779 = arith.constant 7 : i32
    %get3A_780 = arith.index_cast %get3A_779 : i32 to index
    %get3A_781 = arith.constant 0 : index
    %get3A_782 = tpu.vector_load %arg31[%get3A_780, %get3A_781] {strides = array<i32>} : memref<16x32xf32, #tpu.memory_space<vmem>>, vector<16xf32>,
    %get3A_783 = arith.constant 8 : i32
    %get3A_784 = arith.index_cast %get3A_783 : i32 to index
    %get3A_785 = arith.constant 0 : index
    %get3A_786 = tpu.vector_load %arg31[%get3A_784, %get3A_785] {strides = array<i32>} : memref<16x32xf32, #tpu.memory_space<vmem>>, vector<16xf32>,
    %get3A_787 = arith.constant 9 : i32
    %get3A_788 = arith.index_cast %get3A_787 : i32 to index
    %get3A_789 = arith.constant 0 : index
    %get3A_790 = tpu.vector_load %arg31[%get3A_788, %get3A_789] {strides = array<i32>} : memref<16x32xf32, #tpu.memory_space<vmem>>, vector<16xf32>,
    %get3A_791 = arith.constant 10 : i32
    %get3A_792 = arith.index_cast %get3A_791 : i32 to index
    %get3A_793 = arith.constant 0 : index
    %get3A_794 = tpu.vector_load %arg31[%get3A_792, %get3A_793] {strides = array<i32>} : memref<16x32xf32, #tpu.memory_space<vmem>>, vector<16xf32>,
    %get3A_795 = arith.constant 11 : i32
    %get3A_796 = arith.index_cast %get3A_795 : i32 to index
    %get3A_797 = arith.constant 0 : index
    %get3A_798 = tpu.vector_load %arg31[%get3A_796, %get3A_797] {strides = array<i32>} : memref<16x32xf32, #tpu.memory_space<vmem>>, vector<16xf32>,
    %get3A_799 = arith.constant 12 : i32
    %get3A_800 = arith.index_cast %get3A_799 : i32 to index
    %get3A_801 = arith.constant 0 : index
    %get3A_802 = tpu.vector_load %arg31[%get3A_800, %get3A_801] {strides = array<i32>} : memref<16x32xf32, #tpu.memory_space<vmem>>, vector<16xf32>,
    %gather3A_803 = tpu.vector_load_idx %arg22[%max3A_754] : memref<3380xf32, #tpu.memory_space<vmem>>[vector<16xi32>], vector<16xf32>,
    %gather3A_804 = tpu.vector_load_idx %arg23[%max3A_754] : memref<3380xf32, #tpu.memory_space<vmem>>[vector<16xi32>], vector<16xf32>,
    %gather3A_805 = tpu.vector_load_idx %arg24[%max3A_754] : memref<3380xf32, #tpu.memory_space<vmem>>[vector<16xi32>], vector<16xf32>,
    %gather3A_806 = tpu.vector_load_idx %arg25[%max3A_754] : memref<3380xf32, #tpu.memory_space<vmem>>[vector<16xi32>], vector<16xf32>,
    %gather3A_807 = tpu.vector_load_idx %arg26[%max3A_754] : memref<3380xf32, #tpu.memory_space<vmem>>[vector<16xi32>], vector<16xf32>,
    %jit3A_808 = arith.constant 26 : i32
    %eq3A_809 = arith.constant 0 : i32
    %eq3A_810 = arith.cmpi eq, %jit3A_808, %eq3A_809 : i32
    %jit3A_811 = arith.constant 1 : i32
    %select_n3A_812 = arith.select %eq3A_810, %jit3A_811, %jit3A_808 : i32
    %rem3A_813 = vector.broadcast %select_n3A_812 : i32 to vector<16xi32>
    %rem3A_814 = arith.remsi %max3A_754, %rem3A_813 : vector<16xi32>
    %ne3A_815 = arith.constant 0 : i32
    %ne3A_816 = vector.broadcast %ne3A_815 : i32 to vector<16xi32>
    %ne3A_817 = arith.cmpi ne, %rem3A_814, %ne3A_816 : vector<16xi32>
    %lt3A_818 = arith.constant 0 : i32
    %lt3A_819 = vector.broadcast %lt3A_818 : i32 to vector<16xi32>
    %lt3A_820 = arith.cmpi slt, %rem3A_814, %lt3A_819 : vector<16xi32>
    %lt3A_821 = arith.constant 0 : i32
    %lt3A_822 = arith.cmpi slt, %select_n3A_812, %lt3A_821 : i32
    %ne3A_823 = vector.broadcast %lt3A_822 : i1 to vector<16xi1>
    %ne3A_824 = vector.broadcast %ne3A_823 : vector<16xi1> to vector<16xi1>
    %ne3A_825 = arith.xori %lt3A_820, %ne3A_824 : vector<16xi1>
    %and3A_826 = arith.andi %ne3A_825, %ne3A_817 : vector<16xi1>
    %add3A_827 = vector.broadcast %select_n3A_812 : i32 to vector<16xi32>
    %add3A_828 = arith.addi %rem3A_814, %add3A_827 : vector<16xi32>
    %select_n3A_829 = arith.select %and3A_826, %add3A_828, %rem3A_814 : vector<16xi1>, vector<16xi32>
    %convert_element_type3A_830 = arith.sitofp %select_n3A_829 : vector<16xi32> to vector<16xf32>
    %jit3A_831 = arith.constant 26 : i32
    %div3A_832 = vector.broadcast %jit3A_831 : i32 to vector<16xi32>
    %div3A_833 = arith.divsi %max3A_754, %div3A_832 : vector<16xi32>
    %sign3A_834 = arith.constant 0 : i32
    %sign3A_835 = vector.broadcast %sign3A_834 : i32 to vector<16xi32>
    %sign3A_836 = arith.cmpi sgt, %max3A_754, %sign3A_835 : vector<16xi32>
    %sign3A_837 = arith.extui %sign3A_836 : vector<16xi1> to vector<16xi32>
    %sign3A_838 = arith.constant 0 : i32
    %sign3A_839 = vector.broadcast %sign3A_838 : i32 to vector<16xi32>
    %sign3A_840 = arith.cmpi slt, %max3A_754, %sign3A_839 : vector<16xi32>
    %sign3A_841 = arith.extui %sign3A_840 : vector<16xi1> to vector<16xi32>
    %sign3A_842 = arith.subi %sign3A_837, %sign3A_841 : vector<16xi32>
    %sign3A_843 = arith.constant 0 : i32
    %sign3A_844 = arith.cmpi sgt, %jit3A_831, %sign3A_843 : i32
    %sign3A_845 = arith.extui %sign3A_844 : i1 to i32
    %sign3A_846 = arith.constant 0 : i32
    %sign3A_847 = arith.cmpi slt, %jit3A_831, %sign3A_846 : i32
    %sign3A_848 = arith.extui %sign3A_847 : i1 to i32
    %sign3A_849 = arith.subi %sign3A_845, %sign3A_848 : i32
    %ne3A_850 = vector.broadcast %sign3A_849 : i32 to vector<16xi32>
    %ne3A_851 = arith.cmpi ne, %sign3A_842, %ne3A_850 : vector<16xi32>
    %rem3A_852 = vector.broadcast %jit3A_831 : i32 to vector<16xi32>
    %rem3A_853 = arith.remsi %max3A_754, %rem3A_852 : vector<16xi32>
    %ne3A_854 = arith.constant 0 : i32
    %ne3A_855 = vector.broadcast %ne3A_854 : i32 to vector<16xi32>
    %ne3A_856 = arith.cmpi ne, %rem3A_853, %ne3A_855 : vector<16xi32>
    %and3A_857 = arith.andi %ne3A_851, %ne3A_856 : vector<16xi1>
    %sub3A_858 = arith.constant 1 : i32
    %sub3A_859 = vector.broadcast %sub3A_858 : i32 to vector<16xi32>
    %sub3A_860 = arith.subi %div3A_833, %sub3A_859 : vector<16xi32>
    %select_n3A_861 = arith.select %and3A_857, %sub3A_860, %div3A_833 : vector<16xi1>, vector<16xi32>
    %jit3A_862 = arith.constant 26 : i32
    %eq3A_863 = arith.constant 0 : i32
    %eq3A_864 = arith.cmpi eq, %jit3A_862, %eq3A_863 : i32
    %jit3A_865 = arith.constant 1 : i32
    %select_n3A_866 = arith.select %eq3A_864, %jit3A_865, %jit3A_862 : i32
    %rem3A_867 = vector.broadcast %select_n3A_866 : i32 to vector<16xi32>
    %rem3A_868 = arith.remsi %select_n3A_861, %rem3A_867 : vector<16xi32>
    %ne3A_869 = arith.constant 0 : i32
    %ne3A_870 = vector.broadcast %ne3A_869 : i32 to vector<16xi32>
    %ne3A_871 = arith.cmpi ne, %rem3A_868, %ne3A_870 : vector<16xi32>
    %lt3A_872 = arith.constant 0 : i32
    %lt3A_873 = vector.broadcast %lt3A_872 : i32 to vector<16xi32>
    %lt3A_874 = arith.cmpi slt, %rem3A_868, %lt3A_873 : vector<16xi32>
    %lt3A_875 = arith.constant 0 : i32
    %lt3A_876 = arith.cmpi slt, %select_n3A_866, %lt3A_875 : i32
    %ne3A_877 = vector.broadcast %lt3A_876 : i1 to vector<16xi1>
    %ne3A_878 = vector.broadcast %ne3A_877 : vector<16xi1> to vector<16xi1>
    %ne3A_879 = arith.xori %lt3A_874, %ne3A_878 : vector<16xi1>
    %and3A_880 = arith.andi %ne3A_879, %ne3A_871 : vector<16xi1>
    %add3A_881 = vector.broadcast %select_n3A_866 : i32 to vector<16xi32>
    %add3A_882 = arith.addi %rem3A_868, %add3A_881 : vector<16xi32>
    %select_n3A_883 = arith.select %and3A_880, %add3A_882, %rem3A_868 : vector<16xi1>, vector<16xi32>
    %convert_element_type3A_884 = arith.sitofp %select_n3A_883 : vector<16xi32> to vector<16xf32>
    %add3A_885 = arith.addf %convert_element_type3A_830, %gather3A_803 : vector<16xf32>
    %mul3A_886 = arith.constant 0.0384615399 : f32
    %mul3A_887 = vector.broadcast %mul3A_886 : f32 to vector<16xf32>
    %mul3A_888 = arith.mulf %add3A_885, %mul3A_887 : vector<16xf32>
    %add3A_889 = arith.addf %convert_element_type3A_884, %gather3A_804 : vector<16xf32>
    %mul3A_890 = arith.constant 0.0384615399 : f32
    %mul3A_891 = vector.broadcast %mul3A_890 : f32 to vector<16xf32>
    %mul3A_892 = arith.mulf %add3A_889, %mul3A_891 : vector<16xf32>
    %exp3A_893 = math.exp %gather3A_805 : vector<16xf32>
    %mul3A_894 = arith.mulf %exp3A_893, %get3A_798 : vector<16xf32>
    %mul3A_895 = arith.constant 0.0384615399 : f32
    %mul3A_896 = vector.broadcast %mul3A_895 : f32 to vector<16xf32>
    %mul3A_897 = arith.mulf %mul3A_894, %mul3A_896 : vector<16xf32>
    %exp3A_898 = math.exp %gather3A_806 : vector<16xf32>
    %mul3A_899 = arith.mulf %exp3A_898, %get3A_802 : vector<16xf32>
    %mul3A_900 = arith.constant 0.0384615399 : f32
    %mul3A_901 = vector.broadcast %mul3A_900 : f32 to vector<16xf32>
    %mul3A_902 = arith.mulf %mul3A_899, %mul3A_901 : vector<16xf32>
    %mul3A_903 = arith.constant 5.000000e-01 : f32
    %mul3A_904 = vector.broadcast %mul3A_903 : f32 to vector<16xf32>
    %mul3A_905 = arith.mulf %mul3A_897, %mul3A_904 : vector<16xf32>
    %sub3A_906 = arith.subf %mul3A_888, %mul3A_905 : vector<16xf32>
    %mul3A_907 = arith.constant 5.000000e-01 : f32
    %mul3A_908 = vector.broadcast %mul3A_907 : f32 to vector<16xf32>
    %mul3A_909 = arith.mulf %get3A_790, %mul3A_908 : vector<16xf32>
    %sub3A_910 = arith.subf %get3A_782, %mul3A_909 : vector<16xf32>
    %max3A_911 = arith.maximumf %sub3A_906, %sub3A_910 : vector<16xf32>
    %mul3A_912 = arith.constant 5.000000e-01 : f32
    %mul3A_913 = vector.broadcast %mul3A_912 : f32 to vector<16xf32>
    %mul3A_914 = arith.mulf %mul3A_897, %mul3A_913 : vector<16xf32>
    %add3A_915 = arith.addf %mul3A_888, %mul3A_914 : vector<16xf32>
    %mul3A_916 = arith.constant 5.000000e-01 : f32
    %mul3A_917 = vector.broadcast %mul3A_916 : f32 to vector<16xf32>
    %mul3A_918 = arith.mulf %get3A_790, %mul3A_917 : vector<16xf32>
    %add3A_919 = arith.addf %get3A_782, %mul3A_918 : vector<16xf32>
    %min3A_920 = arith.minimumf %add3A_915, %add3A_919 : vector<16xf32>
    %mul3A_921 = arith.constant 5.000000e-01 : f32
    %mul3A_922 = vector.broadcast %mul3A_921 : f32 to vector<16xf32>
    %mul3A_923 = arith.mulf %mul3A_902, %mul3A_922 : vector<16xf32>
    %sub3A_924 = arith.subf %mul3A_892, %mul3A_923 : vector<16xf32>
    %mul3A_925 = arith.constant 5.000000e-01 : f32
    %mul3A_926 = vector.broadcast %mul3A_925 : f32 to vector<16xf32>
    %mul3A_927 = arith.mulf %get3A_794, %mul3A_926 : vector<16xf32>
    %sub3A_928 = arith.subf %get3A_786, %mul3A_927 : vector<16xf32>
    %max3A_929 = arith.maximumf %sub3A_924, %sub3A_928 : vector<16xf32>
    %mul3A_930 = arith.constant 5.000000e-01 : f32
    %mul3A_931 = vector.broadcast %mul3A_930 : f32 to vector<16xf32>
    %mul3A_932 = arith.mulf %mul3A_902, %mul3A_931 : vector<16xf32>
    %add3A_933 = arith.addf %mul3A_892, %mul3A_932 : vector<16xf32>
    %mul3A_934 = arith.constant 5.000000e-01 : f32
    %mul3A_935 = vector.broadcast %mul3A_934 : f32 to vector<16xf32>
    %mul3A_936 = arith.mulf %get3A_794, %mul3A_935 : vector<16xf32>
    %add3A_937 = arith.addf %get3A_786, %mul3A_936 : vector<16xf32>
    %min3A_938 = arith.minimumf %add3A_933, %add3A_937 : vector<16xf32>
    %sub3A_939 = arith.subf %min3A_920, %max3A_911 : vector<16xf32>
    %max3A_940 = arith.constant 0.000000e+00 : f32
    %max3A_941 = vector.broadcast %max3A_940 : f32 to vector<16xf32>
    %max3A_942 = arith.maximumf %sub3A_939, %max3A_941 : vector<16xf32>
    %sub3A_943 = arith.subf %min3A_938, %max3A_929 : vector<16xf32>
    %max3A_944 = arith.constant 0.000000e+00 : f32
    %max3A_945 = vector.broadcast %max3A_944 : f32 to vector<16xf32>
    %max3A_946 = arith.maximumf %sub3A_943, %max3A_945 : vector<16xf32>
    %mul3A_947 = arith.mulf %max3A_942, %max3A_946 : vector<16xf32>
    %mul3A_948 = arith.mulf %mul3A_897, %mul3A_902 : vector<16xf32>
    %mul3A_949 = arith.mulf %get3A_790, %get3A_794 : vector<16xf32>
    %add3A_950 = arith.addf %mul3A_948, %mul3A_949 : vector<16xf32>
    %sub3A_951 = arith.subf %add3A_950, %mul3A_947 : vector<16xf32>
    %gt3A_952 = arith.constant 0.000000e+00 : f32
    %gt3A_953 = vector.broadcast %gt3A_952 : f32 to vector<16xf32>
    %gt3A_954 = arith.cmpf ogt, %sub3A_951, %gt3A_953 : vector<16xf32>
    %max3A_955 = arith.constant 9.99999996E-13 : f32
    %max3A_956 = vector.broadcast %max3A_955 : f32 to vector<16xf32>
    %max3A_957 = arith.maximumf %sub3A_951, %max3A_956 : vector<16xf32>
    %div3A_958 = arith.divf %mul3A_947, %max3A_957 : vector<16xf32>
    %jit3A_959 = arith.constant 0.000000e+00 : f32
    %broadcast_in_dim3A_960 = vector.broadcast %jit3A_959 : f32 to vector<16xf32>
    %select_n3A_961 = arith.select %gt3A_954, %div3A_958, %broadcast_in_dim3A_960 : vector<16xi1>, vector<16xf32>
    tpu.vector_store_idx %arg22[%max3A_754], %get3A_758 masked %ge3A_751 : memref<3380xf32, #tpu.memory_space<vmem>>[vector<16xi32>], vector<16xf32>, vector<16xi1>
    tpu.vector_store_idx %arg23[%max3A_754], %get3A_762 masked %ge3A_751 : memref<3380xf32, #tpu.memory_space<vmem>>[vector<16xi32>], vector<16xf32>, vector<16xi1>
    tpu.vector_store_idx %arg24[%max3A_754], %get3A_766 masked %ge3A_751 : memref<3380xf32, #tpu.memory_space<vmem>>[vector<16xi32>], vector<16xf32>, vector<16xi1>
    tpu.vector_store_idx %arg25[%max3A_754], %get3A_770 masked %ge3A_751 : memref<3380xf32, #tpu.memory_space<vmem>>[vector<16xi32>], vector<16xf32>, vector<16xi1>
    tpu.vector_store_idx %arg28[%max3A_754], %get3A_774 masked %ge3A_751 : memref<3380xf32, #tpu.memory_space<vmem>>[vector<16xi32>], vector<16xf32>, vector<16xi1>
    tpu.vector_store_idx %arg26[%max3A_754], %select_n3A_961 masked %ge3A_751 : memref<3380xf32, #tpu.memory_space<vmem>>[vector<16xi32>], vector<16xf32>, vector<16xi1>
    tpu.vector_store_idx %arg27[%max3A_754], %gather3A_807 masked %ge3A_751 : memref<3380xf32, #tpu.memory_space<vmem>>[vector<16xi32>], vector<16xf32>, vector<16xi1>
    tpu.vector_store_idx %arg29[%max3A_754], %get3A_778 masked %ge3A_751 : memref<3380xf32, #tpu.memory_space<vmem>>[vector<16xi32>], vector<16xf32>, vector<16xi1>
    %get3A_962 = arith.constant 0 : i32
    %get3A_963 = arith.index_cast %get3A_962 : i32 to index
    %get3A_964 = arith.constant 16 : index
    %get3A_965 = tpu.vector_load %arg31[%get3A_963, %get3A_964] {strides = array<i32>} : memref<16x32xf32, #tpu.memory_space<vmem>>, vector<16xf32>,
    %convert_element_type3A_966 = arith.fptosi %get3A_965 : vector<16xf32> to vector<16xi32>
    %ge3A_967 = arith.constant 0 : i32
    %ge3A_968 = vector.broadcast %ge3A_967 : i32 to vector<16xi32>
    %ge3A_969 = arith.cmpi sge, %convert_element_type3A_966, %ge3A_968 : vector<16xi32>
    %max3A_970 = arith.constant 0 : i32
    %max3A_971 = vector.broadcast %max3A_970 : i32 to vector<16xi32>
    %max3A_972 = arith.maxsi %convert_element_type3A_966, %max3A_971 : vector<16xi32>
    %get3A_973 = arith.constant 1 : i32
    %get3A_974 = arith.index_cast %get3A_973 : i32 to index
    %get3A_975 = arith.constant 16 : index
    %get3A_976 = tpu.vector_load %arg31[%get3A_974, %get3A_975] {strides = array<i32>} : memref<16x32xf32, #tpu.memory_space<vmem>>, vector<16xf32>,
    %get3A_977 = arith.constant 2 : i32
    %get3A_978 = arith.index_cast %get3A_977 : i32 to index
    %get3A_979 = arith.constant 16 : index
    %get3A_980 = tpu.vector_load %arg31[%get3A_978, %get3A_979] {strides = array<i32>} : memref<16x32xf32, #tpu.memory_space<vmem>>, vector<16xf32>,
    %get3A_981 = arith.constant 3 : i32
    %get3A_982 = arith.index_cast %get3A_981 : i32 to index
    %get3A_983 = arith.constant 16 : index
    %get3A_984 = tpu.vector_load %arg31[%get3A_982, %get3A_983] {strides = array<i32>} : memref<16x32xf32, #tpu.memory_space<vmem>>, vector<16xf32>,
    %get3A_985 = arith.constant 4 : i32
    %get3A_986 = arith.index_cast %get3A_985 : i32 to index
    %get3A_987 = arith.constant 16 : index
    %get3A_988 = tpu.vector_load %arg31[%get3A_986, %get3A_987] {strides = array<i32>} : memref<16x32xf32, #tpu.memory_space<vmem>>, vector<16xf32>,
    %get3A_989 = arith.constant 5 : i32
    %get3A_990 = arith.index_cast %get3A_989 : i32 to index
    %get3A_991 = arith.constant 16 : index
    %get3A_992 = tpu.vector_load %arg31[%get3A_990, %get3A_991] {strides = array<i32>} : memref<16x32xf32, #tpu.memory_space<vmem>>, vector<16xf32>,
    %get3A_993 = arith.constant 6 : i32
    %get3A_994 = arith.index_cast %get3A_993 : i32 to index
    %get3A_995 = arith.constant 16 : index
    %get3A_996 = tpu.vector_load %arg31[%get3A_994, %get3A_995] {strides = array<i32>} : memref<16x32xf32, #tpu.memory_space<vmem>>, vector<16xf32>,
    %get3A_997 = arith.constant 7 : i32
    %get3A_998 = arith.index_cast %get3A_997 : i32 to index
    %get3A_999 = arith.constant 16 : index
    %get3A_1000 = tpu.vector_load %arg31[%get3A_998, %get3A_999] {strides = array<i32>} : memref<16x32xf32, #tpu.memory_space<vmem>>, vector<16xf32>,
    %get3A_1001 = arith.constant 8 : i32
    %get3A_1002 = arith.index_cast %get3A_1001 : i32 to index
    %get3A_1003 = arith.constant 16 : index
    %get3A_1004 = tpu.vector_load %arg31[%get3A_1002, %get3A_1003] {strides = array<i32>} : memref<16x32xf32, #tpu.memory_space<vmem>>, vector<16xf32>,
    %get3A_1005 = arith.constant 9 : i32
    %get3A_1006 = arith.index_cast %get3A_1005 : i32 to index
    %get3A_1007 = arith.constant 16 : index
    %get3A_1008 = tpu.vector_load %arg31[%get3A_1006, %get3A_1007] {strides = array<i32>} : memref<16x32xf32, #tpu.memory_space<vmem>>, vector<16xf32>,
    %get3A_1009 = arith.constant 10 : i32
    %get3A_1010 = arith.index_cast %get3A_1009 : i32 to index
    %get3A_1011 = arith.constant 16 : index
    %get3A_1012 = tpu.vector_load %arg31[%get3A_1010, %get3A_1011] {strides = array<i32>} : memref<16x32xf32, #tpu.memory_space<vmem>>, vector<16xf32>,
    %get3A_1013 = arith.constant 11 : i32
    %get3A_1014 = arith.index_cast %get3A_1013 : i32 to index
    %get3A_1015 = arith.constant 16 : index
    %get3A_1016 = tpu.vector_load %arg31[%get3A_1014, %get3A_1015] {strides = array<i32>} : memref<16x32xf32, #tpu.memory_space<vmem>>, vector<16xf32>,
    %get3A_1017 = arith.constant 12 : i32
    %get3A_1018 = arith.index_cast %get3A_1017 : i32 to index
    %get3A_1019 = arith.constant 16 : index
    %get3A_1020 = tpu.vector_load %arg31[%get3A_1018, %get3A_1019] {strides = array<i32>} : memref<16x32xf32, #tpu.memory_space<vmem>>, vector<16xf32>,
    %gather3A_1021 = tpu.vector_load_idx %arg22[%max3A_972] : memref<3380xf32, #tpu.memory_space<vmem>>[vector<16xi32>], vector<16xf32>,
    %gather3A_1022 = tpu.vector_load_idx %arg23[%max3A_972] : memref<3380xf32, #tpu.memory_space<vmem>>[vector<16xi32>], vector<16xf32>,
    %gather3A_1023 = tpu.vector_load_idx %arg24[%max3A_972] : memref<3380xf32, #tpu.memory_space<vmem>>[vector<16xi32>], vector<16xf32>,
    %gather3A_1024 = tpu.vector_load_idx %arg25[%max3A_972] : memref<3380xf32, #tpu.memory_space<vmem>>[vector<16xi32>], vector<16xf32>,
    %gather3A_1025 = tpu.vector_load_idx %arg26[%max3A_972] : memref<3380xf32, #tpu.memory_space<vmem>>[vector<16xi32>], vector<16xf32>,
    %jit3A_1026 = arith.constant 26 : i32
    %eq3A_1027 = arith.constant 0 : i32
    %eq3A_1028 = arith.cmpi eq, %jit3A_1026, %eq3A_1027 : i32
    %jit3A_1029 = arith.constant 1 : i32
    %select_n3A_1030 = arith.select %eq3A_1028, %jit3A_1029, %jit3A_1026 : i32
    %rem3A_1031 = vector.broadcast %select_n3A_1030 : i32 to vector<16xi32>
    %rem3A_1032 = arith.remsi %max3A_972, %rem3A_1031 : vector<16xi32>
    %ne3A_1033 = arith.constant 0 : i32
    %ne3A_1034 = vector.broadcast %ne3A_1033 : i32 to vector<16xi32>
    %ne3A_1035 = arith.cmpi ne, %rem3A_1032, %ne3A_1034 : vector<16xi32>
    %lt3A_1036 = arith.constant 0 : i32
    %lt3A_1037 = vector.broadcast %lt3A_1036 : i32 to vector<16xi32>
    %lt3A_1038 = arith.cmpi slt, %rem3A_1032, %lt3A_1037 : vector<16xi32>
    %lt3A_1039 = arith.constant 0 : i32
    %lt3A_1040 = arith.cmpi slt, %select_n3A_1030, %lt3A_1039 : i32
    %ne3A_1041 = vector.broadcast %lt3A_1040 : i1 to vector<16xi1>
    %ne3A_1042 = vector.broadcast %ne3A_1041 : vector<16xi1> to vector<16xi1>
    %ne3A_1043 = arith.xori %lt3A_1038, %ne3A_1042 : vector<16xi1>
    %and3A_1044 = arith.andi %ne3A_1043, %ne3A_1035 : vector<16xi1>
    %add3A_1045 = vector.broadcast %select_n3A_1030 : i32 to vector<16xi32>
    %add3A_1046 = arith.addi %rem3A_1032, %add3A_1045 : vector<16xi32>
    %select_n3A_1047 = arith.select %and3A_1044, %add3A_1046, %rem3A_1032 : vector<16xi1>, vector<16xi32>
    %convert_element_type3A_1048 = arith.sitofp %select_n3A_1047 : vector<16xi32> to vector<16xf32>
    %jit3A_1049 = arith.constant 26 : i32
    %div3A_1050 = vector.broadcast %jit3A_1049 : i32 to vector<16xi32>
    %div3A_1051 = arith.divsi %max3A_972, %div3A_1050 : vector<16xi32>
    %sign3A_1052 = arith.constant 0 : i32
    %sign3A_1053 = vector.broadcast %sign3A_1052 : i32 to vector<16xi32>
    %sign3A_1054 = arith.cmpi sgt, %max3A_972, %sign3A_1053 : vector<16xi32>
    %sign3A_1055 = arith.extui %sign3A_1054 : vector<16xi1> to vector<16xi32>
    %sign3A_1056 = arith.constant 0 : i32
    %sign3A_1057 = vector.broadcast %sign3A_1056 : i32 to vector<16xi32>
    %sign3A_1058 = arith.cmpi slt, %max3A_972, %sign3A_1057 : vector<16xi32>
    %sign3A_1059 = arith.extui %sign3A_1058 : vector<16xi1> to vector<16xi32>
    %sign3A_1060 = arith.subi %sign3A_1055, %sign3A_1059 : vector<16xi32>
    %sign3A_1061 = arith.constant 0 : i32
    %sign3A_1062 = arith.cmpi sgt, %jit3A_1049, %sign3A_1061 : i32
    %sign3A_1063 = arith.extui %sign3A_1062 : i1 to i32
    %sign3A_1064 = arith.constant 0 : i32
    %sign3A_1065 = arith.cmpi slt, %jit3A_1049, %sign3A_1064 : i32
    %sign3A_1066 = arith.extui %sign3A_1065 : i1 to i32
    %sign3A_1067 = arith.subi %sign3A_1063, %sign3A_1066 : i32
    %ne3A_1068 = vector.broadcast %sign3A_1067 : i32 to vector<16xi32>
    %ne3A_1069 = arith.cmpi ne, %sign3A_1060, %ne3A_1068 : vector<16xi32>
    %rem3A_1070 = vector.broadcast %jit3A_1049 : i32 to vector<16xi32>
    %rem3A_1071 = arith.remsi %max3A_972, %rem3A_1070 : vector<16xi32>
    %ne3A_1072 = arith.constant 0 : i32
    %ne3A_1073 = vector.broadcast %ne3A_1072 : i32 to vector<16xi32>
    %ne3A_1074 = arith.cmpi ne, %rem3A_1071, %ne3A_1073 : vector<16xi32>
    %and3A_1075 = arith.andi %ne3A_1069, %ne3A_1074 : vector<16xi1>
    %sub3A_1076 = arith.constant 1 : i32
    %sub3A_1077 = vector.broadcast %sub3A_1076 : i32 to vector<16xi32>
    %sub3A_1078 = arith.subi %div3A_1051, %sub3A_1077 : vector<16xi32>
    %select_n3A_1079 = arith.select %and3A_1075, %sub3A_1078, %div3A_1051 : vector<16xi1>, vector<16xi32>
    %jit3A_1080 = arith.constant 26 : i32
    %eq3A_1081 = arith.constant 0 : i32
    %eq3A_1082 = arith.cmpi eq, %jit3A_1080, %eq3A_1081 : i32
    %jit3A_1083 = arith.constant 1 : i32
    %select_n3A_1084 = arith.select %eq3A_1082, %jit3A_1083, %jit3A_1080 : i32
    %rem3A_1085 = vector.broadcast %select_n3A_1084 : i32 to vector<16xi32>
    %rem3A_1086 = arith.remsi %select_n3A_1079, %rem3A_1085 : vector<16xi32>
    %ne3A_1087 = arith.constant 0 : i32
    %ne3A_1088 = vector.broadcast %ne3A_1087 : i32 to vector<16xi32>
    %ne3A_1089 = arith.cmpi ne, %rem3A_1086, %ne3A_1088 : vector<16xi32>
    %lt3A_1090 = arith.constant 0 : i32
    %lt3A_1091 = vector.broadcast %lt3A_1090 : i32 to vector<16xi32>
    %lt3A_1092 = arith.cmpi slt, %rem3A_1086, %lt3A_1091 : vector<16xi32>
    %lt3A_1093 = arith.constant 0 : i32
    %lt3A_1094 = arith.cmpi slt, %select_n3A_1084, %lt3A_1093 : i32
    %ne3A_1095 = vector.broadcast %lt3A_1094 : i1 to vector<16xi1>
    %ne3A_1096 = vector.broadcast %ne3A_1095 : vector<16xi1> to vector<16xi1>
    %ne3A_1097 = arith.xori %lt3A_1092, %ne3A_1096 : vector<16xi1>
    %and3A_1098 = arith.andi %ne3A_1097, %ne3A_1089 : vector<16xi1>
    %add3A_1099 = vector.broadcast %select_n3A_1084 : i32 to vector<16xi32>
    %add3A_1100 = arith.addi %rem3A_1086, %add3A_1099 : vector<16xi32>
    %select_n3A_1101 = arith.select %and3A_1098, %add3A_1100, %rem3A_1086 : vector<16xi1>, vector<16xi32>
    %convert_element_type3A_1102 = arith.sitofp %select_n3A_1101 : vector<16xi32> to vector<16xf32>
    %add3A_1103 = arith.addf %convert_element_type3A_1048, %gather3A_1021 : vector<16xf32>
    %mul3A_1104 = arith.constant 0.0384615399 : f32
    %mul3A_1105 = vector.broadcast %mul3A_1104 : f32 to vector<16xf32>
    %mul3A_1106 = arith.mulf %add3A_1103, %mul3A_1105 : vector<16xf32>
    %add3A_1107 = arith.addf %convert_element_type3A_1102, %gather3A_1022 : vector<16xf32>
    %mul3A_1108 = arith.constant 0.0384615399 : f32
    %mul3A_1109 = vector.broadcast %mul3A_1108 : f32 to vector<16xf32>
    %mul3A_1110 = arith.mulf %add3A_1107, %mul3A_1109 : vector<16xf32>
    %exp3A_1111 = math.exp %gather3A_1023 : vector<16xf32>
    %mul3A_1112 = arith.mulf %exp3A_1111, %get3A_1016 : vector<16xf32>
    %mul3A_1113 = arith.constant 0.0384615399 : f32
    %mul3A_1114 = vector.broadcast %mul3A_1113 : f32 to vector<16xf32>
    %mul3A_1115 = arith.mulf %mul3A_1112, %mul3A_1114 : vector<16xf32>
    %exp3A_1116 = math.exp %gather3A_1024 : vector<16xf32>
    %mul3A_1117 = arith.mulf %exp3A_1116, %get3A_1020 : vector<16xf32>
    %mul3A_1118 = arith.constant 0.0384615399 : f32
    %mul3A_1119 = vector.broadcast %mul3A_1118 : f32 to vector<16xf32>
    %mul3A_1120 = arith.mulf %mul3A_1117, %mul3A_1119 : vector<16xf32>
    %mul3A_1121 = arith.constant 5.000000e-01 : f32
    %mul3A_1122 = vector.broadcast %mul3A_1121 : f32 to vector<16xf32>
    %mul3A_1123 = arith.mulf %mul3A_1115, %mul3A_1122 : vector<16xf32>
    %sub3A_1124 = arith.subf %mul3A_1106, %mul3A_1123 : vector<16xf32>
    %mul3A_1125 = arith.constant 5.000000e-01 : f32
    %mul3A_1126 = vector.broadcast %mul3A_1125 : f32 to vector<16xf32>
    %mul3A_1127 = arith.mulf %get3A_1008, %mul3A_1126 : vector<16xf32>
    %sub3A_1128 = arith.subf %get3A_1000, %mul3A_1127 : vector<16xf32>
    %max3A_1129 = arith.maximumf %sub3A_1124, %sub3A_1128 : vector<16xf32>
    %mul3A_1130 = arith.constant 5.000000e-01 : f32
    %mul3A_1131 = vector.broadcast %mul3A_1130 : f32 to vector<16xf32>
    %mul3A_1132 = arith.mulf %mul3A_1115, %mul3A_1131 : vector<16xf32>
    %add3A_1133 = arith.addf %mul3A_1106, %mul3A_1132 : vector<16xf32>
    %mul3A_1134 = arith.constant 5.000000e-01 : f32
    %mul3A_1135 = vector.broadcast %mul3A_1134 : f32 to vector<16xf32>
    %mul3A_1136 = arith.mulf %get3A_1008, %mul3A_1135 : vector<16xf32>
    %add3A_1137 = arith.addf %get3A_1000, %mul3A_1136 : vector<16xf32>
    %min3A_1138 = arith.minimumf %add3A_1133, %add3A_1137 : vector<16xf32>
    %mul3A_1139 = arith.constant 5.000000e-01 : f32
    %mul3A_1140 = vector.broadcast %mul3A_1139 : f32 to vector<16xf32>
    %mul3A_1141 = arith.mulf %mul3A_1120, %mul3A_1140 : vector<16xf32>
    %sub3A_1142 = arith.subf %mul3A_1110, %mul3A_1141 : vector<16xf32>
    %mul3A_1143 = arith.constant 5.000000e-01 : f32
    %mul3A_1144 = vector.broadcast %mul3A_1143 : f32 to vector<16xf32>
    %mul3A_1145 = arith.mulf %get3A_1012, %mul3A_1144 : vector<16xf32>
    %sub3A_1146 = arith.subf %get3A_1004, %mul3A_1145 : vector<16xf32>
    %max3A_1147 = arith.maximumf %sub3A_1142, %sub3A_1146 : vector<16xf32>
    %mul3A_1148 = arith.constant 5.000000e-01 : f32
    %mul3A_1149 = vector.broadcast %mul3A_1148 : f32 to vector<16xf32>
    %mul3A_1150 = arith.mulf %mul3A_1120, %mul3A_1149 : vector<16xf32>
    %add3A_1151 = arith.addf %mul3A_1110, %mul3A_1150 : vector<16xf32>
    %mul3A_1152 = arith.constant 5.000000e-01 : f32
    %mul3A_1153 = vector.broadcast %mul3A_1152 : f32 to vector<16xf32>
    %mul3A_1154 = arith.mulf %get3A_1012, %mul3A_1153 : vector<16xf32>
    %add3A_1155 = arith.addf %get3A_1004, %mul3A_1154 : vector<16xf32>
    %min3A_1156 = arith.minimumf %add3A_1151, %add3A_1155 : vector<16xf32>
    %sub3A_1157 = arith.subf %min3A_1138, %max3A_1129 : vector<16xf32>
    %max3A_1158 = arith.constant 0.000000e+00 : f32
    %max3A_1159 = vector.broadcast %max3A_1158 : f32 to vector<16xf32>
    %max3A_1160 = arith.maximumf %sub3A_1157, %max3A_1159 : vector<16xf32>
    %sub3A_1161 = arith.subf %min3A_1156, %max3A_1147 : vector<16xf32>
    %max3A_1162 = arith.constant 0.000000e+00 : f32
    %max3A_1163 = vector.broadcast %max3A_1162 : f32 to vector<16xf32>
    %max3A_1164 = arith.maximumf %sub3A_1161, %max3A_1163 : vector<16xf32>
    %mul3A_1165 = arith.mulf %max3A_1160, %max3A_1164 : vector<16xf32>
    %mul3A_1166 = arith.mulf %mul3A_1115, %mul3A_1120 : vector<16xf32>
    %mul3A_1167 = arith.mulf %get3A_1008, %get3A_1012 : vector<16xf32>
    %add3A_1168 = arith.addf %mul3A_1166, %mul3A_1167 : vector<16xf32>
    %sub3A_1169 = arith.subf %add3A_1168, %mul3A_1165 : vector<16xf32>
    %gt3A_1170 = arith.constant 0.000000e+00 : f32
    %gt3A_1171 = vector.broadcast %gt3A_1170 : f32 to vector<16xf32>
    %gt3A_1172 = arith.cmpf ogt, %sub3A_1169, %gt3A_1171 : vector<16xf32>
    %max3A_1173 = arith.constant 9.99999996E-13 : f32
    %max3A_1174 = vector.broadcast %max3A_1173 : f32 to vector<16xf32>
    %max3A_1175 = arith.maximumf %sub3A_1169, %max3A_1174 : vector<16xf32>
    %div3A_1176 = arith.divf %mul3A_1165, %max3A_1175 : vector<16xf32>
    %jit3A_1177 = arith.constant 0.000000e+00 : f32
    %broadcast_in_dim3A_1178 = vector.broadcast %jit3A_1177 : f32 to vector<16xf32>
    %select_n3A_1179 = arith.select %gt3A_1172, %div3A_1176, %broadcast_in_dim3A_1178 : vector<16xi1>, vector<16xf32>
    tpu.vector_store_idx %arg22[%max3A_972], %get3A_976 masked %ge3A_969 : memref<3380xf32, #tpu.memory_space<vmem>>[vector<16xi32>], vector<16xf32>, vector<16xi1>
    tpu.vector_store_idx %arg23[%max3A_972], %get3A_980 masked %ge3A_969 : memref<3380xf32, #tpu.memory_space<vmem>>[vector<16xi32>], vector<16xf32>, vector<16xi1>
    tpu.vector_store_idx %arg24[%max3A_972], %get3A_984 masked %ge3A_969 : memref<3380xf32, #tpu.memory_space<vmem>>[vector<16xi32>], vector<16xf32>, vector<16xi1>
    tpu.vector_store_idx %arg25[%max3A_972], %get3A_988 masked %ge3A_969 : memref<3380xf32, #tpu.memory_space<vmem>>[vector<16xi32>], vector<16xf32>, vector<16xi1>
    tpu.vector_store_idx %arg28[%max3A_972], %get3A_992 masked %ge3A_969 : memref<3380xf32, #tpu.memory_space<vmem>>[vector<16xi32>], vector<16xf32>, vector<16xi1>
    tpu.vector_store_idx %arg26[%max3A_972], %select_n3A_1179 masked %ge3A_969 : memref<3380xf32, #tpu.memory_space<vmem>>[vector<16xi32>], vector<16xf32>, vector<16xi1>
    tpu.vector_store_idx %arg27[%max3A_972], %gather3A_1025 masked %ge3A_969 : memref<3380xf32, #tpu.memory_space<vmem>>[vector<16xi32>], vector<16xf32>, vector<16xi1>
    tpu.vector_store_idx %arg29[%max3A_972], %get3A_996 masked %ge3A_969 : memref<3380xf32, #tpu.memory_space<vmem>>[vector<16xi32>], vector<16xf32>, vector<16xi1>
    %mul3A_1180 = arith.constant 2 : i32
    %mul3A_1181 = arith.muli %add3A, %mul3A_1180 : i32
    %add3A_1182 = arith.constant 1 : i32
    %add3A_1183 = arith.addi %mul3A_1181, %add3A_1182 : i32
    %mul3A_1184 = arith.constant 2 : i32
    %mul3A_1185 = arith.muli %mul3A_1184, %add3A_1183 : i32
    %mul3A_1186 = arith.constant 2 : i32
    %mul3A_1187 = arith.muli %mul3A_1186, %add3A_1183 : i32
    %add3A_1188 = arith.constant 1 : i32
    %add3A_1189 = arith.addi %mul3A_1187, %add3A_1188 : i32
    %mul3A_1190 = arith.constant 2 : i32
    %mul3A_1191 = arith.muli %mul3A_1190, %add3A_1183 : i32
    %mul3A_1192 = arith.constant 2 : i32
    %mul3A_1193 = arith.muli %mul3A_1192, %add3A_1183 : i32
    %add3A_1194 = arith.constant 1 : i32
    %add3A_1195 = arith.addi %mul3A_1193, %add3A_1194 : i32
    %dma_start3A_1196 = arith.constant 0 : i32
    %dma_start3A_1197 = tpu.memref_slice %arg8[%mul3A_1185, %dma_start3A_1196] : memref<128x3380xf32, #tpu.memory_space<hbm>> -> memref<1x3380xf32, #tpu.memory_space<hbm>>
    %dma_start3A_1198 = tpu.memref_squeeze %dma_start3A_1197 : memref<1x3380xf32, #tpu.memory_space<hbm>> -> memref<3380xf32, #tpu.memory_space<hbm>>
    %dma_start3A_1199 = arith.constant 0 : i32
    %dma_start3A_1200 = tpu.memref_slice %arg8[%mul3A_1185, %dma_start3A_1199] : memref<128x3380xf32, #tpu.memory_space<hbm>> -> memref<1x3380xf32, #tpu.memory_space<hbm>>
    %dma_start3A_1201 = tpu.memref_squeeze %dma_start3A_1200 : memref<1x3380xf32, #tpu.memory_space<hbm>> -> memref<3380xf32, #tpu.memory_space<hbm>>
    tpu.enqueue_dma source(%arg22 : memref<3380xf32, #tpu.memory_space<vmem>>) target(%dma_start3A_1201 : memref<3380xf32, #tpu.memory_space<hbm>>) target_semaphore(%arg34 : memref<!tpu.dma_semaphore, #tpu.memory_space<semaphore_mem>>)
    %dma_start3A_1202 = arith.constant 0 : i32
    %dma_start3A_1203 = tpu.memref_slice %arg8[%add3A_1189, %dma_start3A_1202] : memref<128x3380xf32, #tpu.memory_space<hbm>> -> memref<1x3380xf32, #tpu.memory_space<hbm>>
    %dma_start3A_1204 = tpu.memref_squeeze %dma_start3A_1203 : memref<1x3380xf32, #tpu.memory_space<hbm>> -> memref<3380xf32, #tpu.memory_space<hbm>>
    %dma_start3A_1205 = arith.constant 0 : i32
    %dma_start3A_1206 = tpu.memref_slice %arg8[%add3A_1189, %dma_start3A_1205] : memref<128x3380xf32, #tpu.memory_space<hbm>> -> memref<1x3380xf32, #tpu.memory_space<hbm>>
    %dma_start3A_1207 = tpu.memref_squeeze %dma_start3A_1206 : memref<1x3380xf32, #tpu.memory_space<hbm>> -> memref<3380xf32, #tpu.memory_space<hbm>>
    tpu.enqueue_dma source(%arg23 : memref<3380xf32, #tpu.memory_space<vmem>>) target(%dma_start3A_1207 : memref<3380xf32, #tpu.memory_space<hbm>>) target_semaphore(%arg34 : memref<!tpu.dma_semaphore, #tpu.memory_space<semaphore_mem>>)
    %dma_start3A_1208 = arith.constant 0 : i32
    %dma_start3A_1209 = tpu.memref_slice %arg9[%mul3A_1191, %dma_start3A_1208] : memref<128x3380xf32, #tpu.memory_space<hbm>> -> memref<1x3380xf32, #tpu.memory_space<hbm>>
    %dma_start3A_1210 = tpu.memref_squeeze %dma_start3A_1209 : memref<1x3380xf32, #tpu.memory_space<hbm>> -> memref<3380xf32, #tpu.memory_space<hbm>>
    %dma_start3A_1211 = arith.constant 0 : i32
    %dma_start3A_1212 = tpu.memref_slice %arg9[%mul3A_1191, %dma_start3A_1211] : memref<128x3380xf32, #tpu.memory_space<hbm>> -> memref<1x3380xf32, #tpu.memory_space<hbm>>
    %dma_start3A_1213 = tpu.memref_squeeze %dma_start3A_1212 : memref<1x3380xf32, #tpu.memory_space<hbm>> -> memref<3380xf32, #tpu.memory_space<hbm>>
    tpu.enqueue_dma source(%arg24 : memref<3380xf32, #tpu.memory_space<vmem>>) target(%dma_start3A_1213 : memref<3380xf32, #tpu.memory_space<hbm>>) target_semaphore(%arg34 : memref<!tpu.dma_semaphore, #tpu.memory_space<semaphore_mem>>)
    %dma_start3A_1214 = arith.constant 0 : i32
    %dma_start3A_1215 = tpu.memref_slice %arg9[%add3A_1195, %dma_start3A_1214] : memref<128x3380xf32, #tpu.memory_space<hbm>> -> memref<1x3380xf32, #tpu.memory_space<hbm>>
    %dma_start3A_1216 = tpu.memref_squeeze %dma_start3A_1215 : memref<1x3380xf32, #tpu.memory_space<hbm>> -> memref<3380xf32, #tpu.memory_space<hbm>>
    %dma_start3A_1217 = arith.constant 0 : i32
    %dma_start3A_1218 = tpu.memref_slice %arg9[%add3A_1195, %dma_start3A_1217] : memref<128x3380xf32, #tpu.memory_space<hbm>> -> memref<1x3380xf32, #tpu.memory_space<hbm>>
    %dma_start3A_1219 = tpu.memref_squeeze %dma_start3A_1218 : memref<1x3380xf32, #tpu.memory_space<hbm>> -> memref<3380xf32, #tpu.memory_space<hbm>>
    tpu.enqueue_dma source(%arg25 : memref<3380xf32, #tpu.memory_space<vmem>>) target(%dma_start3A_1219 : memref<3380xf32, #tpu.memory_space<hbm>>) target_semaphore(%arg34 : memref<!tpu.dma_semaphore, #tpu.memory_space<semaphore_mem>>)
    %dma_start3A_1220 = arith.constant 0 : i32
    %dma_start3A_1221 = tpu.memref_slice %arg10[%add3A_1183, %dma_start3A_1220] : memref<64x3380xf32, #tpu.memory_space<hbm>> -> memref<1x3380xf32, #tpu.memory_space<hbm>>
    %dma_start3A_1222 = tpu.memref_squeeze %dma_start3A_1221 : memref<1x3380xf32, #tpu.memory_space<hbm>> -> memref<3380xf32, #tpu.memory_space<hbm>>
    %dma_start3A_1223 = arith.constant 0 : i32
    %dma_start3A_1224 = tpu.memref_slice %arg10[%add3A_1183, %dma_start3A_1223] : memref<64x3380xf32, #tpu.memory_space<hbm>> -> memref<1x3380xf32, #tpu.memory_space<hbm>>
    %dma_start3A_1225 = tpu.memref_squeeze %dma_start3A_1224 : memref<1x3380xf32, #tpu.memory_space<hbm>> -> memref<3380xf32, #tpu.memory_space<hbm>>
    tpu.enqueue_dma source(%arg28 : memref<3380xf32, #tpu.memory_space<vmem>>) target(%dma_start3A_1225 : memref<3380xf32, #tpu.memory_space<hbm>>) target_semaphore(%arg34 : memref<!tpu.dma_semaphore, #tpu.memory_space<semaphore_mem>>)
    %dma_start3A_1226 = arith.constant 0 : i32
    %dma_start3A_1227 = tpu.memref_slice %arg11[%add3A_1183, %dma_start3A_1226] : memref<64x3380xf32, #tpu.memory_space<hbm>> -> memref<1x3380xf32, #tpu.memory_space<hbm>>
    %dma_start3A_1228 = tpu.memref_squeeze %dma_start3A_1227 : memref<1x3380xf32, #tpu.memory_space<hbm>> -> memref<3380xf32, #tpu.memory_space<hbm>>
    %dma_start3A_1229 = arith.constant 0 : i32
    %dma_start3A_1230 = tpu.memref_slice %arg11[%add3A_1183, %dma_start3A_1229] : memref<64x3380xf32, #tpu.memory_space<hbm>> -> memref<1x3380xf32, #tpu.memory_space<hbm>>
    %dma_start3A_1231 = tpu.memref_squeeze %dma_start3A_1230 : memref<1x3380xf32, #tpu.memory_space<hbm>> -> memref<3380xf32, #tpu.memory_space<hbm>>
    tpu.enqueue_dma source(%arg26 : memref<3380xf32, #tpu.memory_space<vmem>>) target(%dma_start3A_1231 : memref<3380xf32, #tpu.memory_space<hbm>>) target_semaphore(%arg34 : memref<!tpu.dma_semaphore, #tpu.memory_space<semaphore_mem>>)
    %dma_start3A_1232 = arith.constant 0 : i32
    %dma_start3A_1233 = tpu.memref_slice %arg12[%add3A_1183, %dma_start3A_1232] : memref<64x3380xf32, #tpu.memory_space<hbm>> -> memref<1x3380xf32, #tpu.memory_space<hbm>>
    %dma_start3A_1234 = tpu.memref_squeeze %dma_start3A_1233 : memref<1x3380xf32, #tpu.memory_space<hbm>> -> memref<3380xf32, #tpu.memory_space<hbm>>
    %dma_start3A_1235 = arith.constant 0 : i32
    %dma_start3A_1236 = tpu.memref_slice %arg12[%add3A_1183, %dma_start3A_1235] : memref<64x3380xf32, #tpu.memory_space<hbm>> -> memref<1x3380xf32, #tpu.memory_space<hbm>>
    %dma_start3A_1237 = tpu.memref_squeeze %dma_start3A_1236 : memref<1x3380xf32, #tpu.memory_space<hbm>> -> memref<3380xf32, #tpu.memory_space<hbm>>
    tpu.enqueue_dma source(%arg27 : memref<3380xf32, #tpu.memory_space<vmem>>) target(%dma_start3A_1237 : memref<3380xf32, #tpu.memory_space<hbm>>) target_semaphore(%arg34 : memref<!tpu.dma_semaphore, #tpu.memory_space<semaphore_mem>>)
    %dma_start3A_1238 = arith.constant 0 : i32
    %dma_start3A_1239 = tpu.memref_slice %arg13[%add3A_1183, %dma_start3A_1238] : memref<64x3380xf32, #tpu.memory_space<hbm>> -> memref<1x3380xf32, #tpu.memory_space<hbm>>
    %dma_start3A_1240 = tpu.memref_squeeze %dma_start3A_1239 : memref<1x3380xf32, #tpu.memory_space<hbm>> -> memref<3380xf32, #tpu.memory_space<hbm>>
    %dma_start3A_1241 = arith.constant 0 : i32
    %dma_start3A_1242 = tpu.memref_slice %arg13[%add3A_1183, %dma_start3A_1241] : memref<64x3380xf32, #tpu.memory_space<hbm>> -> memref<1x3380xf32, #tpu.memory_space<hbm>>
    %dma_start3A_1243 = tpu.memref_squeeze %dma_start3A_1242 : memref<1x3380xf32, #tpu.memory_space<hbm>> -> memref<3380xf32, #tpu.memory_space<hbm>>
    tpu.enqueue_dma source(%arg29 : memref<3380xf32, #tpu.memory_space<vmem>>) target(%dma_start3A_1243 : memref<3380xf32, #tpu.memory_space<hbm>>) target_semaphore(%arg34 : memref<!tpu.dma_semaphore, #tpu.memory_space<semaphore_mem>>)
    %dma_wait3A_1244 = arith.constant 0 : i32
    %dma_wait3A_1245 = tpu.memref_slice %arg8[%mul3A_627, %dma_wait3A_1244] : memref<128x3380xf32, #tpu.memory_space<hbm>> -> memref<1x3380xf32, #tpu.memory_space<hbm>>
    %dma_wait3A_1246 = tpu.memref_squeeze %dma_wait3A_1245 : memref<1x3380xf32, #tpu.memory_space<hbm>> -> memref<3380xf32, #tpu.memory_space<hbm>>
    %dma_wait3A_1247 = arith.constant 0 : i32
    %dma_wait3A_1248 = tpu.memref_slice %arg8[%mul3A_627, %dma_wait3A_1247] : memref<128x3380xf32, #tpu.memory_space<hbm>> -> memref<1x3380xf32, #tpu.memory_space<hbm>>
    %dma_wait3A_1249 = tpu.memref_squeeze %dma_wait3A_1248 : memref<1x3380xf32, #tpu.memory_space<hbm>> -> memref<3380xf32, #tpu.memory_space<hbm>>
    tpu.wait_dma2 semaphore(%arg34 : memref<!tpu.dma_semaphore, #tpu.memory_space<semaphore_mem>>) src(%arg14 : memref<3380xf32, #tpu.memory_space<vmem>>) dst(%dma_wait3A_1249 : memref<3380xf32, #tpu.memory_space<hbm>>)
    %dma_wait3A_1250 = arith.constant 0 : i32
    %dma_wait3A_1251 = tpu.memref_slice %arg8[%add3A_631, %dma_wait3A_1250] : memref<128x3380xf32, #tpu.memory_space<hbm>> -> memref<1x3380xf32, #tpu.memory_space<hbm>>
    %dma_wait3A_1252 = tpu.memref_squeeze %dma_wait3A_1251 : memref<1x3380xf32, #tpu.memory_space<hbm>> -> memref<3380xf32, #tpu.memory_space<hbm>>
    %dma_wait3A_1253 = arith.constant 0 : i32
    %dma_wait3A_1254 = tpu.memref_slice %arg8[%add3A_631, %dma_wait3A_1253] : memref<128x3380xf32, #tpu.memory_space<hbm>> -> memref<1x3380xf32, #tpu.memory_space<hbm>>
    %dma_wait3A_1255 = tpu.memref_squeeze %dma_wait3A_1254 : memref<1x3380xf32, #tpu.memory_space<hbm>> -> memref<3380xf32, #tpu.memory_space<hbm>>
    tpu.wait_dma2 semaphore(%arg34 : memref<!tpu.dma_semaphore, #tpu.memory_space<semaphore_mem>>) src(%arg15 : memref<3380xf32, #tpu.memory_space<vmem>>) dst(%dma_wait3A_1255 : memref<3380xf32, #tpu.memory_space<hbm>>)
    %dma_wait3A_1256 = arith.constant 0 : i32
    %dma_wait3A_1257 = tpu.memref_slice %arg9[%mul3A_633, %dma_wait3A_1256] : memref<128x3380xf32, #tpu.memory_space<hbm>> -> memref<1x3380xf32, #tpu.memory_space<hbm>>
    %dma_wait3A_1258 = tpu.memref_squeeze %dma_wait3A_1257 : memref<1x3380xf32, #tpu.memory_space<hbm>> -> memref<3380xf32, #tpu.memory_space<hbm>>
    %dma_wait3A_1259 = arith.constant 0 : i32
    %dma_wait3A_1260 = tpu.memref_slice %arg9[%mul3A_633, %dma_wait3A_1259] : memref<128x3380xf32, #tpu.memory_space<hbm>> -> memref<1x3380xf32, #tpu.memory_space<hbm>>
    %dma_wait3A_1261 = tpu.memref_squeeze %dma_wait3A_1260 : memref<1x3380xf32, #tpu.memory_space<hbm>> -> memref<3380xf32, #tpu.memory_space<hbm>>
    tpu.wait_dma2 semaphore(%arg34 : memref<!tpu.dma_semaphore, #tpu.memory_space<semaphore_mem>>) src(%arg16 : memref<3380xf32, #tpu.memory_space<vmem>>) dst(%dma_wait3A_1261 : memref<3380xf32, #tpu.memory_space<hbm>>)
    %dma_wait3A_1262 = arith.constant 0 : i32
    %dma_wait3A_1263 = tpu.memref_slice %arg9[%add3A_637, %dma_wait3A_1262] : memref<128x3380xf32, #tpu.memory_space<hbm>> -> memref<1x3380xf32, #tpu.memory_space<hbm>>
    %dma_wait3A_1264 = tpu.memref_squeeze %dma_wait3A_1263 : memref<1x3380xf32, #tpu.memory_space<hbm>> -> memref<3380xf32, #tpu.memory_space<hbm>>
    %dma_wait3A_1265 = arith.constant 0 : i32
    %dma_wait3A_1266 = tpu.memref_slice %arg9[%add3A_637, %dma_wait3A_1265] : memref<128x3380xf32, #tpu.memory_space<hbm>> -> memref<1x3380xf32, #tpu.memory_space<hbm>>
    %dma_wait3A_1267 = tpu.memref_squeeze %dma_wait3A_1266 : memref<1x3380xf32, #tpu.memory_space<hbm>> -> memref<3380xf32, #tpu.memory_space<hbm>>
    tpu.wait_dma2 semaphore(%arg34 : memref<!tpu.dma_semaphore, #tpu.memory_space<semaphore_mem>>) src(%arg17 : memref<3380xf32, #tpu.memory_space<vmem>>) dst(%dma_wait3A_1267 : memref<3380xf32, #tpu.memory_space<hbm>>)
    %dma_wait3A_1268 = arith.constant 0 : i32
    %dma_wait3A_1269 = tpu.memref_slice %arg10[%add3A_625, %dma_wait3A_1268] : memref<64x3380xf32, #tpu.memory_space<hbm>> -> memref<1x3380xf32, #tpu.memory_space<hbm>>
    %dma_wait3A_1270 = tpu.memref_squeeze %dma_wait3A_1269 : memref<1x3380xf32, #tpu.memory_space<hbm>> -> memref<3380xf32, #tpu.memory_space<hbm>>
    %dma_wait3A_1271 = arith.constant 0 : i32
    %dma_wait3A_1272 = tpu.memref_slice %arg10[%add3A_625, %dma_wait3A_1271] : memref<64x3380xf32, #tpu.memory_space<hbm>> -> memref<1x3380xf32, #tpu.memory_space<hbm>>
    %dma_wait3A_1273 = tpu.memref_squeeze %dma_wait3A_1272 : memref<1x3380xf32, #tpu.memory_space<hbm>> -> memref<3380xf32, #tpu.memory_space<hbm>>
    tpu.wait_dma2 semaphore(%arg34 : memref<!tpu.dma_semaphore, #tpu.memory_space<semaphore_mem>>) src(%arg20 : memref<3380xf32, #tpu.memory_space<vmem>>) dst(%dma_wait3A_1273 : memref<3380xf32, #tpu.memory_space<hbm>>)
    %dma_wait3A_1274 = arith.constant 0 : i32
    %dma_wait3A_1275 = tpu.memref_slice %arg11[%add3A_625, %dma_wait3A_1274] : memref<64x3380xf32, #tpu.memory_space<hbm>> -> memref<1x3380xf32, #tpu.memory_space<hbm>>
    %dma_wait3A_1276 = tpu.memref_squeeze %dma_wait3A_1275 : memref<1x3380xf32, #tpu.memory_space<hbm>> -> memref<3380xf32, #tpu.memory_space<hbm>>
    %dma_wait3A_1277 = arith.constant 0 : i32
    %dma_wait3A_1278 = tpu.memref_slice %arg11[%add3A_625, %dma_wait3A_1277] : memref<64x3380xf32, #tpu.memory_space<hbm>> -> memref<1x3380xf32, #tpu.memory_space<hbm>>
    %dma_wait3A_1279 = tpu.memref_squeeze %dma_wait3A_1278 : memref<1x3380xf32, #tpu.memory_space<hbm>> -> memref<3380xf32, #tpu.memory_space<hbm>>
    tpu.wait_dma2 semaphore(%arg34 : memref<!tpu.dma_semaphore, #tpu.memory_space<semaphore_mem>>) src(%arg18 : memref<3380xf32, #tpu.memory_space<vmem>>) dst(%dma_wait3A_1279 : memref<3380xf32, #tpu.memory_space<hbm>>)
    %dma_wait3A_1280 = arith.constant 0 : i32
    %dma_wait3A_1281 = tpu.memref_slice %arg12[%add3A_625, %dma_wait3A_1280] : memref<64x3380xf32, #tpu.memory_space<hbm>> -> memref<1x3380xf32, #tpu.memory_space<hbm>>
    %dma_wait3A_1282 = tpu.memref_squeeze %dma_wait3A_1281 : memref<1x3380xf32, #tpu.memory_space<hbm>> -> memref<3380xf32, #tpu.memory_space<hbm>>
    %dma_wait3A_1283 = arith.constant 0 : i32
    %dma_wait3A_1284 = tpu.memref_slice %arg12[%add3A_625, %dma_wait3A_1283] : memref<64x3380xf32, #tpu.memory_space<hbm>> -> memref<1x3380xf32, #tpu.memory_space<hbm>>
    %dma_wait3A_1285 = tpu.memref_squeeze %dma_wait3A_1284 : memref<1x3380xf32, #tpu.memory_space<hbm>> -> memref<3380xf32, #tpu.memory_space<hbm>>
    tpu.wait_dma2 semaphore(%arg34 : memref<!tpu.dma_semaphore, #tpu.memory_space<semaphore_mem>>) src(%arg19 : memref<3380xf32, #tpu.memory_space<vmem>>) dst(%dma_wait3A_1285 : memref<3380xf32, #tpu.memory_space<hbm>>)
    %dma_wait3A_1286 = arith.constant 0 : i32
    %dma_wait3A_1287 = tpu.memref_slice %arg13[%add3A_625, %dma_wait3A_1286] : memref<64x3380xf32, #tpu.memory_space<hbm>> -> memref<1x3380xf32, #tpu.memory_space<hbm>>
    %dma_wait3A_1288 = tpu.memref_squeeze %dma_wait3A_1287 : memref<1x3380xf32, #tpu.memory_space<hbm>> -> memref<3380xf32, #tpu.memory_space<hbm>>
    %dma_wait3A_1289 = arith.constant 0 : i32
    %dma_wait3A_1290 = tpu.memref_slice %arg13[%add3A_625, %dma_wait3A_1289] : memref<64x3380xf32, #tpu.memory_space<hbm>> -> memref<1x3380xf32, #tpu.memory_space<hbm>>
    %dma_wait3A_1291 = tpu.memref_squeeze %dma_wait3A_1290 : memref<1x3380xf32, #tpu.memory_space<hbm>> -> memref<3380xf32, #tpu.memory_space<hbm>>
    tpu.wait_dma2 semaphore(%arg34 : memref<!tpu.dma_semaphore, #tpu.memory_space<semaphore_mem>>) src(%arg21 : memref<3380xf32, #tpu.memory_space<vmem>>) dst(%dma_wait3A_1291 : memref<3380xf32, #tpu.memory_space<hbm>>)
    %dma_wait3A_1292 = arith.constant 0 : i32
    %dma_wait3A_1293 = tpu.memref_slice %arg8[%mul3A_1185, %dma_wait3A_1292] : memref<128x3380xf32, #tpu.memory_space<hbm>> -> memref<1x3380xf32, #tpu.memory_space<hbm>>
    %dma_wait3A_1294 = tpu.memref_squeeze %dma_wait3A_1293 : memref<1x3380xf32, #tpu.memory_space<hbm>> -> memref<3380xf32, #tpu.memory_space<hbm>>
    %dma_wait3A_1295 = arith.constant 0 : i32
    %dma_wait3A_1296 = tpu.memref_slice %arg8[%mul3A_1185, %dma_wait3A_1295] : memref<128x3380xf32, #tpu.memory_space<hbm>> -> memref<1x3380xf32, #tpu.memory_space<hbm>>
    %dma_wait3A_1297 = tpu.memref_squeeze %dma_wait3A_1296 : memref<1x3380xf32, #tpu.memory_space<hbm>> -> memref<3380xf32, #tpu.memory_space<hbm>>
    tpu.wait_dma2 semaphore(%arg34 : memref<!tpu.dma_semaphore, #tpu.memory_space<semaphore_mem>>) src(%arg22 : memref<3380xf32, #tpu.memory_space<vmem>>) dst(%dma_wait3A_1297 : memref<3380xf32, #tpu.memory_space<hbm>>)
    %dma_wait3A_1298 = arith.constant 0 : i32
    %dma_wait3A_1299 = tpu.memref_slice %arg8[%add3A_1189, %dma_wait3A_1298] : memref<128x3380xf32, #tpu.memory_space<hbm>> -> memref<1x3380xf32, #tpu.memory_space<hbm>>
    %dma_wait3A_1300 = tpu.memref_squeeze %dma_wait3A_1299 : memref<1x3380xf32, #tpu.memory_space<hbm>> -> memref<3380xf32, #tpu.memory_space<hbm>>
    %dma_wait3A_1301 = arith.constant 0 : i32
    %dma_wait3A_1302 = tpu.memref_slice %arg8[%add3A_1189, %dma_wait3A_1301] : memref<128x3380xf32, #tpu.memory_space<hbm>> -> memref<1x3380xf32, #tpu.memory_space<hbm>>
    %dma_wait3A_1303 = tpu.memref_squeeze %dma_wait3A_1302 : memref<1x3380xf32, #tpu.memory_space<hbm>> -> memref<3380xf32, #tpu.memory_space<hbm>>
    tpu.wait_dma2 semaphore(%arg34 : memref<!tpu.dma_semaphore, #tpu.memory_space<semaphore_mem>>) src(%arg23 : memref<3380xf32, #tpu.memory_space<vmem>>) dst(%dma_wait3A_1303 : memref<3380xf32, #tpu.memory_space<hbm>>)
    %dma_wait3A_1304 = arith.constant 0 : i32
    %dma_wait3A_1305 = tpu.memref_slice %arg9[%mul3A_1191, %dma_wait3A_1304] : memref<128x3380xf32, #tpu.memory_space<hbm>> -> memref<1x3380xf32, #tpu.memory_space<hbm>>
    %dma_wait3A_1306 = tpu.memref_squeeze %dma_wait3A_1305 : memref<1x3380xf32, #tpu.memory_space<hbm>> -> memref<3380xf32, #tpu.memory_space<hbm>>
    %dma_wait3A_1307 = arith.constant 0 : i32
    %dma_wait3A_1308 = tpu.memref_slice %arg9[%mul3A_1191, %dma_wait3A_1307] : memref<128x3380xf32, #tpu.memory_space<hbm>> -> memref<1x3380xf32, #tpu.memory_space<hbm>>
    %dma_wait3A_1309 = tpu.memref_squeeze %dma_wait3A_1308 : memref<1x3380xf32, #tpu.memory_space<hbm>> -> memref<3380xf32, #tpu.memory_space<hbm>>
    tpu.wait_dma2 semaphore(%arg34 : memref<!tpu.dma_semaphore, #tpu.memory_space<semaphore_mem>>) src(%arg24 : memref<3380xf32, #tpu.memory_space<vmem>>) dst(%dma_wait3A_1309 : memref<3380xf32, #tpu.memory_space<hbm>>)
    %dma_wait3A_1310 = arith.constant 0 : i32
    %dma_wait3A_1311 = tpu.memref_slice %arg9[%add3A_1195, %dma_wait3A_1310] : memref<128x3380xf32, #tpu.memory_space<hbm>> -> memref<1x3380xf32, #tpu.memory_space<hbm>>
    %dma_wait3A_1312 = tpu.memref_squeeze %dma_wait3A_1311 : memref<1x3380xf32, #tpu.memory_space<hbm>> -> memref<3380xf32, #tpu.memory_space<hbm>>
    %dma_wait3A_1313 = arith.constant 0 : i32
    %dma_wait3A_1314 = tpu.memref_slice %arg9[%add3A_1195, %dma_wait3A_1313] : memref<128x3380xf32, #tpu.memory_space<hbm>> -> memref<1x3380xf32, #tpu.memory_space<hbm>>
    %dma_wait3A_1315 = tpu.memref_squeeze %dma_wait3A_1314 : memref<1x3380xf32, #tpu.memory_space<hbm>> -> memref<3380xf32, #tpu.memory_space<hbm>>
    tpu.wait_dma2 semaphore(%arg34 : memref<!tpu.dma_semaphore, #tpu.memory_space<semaphore_mem>>) src(%arg25 : memref<3380xf32, #tpu.memory_space<vmem>>) dst(%dma_wait3A_1315 : memref<3380xf32, #tpu.memory_space<hbm>>)
    %dma_wait3A_1316 = arith.constant 0 : i32
    %dma_wait3A_1317 = tpu.memref_slice %arg10[%add3A_1183, %dma_wait3A_1316] : memref<64x3380xf32, #tpu.memory_space<hbm>> -> memref<1x3380xf32, #tpu.memory_space<hbm>>
    %dma_wait3A_1318 = tpu.memref_squeeze %dma_wait3A_1317 : memref<1x3380xf32, #tpu.memory_space<hbm>> -> memref<3380xf32, #tpu.memory_space<hbm>>
    %dma_wait3A_1319 = arith.constant 0 : i32
    %dma_wait3A_1320 = tpu.memref_slice %arg10[%add3A_1183, %dma_wait3A_1319] : memref<64x3380xf32, #tpu.memory_space<hbm>> -> memref<1x3380xf32, #tpu.memory_space<hbm>>
    %dma_wait3A_1321 = tpu.memref_squeeze %dma_wait3A_1320 : memref<1x3380xf32, #tpu.memory_space<hbm>> -> memref<3380xf32, #tpu.memory_space<hbm>>
    tpu.wait_dma2 semaphore(%arg34 : memref<!tpu.dma_semaphore, #tpu.memory_space<semaphore_mem>>) src(%arg28 : memref<3380xf32, #tpu.memory_space<vmem>>) dst(%dma_wait3A_1321 : memref<3380xf32, #tpu.memory_space<hbm>>)
    %dma_wait3A_1322 = arith.constant 0 : i32
    %dma_wait3A_1323 = tpu.memref_slice %arg11[%add3A_1183, %dma_wait3A_1322] : memref<64x3380xf32, #tpu.memory_space<hbm>> -> memref<1x3380xf32, #tpu.memory_space<hbm>>
    %dma_wait3A_1324 = tpu.memref_squeeze %dma_wait3A_1323 : memref<1x3380xf32, #tpu.memory_space<hbm>> -> memref<3380xf32, #tpu.memory_space<hbm>>
    %dma_wait3A_1325 = arith.constant 0 : i32
    %dma_wait3A_1326 = tpu.memref_slice %arg11[%add3A_1183, %dma_wait3A_1325] : memref<64x3380xf32, #tpu.memory_space<hbm>> -> memref<1x3380xf32, #tpu.memory_space<hbm>>
    %dma_wait3A_1327 = tpu.memref_squeeze %dma_wait3A_1326 : memref<1x3380xf32, #tpu.memory_space<hbm>> -> memref<3380xf32, #tpu.memory_space<hbm>>
    tpu.wait_dma2 semaphore(%arg34 : memref<!tpu.dma_semaphore, #tpu.memory_space<semaphore_mem>>) src(%arg26 : memref<3380xf32, #tpu.memory_space<vmem>>) dst(%dma_wait3A_1327 : memref<3380xf32, #tpu.memory_space<hbm>>)
    %dma_wait3A_1328 = arith.constant 0 : i32
    %dma_wait3A_1329 = tpu.memref_slice %arg12[%add3A_1183, %dma_wait3A_1328] : memref<64x3380xf32, #tpu.memory_space<hbm>> -> memref<1x3380xf32, #tpu.memory_space<hbm>>
    %dma_wait3A_1330 = tpu.memref_squeeze %dma_wait3A_1329 : memref<1x3380xf32, #tpu.memory_space<hbm>> -> memref<3380xf32, #tpu.memory_space<hbm>>
    %dma_wait3A_1331 = arith.constant 0 : i32
    %dma_wait3A_1332 = tpu.memref_slice %arg12[%add3A_1183, %dma_wait3A_1331] : memref<64x3380xf32, #tpu.memory_space<hbm>> -> memref<1x3380xf32, #tpu.memory_space<hbm>>
    %dma_wait3A_1333 = tpu.memref_squeeze %dma_wait3A_1332 : memref<1x3380xf32, #tpu.memory_space<hbm>> -> memref<3380xf32, #tpu.memory_space<hbm>>
    tpu.wait_dma2 semaphore(%arg34 : memref<!tpu.dma_semaphore, #tpu.memory_space<semaphore_mem>>) src(%arg27 : memref<3380xf32, #tpu.memory_space<vmem>>) dst(%dma_wait3A_1333 : memref<3380xf32, #tpu.memory_space<hbm>>)
    %dma_wait3A_1334 = arith.constant 0 : i32
    %dma_wait3A_1335 = tpu.memref_slice %arg13[%add3A_1183, %dma_wait3A_1334] : memref<64x3380xf32, #tpu.memory_space<hbm>> -> memref<1x3380xf32, #tpu.memory_space<hbm>>
    %dma_wait3A_1336 = tpu.memref_squeeze %dma_wait3A_1335 : memref<1x3380xf32, #tpu.memory_space<hbm>> -> memref<3380xf32, #tpu.memory_space<hbm>>
    %dma_wait3A_1337 = arith.constant 0 : i32
    %dma_wait3A_1338 = tpu.memref_slice %arg13[%add3A_1183, %dma_wait3A_1337] : memref<64x3380xf32, #tpu.memory_space<hbm>> -> memref<1x3380xf32, #tpu.memory_space<hbm>>
    %dma_wait3A_1339 = tpu.memref_squeeze %dma_wait3A_1338 : memref<1x3380xf32, #tpu.memory_space<hbm>> -> memref<3380xf32, #tpu.memory_space<hbm>>
    tpu.wait_dma2 semaphore(%arg34 : memref<!tpu.dma_semaphore, #tpu.memory_space<semaphore_mem>>) src(%arg29 : memref<3380xf32, #tpu.memory_space<vmem>>) dst(%dma_wait3A_1339 : memref<3380xf32, #tpu.memory_space<hbm>>)
    return
  }
}

module attributes {stable_mosaic.version = 14 : i64} {
  func.func @_tc_body(%arg0: i32, %arg1: memref<1x2x3380xf32, #tpu.memory_space<vmem>>, %arg2: memref<1x2x3380xf32, #tpu.memory_space<vmem>>, %arg3: memref<1x1x3380xf32, #tpu.memory_space<vmem>>, %arg4: memref<1x30x5xf32, #tpu.memory_space<vmem>>, %arg5: memref<1x10xf32, #tpu.memory_space<vmem>>, %arg6: memref<1x2x3380xf32, #tpu.memory_space<vmem>>, %arg7: memref<1x1x3380xf32, #tpu.memory_space<vmem>>, %arg8: memref<1x16x32xf32, #tpu.memory_space<vmem>>) attributes {dimension_semantics = [#tpu.dimension_semantics<arbitrary>], iteration_bounds = array<i64: 64>, scalar_prefetch = 0 : i64, scratch_operands = 0 : i64, tpu.core_type = #tpu.core_type<tc>, window_params = [{transform_indices = @transform_0, window_bounds = array<i64: 1, 2, 3380>}, {transform_indices = @transform_1, window_bounds = array<i64: 1, 2, 3380>}, {transform_indices = @transform_2, window_bounds = array<i64: 1, 1, 3380>}, {transform_indices = @transform_3, window_bounds = array<i64: 1, 30, 5>}, {pipeline_mode = #tpu.pipeline_mode<synchronous>, transform_indices = @transform_4, window_bounds = array<i64: 1, 10>}, {pipeline_mode = #tpu.pipeline_mode<synchronous>, transform_indices = @transform_5, window_bounds = array<i64: 1, 2, 3380>}, {transform_indices = @transform_6, window_bounds = array<i64: 1, 1, 3380>}, {transform_indices = @transform_7, window_bounds = array<i64: 1, 16, 32>}]} {
    %get3A = arith.constant 0 : index
    %get3A_0 = arith.constant 0 : index
    %get3A_1 = arith.constant 0 : index
    %get3A_2 = vector.load %arg4[%get3A, %get3A_0, %get3A_1] : memref<1x30x5xf32, #tpu.memory_space<vmem>>, vector<1x30x1xf32>
    %get3A_3 = vector.shape_cast %get3A_2 : vector<1x30x1xf32> to vector<30x1xf32>
    %get3A_4 = arith.constant 0 : index
    %get3A_5 = arith.constant 0 : index
    %get3A_6 = arith.constant 1 : index
    %get3A_7 = vector.load %arg4[%get3A_4, %get3A_5, %get3A_6] : memref<1x30x5xf32, #tpu.memory_space<vmem>>, vector<1x30x1xf32>
    %get3A_8 = vector.shape_cast %get3A_7 : vector<1x30x1xf32> to vector<30x1xf32>
    %get3A_9 = arith.constant 0 : index
    %get3A_10 = arith.constant 0 : index
    %get3A_11 = arith.constant 2 : index
    %get3A_12 = vector.load %arg4[%get3A_9, %get3A_10, %get3A_11] : memref<1x30x5xf32, #tpu.memory_space<vmem>>, vector<1x30x1xf32>
    %get3A_13 = vector.shape_cast %get3A_12 : vector<1x30x1xf32> to vector<30x1xf32>
    %get3A_14 = arith.constant 0 : index
    %get3A_15 = arith.constant 0 : index
    %get3A_16 = arith.constant 3 : index
    %get3A_17 = vector.load %arg4[%get3A_14, %get3A_15, %get3A_16] : memref<1x30x5xf32, #tpu.memory_space<vmem>>, vector<1x30x1xf32>
    %get3A_18 = vector.shape_cast %get3A_17 : vector<1x30x1xf32> to vector<30x1xf32>
    %get3A_19 = arith.constant 0 : index
    %get3A_20 = arith.constant 0 : index
    %get3A_21 = arith.constant 4 : index
    %get3A_22 = vector.load %arg4[%get3A_19, %get3A_20, %get3A_21] : memref<1x30x5xf32, #tpu.memory_space<vmem>>, vector<1x30x1xf32>
    %get3A_23 = vector.shape_cast %get3A_22 : vector<1x30x1xf32> to vector<30x1xf32>
    %gt3A = arith.constant 9.99999997E-7 : f32
    %gt3A_24 = vector.broadcast %gt3A : f32 to vector<30x1xf32>
    %gt3A_25 = arith.cmpf ogt, %get3A_13, %gt3A_24 : vector<30x1xf32>
    %mul3A = arith.constant 2.600000e+01 : f32
    %mul3A_26 = vector.broadcast %mul3A : f32 to vector<30x1xf32>
    %mul3A_27 = arith.mulf %get3A_13, %mul3A_26 : vector<30x1xf32>
    %mul3A_28 = arith.constant 2.600000e+01 : f32
    %mul3A_29 = vector.broadcast %mul3A_28 : f32 to vector<30x1xf32>
    %mul3A_30 = arith.mulf %get3A_18, %mul3A_29 : vector<30x1xf32>
    %mul3A_31 = arith.constant 2.600000e+01 : f32
    %mul3A_32 = vector.broadcast %mul3A_31 : f32 to vector<30x1xf32>
    %mul3A_33 = arith.mulf %get3A_3, %mul3A_32 : vector<30x1xf32>
    %convert_element_type3A = arith.fptosi %mul3A_33 : vector<30x1xf32> to vector<30x1xi32>
    %jit3A = arith.constant 0 : i32
    %jit3A_34 = arith.constant 25 : i32
    %max3A = vector.broadcast %jit3A : i32 to vector<30x1xi32>
    %max3A_35 = arith.maxsi %max3A, %convert_element_type3A : vector<30x1xi32>
    %min3A = vector.broadcast %jit3A_34 : i32 to vector<30x1xi32>
    %min3A_36 = arith.minsi %min3A, %max3A_35 : vector<30x1xi32>
    %mul3A_37 = arith.constant 2.600000e+01 : f32
    %mul3A_38 = vector.broadcast %mul3A_37 : f32 to vector<30x1xf32>
    %mul3A_39 = arith.mulf %get3A_8, %mul3A_38 : vector<30x1xf32>
    %convert_element_type3A_40 = arith.fptosi %mul3A_39 : vector<30x1xf32> to vector<30x1xi32>
    %jit3A_41 = arith.constant 0 : i32
    %jit3A_42 = arith.constant 25 : i32
    %max3A_43 = vector.broadcast %jit3A_41 : i32 to vector<30x1xi32>
    %max3A_44 = arith.maxsi %max3A_43, %convert_element_type3A_40 : vector<30x1xi32>
    %min3A_45 = vector.broadcast %jit3A_42 : i32 to vector<30x1xi32>
    %min3A_46 = arith.minsi %min3A_45, %max3A_44 : vector<30x1xi32>
    %mul3A_47 = arith.constant 2.600000e+01 : f32
    %mul3A_48 = vector.broadcast %mul3A_47 : f32 to vector<30x1xf32>
    %mul3A_49 = arith.mulf %get3A_3, %mul3A_48 : vector<30x1xf32>
    %convert_element_type3A_50 = arith.sitofp %min3A_36 : vector<30x1xi32> to vector<30x1xf32>
    %sub3A = arith.subf %mul3A_49, %convert_element_type3A_50 : vector<30x1xf32>
    %mul3A_51 = arith.constant 2.600000e+01 : f32
    %mul3A_52 = vector.broadcast %mul3A_51 : f32 to vector<30x1xf32>
    %mul3A_53 = arith.mulf %get3A_8, %mul3A_52 : vector<30x1xf32>
    %convert_element_type3A_54 = arith.sitofp %min3A_46 : vector<30x1xi32> to vector<30x1xf32>
    %sub3A_55 = arith.subf %mul3A_53, %convert_element_type3A_54 : vector<30x1xf32>
    %mul3A_56 = arith.mulf %get3A_13, %get3A_18 : vector<30x1xf32>
    %sub3A_57 = arith.constant 2.000000e+00 : f32
    %sub3A_58 = vector.broadcast %sub3A_57 : f32 to vector<30x1xf32>
    %sub3A_59 = arith.subf %sub3A_58, %mul3A_56 : vector<30x1xf32>
    %broadcast_in_dim3A = arith.constant -1.000000e+00 : f32
    %broadcast_in_dim3A_60 = vector.broadcast %broadcast_in_dim3A : f32 to vector<30x1xf32>
    %broadcast_in_dim3A_61 = arith.constant 0 : i32
    %broadcast_in_dim3A_62 = vector.broadcast %broadcast_in_dim3A_61 : i32 to vector<30x1xi32>
    %broadcast_in_dim3A_63 = arith.constant 0.000000e+00 : f32
    %broadcast_in_dim3A_64 = vector.broadcast %broadcast_in_dim3A_63 : f32 to vector<30x1xf32>
    %broadcast_in_dim3A_65 = arith.constant 0.000000e+00 : f32
    %broadcast_in_dim3A_66 = vector.broadcast %broadcast_in_dim3A_65 : f32 to vector<30x1xf32>
    %get3A_67 = arith.constant 0 : index
    %get3A_68 = arith.constant 0 : index
    %get3A_69 = vector.load %arg5[%get3A_67, %get3A_68] : memref<1x10xf32, #tpu.memory_space<vmem>>, vector<1x1xf32>
    %get3A_70 = arith.constant 0 : index
    %get3A_71 = arith.constant 1 : index
    %get3A_72 = vector.load %arg5[%get3A_70, %get3A_71] : memref<1x10xf32, #tpu.memory_space<vmem>>, vector<1x1xf32>
    %min3A_73 = vector.broadcast %get3A_69 : vector<1x1xf32> to vector<30x1xf32>
    %min3A_74 = arith.minimumf %mul3A_27, %min3A_73 : vector<30x1xf32>
    %min3A_75 = vector.broadcast %get3A_72 : vector<1x1xf32> to vector<30x1xf32>
    %min3A_76 = arith.minimumf %mul3A_30, %min3A_75 : vector<30x1xf32>
    %mul3A_77 = arith.mulf %min3A_74, %min3A_76 : vector<30x1xf32>
    %mul3A_78 = arith.mulf %mul3A_27, %mul3A_30 : vector<30x1xf32>
    %mul3A_79 = arith.mulf %get3A_69, %get3A_72 : vector<1x1xf32>
    %add3A = vector.broadcast %mul3A_79 : vector<1x1xf32> to vector<30x1xf32>
    %add3A_80 = arith.addf %mul3A_78, %add3A : vector<30x1xf32>
    %sub3A_81 = arith.subf %add3A_80, %mul3A_77 : vector<30x1xf32>
    %max3A_82 = arith.constant 9.99999996E-13 : f32
    %max3A_83 = vector.broadcast %max3A_82 : f32 to vector<30x1xf32>
    %max3A_84 = arith.maximumf %sub3A_81, %max3A_83 : vector<30x1xf32>
    %div3A = arith.divf %mul3A_77, %max3A_84 : vector<30x1xf32>
    %gt3A_85 = arith.cmpf ogt, %div3A, %broadcast_in_dim3A_60 : vector<30x1xf32>
    %select_n3A = arith.select %gt3A_85, %div3A, %broadcast_in_dim3A_60 : vector<30x1xi1>, vector<30x1xf32>
    %jit3A_86 = arith.constant 0 : i32
    %broadcast_in_dim3A_87 = vector.broadcast %jit3A_86 : i32 to vector<30x1xi32>
    %select_n3A_88 = arith.select %gt3A_85, %broadcast_in_dim3A_87, %broadcast_in_dim3A_62 : vector<30x1xi1>, vector<30x1xi32>
    %broadcast_in_dim3A_89 = vector.shape_cast %get3A_69 : vector<1x1xf32> to vector<1x1xf32>
    %broadcast_in_dim3A_90 = vector.broadcast %broadcast_in_dim3A_89 : vector<1x1xf32> to vector<30x1xf32>
    %select_n3A_91 = arith.select %gt3A_85, %broadcast_in_dim3A_90, %broadcast_in_dim3A_64 : vector<30x1xi1>, vector<30x1xf32>
    %broadcast_in_dim3A_92 = vector.shape_cast %get3A_72 : vector<1x1xf32> to vector<1x1xf32>
    %broadcast_in_dim3A_93 = vector.broadcast %broadcast_in_dim3A_92 : vector<1x1xf32> to vector<30x1xf32>
    %select_n3A_94 = arith.select %gt3A_85, %broadcast_in_dim3A_93, %broadcast_in_dim3A_66 : vector<30x1xi1>, vector<30x1xf32>
    %get3A_95 = arith.constant 0 : index
    %get3A_96 = arith.constant 2 : index
    %get3A_97 = vector.load %arg5[%get3A_95, %get3A_96] : memref<1x10xf32, #tpu.memory_space<vmem>>, vector<1x1xf32>
    %get3A_98 = arith.constant 0 : index
    %get3A_99 = arith.constant 3 : index
    %get3A_100 = vector.load %arg5[%get3A_98, %get3A_99] : memref<1x10xf32, #tpu.memory_space<vmem>>, vector<1x1xf32>
    %min3A_101 = vector.broadcast %get3A_97 : vector<1x1xf32> to vector<30x1xf32>
    %min3A_102 = arith.minimumf %mul3A_27, %min3A_101 : vector<30x1xf32>
    %min3A_103 = vector.broadcast %get3A_100 : vector<1x1xf32> to vector<30x1xf32>
    %min3A_104 = arith.minimumf %mul3A_30, %min3A_103 : vector<30x1xf32>
    %mul3A_105 = arith.mulf %min3A_102, %min3A_104 : vector<30x1xf32>
    %mul3A_106 = arith.mulf %mul3A_27, %mul3A_30 : vector<30x1xf32>
    %mul3A_107 = arith.mulf %get3A_97, %get3A_100 : vector<1x1xf32>
    %add3A_108 = vector.broadcast %mul3A_107 : vector<1x1xf32> to vector<30x1xf32>
    %add3A_109 = arith.addf %mul3A_106, %add3A_108 : vector<30x1xf32>
    %sub3A_110 = arith.subf %add3A_109, %mul3A_105 : vector<30x1xf32>
    %max3A_111 = arith.constant 9.99999996E-13 : f32
    %max3A_112 = vector.broadcast %max3A_111 : f32 to vector<30x1xf32>
    %max3A_113 = arith.maximumf %sub3A_110, %max3A_112 : vector<30x1xf32>
    %div3A_114 = arith.divf %mul3A_105, %max3A_113 : vector<30x1xf32>
    %gt3A_115 = arith.cmpf ogt, %div3A_114, %select_n3A : vector<30x1xf32>
    %select_n3A_116 = arith.select %gt3A_115, %div3A_114, %select_n3A : vector<30x1xi1>, vector<30x1xf32>
    %jit3A_117 = arith.constant 1 : i32
    %broadcast_in_dim3A_118 = vector.broadcast %jit3A_117 : i32 to vector<30x1xi32>
    %select_n3A_119 = arith.select %gt3A_115, %broadcast_in_dim3A_118, %select_n3A_88 : vector<30x1xi1>, vector<30x1xi32>
    %broadcast_in_dim3A_120 = vector.shape_cast %get3A_97 : vector<1x1xf32> to vector<1x1xf32>
    %broadcast_in_dim3A_121 = vector.broadcast %broadcast_in_dim3A_120 : vector<1x1xf32> to vector<30x1xf32>
    %select_n3A_122 = arith.select %gt3A_115, %broadcast_in_dim3A_121, %select_n3A_91 : vector<30x1xi1>, vector<30x1xf32>
    %broadcast_in_dim3A_123 = vector.shape_cast %get3A_100 : vector<1x1xf32> to vector<1x1xf32>
    %broadcast_in_dim3A_124 = vector.broadcast %broadcast_in_dim3A_123 : vector<1x1xf32> to vector<30x1xf32>
    %select_n3A_125 = arith.select %gt3A_115, %broadcast_in_dim3A_124, %select_n3A_94 : vector<30x1xi1>, vector<30x1xf32>
    %get3A_126 = arith.constant 0 : index
    %get3A_127 = arith.constant 4 : index
    %get3A_128 = vector.load %arg5[%get3A_126, %get3A_127] : memref<1x10xf32, #tpu.memory_space<vmem>>, vector<1x1xf32>
    %get3A_129 = arith.constant 0 : index
    %get3A_130 = arith.constant 5 : index
    %get3A_131 = vector.load %arg5[%get3A_129, %get3A_130] : memref<1x10xf32, #tpu.memory_space<vmem>>, vector<1x1xf32>
    %min3A_132 = vector.broadcast %get3A_128 : vector<1x1xf32> to vector<30x1xf32>
    %min3A_133 = arith.minimumf %mul3A_27, %min3A_132 : vector<30x1xf32>
    %min3A_134 = vector.broadcast %get3A_131 : vector<1x1xf32> to vector<30x1xf32>
    %min3A_135 = arith.minimumf %mul3A_30, %min3A_134 : vector<30x1xf32>
    %mul3A_136 = arith.mulf %min3A_133, %min3A_135 : vector<30x1xf32>
    %mul3A_137 = arith.mulf %mul3A_27, %mul3A_30 : vector<30x1xf32>
    %mul3A_138 = arith.mulf %get3A_128, %get3A_131 : vector<1x1xf32>
    %add3A_139 = vector.broadcast %mul3A_138 : vector<1x1xf32> to vector<30x1xf32>
    %add3A_140 = arith.addf %mul3A_137, %add3A_139 : vector<30x1xf32>
    %sub3A_141 = arith.subf %add3A_140, %mul3A_136 : vector<30x1xf32>
    %max3A_142 = arith.constant 9.99999996E-13 : f32
    %max3A_143 = vector.broadcast %max3A_142 : f32 to vector<30x1xf32>
    %max3A_144 = arith.maximumf %sub3A_141, %max3A_143 : vector<30x1xf32>
    %div3A_145 = arith.divf %mul3A_136, %max3A_144 : vector<30x1xf32>
    %gt3A_146 = arith.cmpf ogt, %div3A_145, %select_n3A_116 : vector<30x1xf32>
    %select_n3A_147 = arith.select %gt3A_146, %div3A_145, %select_n3A_116 : vector<30x1xi1>, vector<30x1xf32>
    %jit3A_148 = arith.constant 2 : i32
    %broadcast_in_dim3A_149 = vector.broadcast %jit3A_148 : i32 to vector<30x1xi32>
    %select_n3A_150 = arith.select %gt3A_146, %broadcast_in_dim3A_149, %select_n3A_119 : vector<30x1xi1>, vector<30x1xi32>
    %broadcast_in_dim3A_151 = vector.shape_cast %get3A_128 : vector<1x1xf32> to vector<1x1xf32>
    %broadcast_in_dim3A_152 = vector.broadcast %broadcast_in_dim3A_151 : vector<1x1xf32> to vector<30x1xf32>
    %select_n3A_153 = arith.select %gt3A_146, %broadcast_in_dim3A_152, %select_n3A_122 : vector<30x1xi1>, vector<30x1xf32>
    %broadcast_in_dim3A_154 = vector.shape_cast %get3A_131 : vector<1x1xf32> to vector<1x1xf32>
    %broadcast_in_dim3A_155 = vector.broadcast %broadcast_in_dim3A_154 : vector<1x1xf32> to vector<30x1xf32>
    %select_n3A_156 = arith.select %gt3A_146, %broadcast_in_dim3A_155, %select_n3A_125 : vector<30x1xi1>, vector<30x1xf32>
    %get3A_157 = arith.constant 0 : index
    %get3A_158 = arith.constant 6 : index
    %get3A_159 = vector.load %arg5[%get3A_157, %get3A_158] : memref<1x10xf32, #tpu.memory_space<vmem>>, vector<1x1xf32>
    %get3A_160 = arith.constant 0 : index
    %get3A_161 = arith.constant 7 : index
    %get3A_162 = vector.load %arg5[%get3A_160, %get3A_161] : memref<1x10xf32, #tpu.memory_space<vmem>>, vector<1x1xf32>
    %min3A_163 = vector.broadcast %get3A_159 : vector<1x1xf32> to vector<30x1xf32>
    %min3A_164 = arith.minimumf %mul3A_27, %min3A_163 : vector<30x1xf32>
    %min3A_165 = vector.broadcast %get3A_162 : vector<1x1xf32> to vector<30x1xf32>
    %min3A_166 = arith.minimumf %mul3A_30, %min3A_165 : vector<30x1xf32>
    %mul3A_167 = arith.mulf %min3A_164, %min3A_166 : vector<30x1xf32>
    %mul3A_168 = arith.mulf %mul3A_27, %mul3A_30 : vector<30x1xf32>
    %mul3A_169 = arith.mulf %get3A_159, %get3A_162 : vector<1x1xf32>
    %add3A_170 = vector.broadcast %mul3A_169 : vector<1x1xf32> to vector<30x1xf32>
    %add3A_171 = arith.addf %mul3A_168, %add3A_170 : vector<30x1xf32>
    %sub3A_172 = arith.subf %add3A_171, %mul3A_167 : vector<30x1xf32>
    %max3A_173 = arith.constant 9.99999996E-13 : f32
    %max3A_174 = vector.broadcast %max3A_173 : f32 to vector<30x1xf32>
    %max3A_175 = arith.maximumf %sub3A_172, %max3A_174 : vector<30x1xf32>
    %div3A_176 = arith.divf %mul3A_167, %max3A_175 : vector<30x1xf32>
    %gt3A_177 = arith.cmpf ogt, %div3A_176, %select_n3A_147 : vector<30x1xf32>
    %select_n3A_178 = arith.select %gt3A_177, %div3A_176, %select_n3A_147 : vector<30x1xi1>, vector<30x1xf32>
    %jit3A_179 = arith.constant 3 : i32
    %broadcast_in_dim3A_180 = vector.broadcast %jit3A_179 : i32 to vector<30x1xi32>
    %select_n3A_181 = arith.select %gt3A_177, %broadcast_in_dim3A_180, %select_n3A_150 : vector<30x1xi1>, vector<30x1xi32>
    %broadcast_in_dim3A_182 = vector.shape_cast %get3A_159 : vector<1x1xf32> to vector<1x1xf32>
    %broadcast_in_dim3A_183 = vector.broadcast %broadcast_in_dim3A_182 : vector<1x1xf32> to vector<30x1xf32>
    %select_n3A_184 = arith.select %gt3A_177, %broadcast_in_dim3A_183, %select_n3A_153 : vector<30x1xi1>, vector<30x1xf32>
    %broadcast_in_dim3A_185 = vector.shape_cast %get3A_162 : vector<1x1xf32> to vector<1x1xf32>
    %broadcast_in_dim3A_186 = vector.broadcast %broadcast_in_dim3A_185 : vector<1x1xf32> to vector<30x1xf32>
    %select_n3A_187 = arith.select %gt3A_177, %broadcast_in_dim3A_186, %select_n3A_156 : vector<30x1xi1>, vector<30x1xf32>
    %get3A_188 = arith.constant 0 : index
    %get3A_189 = arith.constant 8 : index
    %get3A_190 = vector.load %arg5[%get3A_188, %get3A_189] : memref<1x10xf32, #tpu.memory_space<vmem>>, vector<1x1xf32>
    %get3A_191 = arith.constant 0 : index
    %get3A_192 = arith.constant 9 : index
    %get3A_193 = vector.load %arg5[%get3A_191, %get3A_192] : memref<1x10xf32, #tpu.memory_space<vmem>>, vector<1x1xf32>
    %min3A_194 = vector.broadcast %get3A_190 : vector<1x1xf32> to vector<30x1xf32>
    %min3A_195 = arith.minimumf %mul3A_27, %min3A_194 : vector<30x1xf32>
    %min3A_196 = vector.broadcast %get3A_193 : vector<1x1xf32> to vector<30x1xf32>
    %min3A_197 = arith.minimumf %mul3A_30, %min3A_196 : vector<30x1xf32>
    %mul3A_198 = arith.mulf %min3A_195, %min3A_197 : vector<30x1xf32>
    %mul3A_199 = arith.mulf %mul3A_27, %mul3A_30 : vector<30x1xf32>
    %mul3A_200 = arith.mulf %get3A_190, %get3A_193 : vector<1x1xf32>
    %add3A_201 = vector.broadcast %mul3A_200 : vector<1x1xf32> to vector<30x1xf32>
    %add3A_202 = arith.addf %mul3A_199, %add3A_201 : vector<30x1xf32>
    %sub3A_203 = arith.subf %add3A_202, %mul3A_198 : vector<30x1xf32>
    %max3A_204 = arith.constant 9.99999996E-13 : f32
    %max3A_205 = vector.broadcast %max3A_204 : f32 to vector<30x1xf32>
    %max3A_206 = arith.maximumf %sub3A_203, %max3A_205 : vector<30x1xf32>
    %div3A_207 = arith.divf %mul3A_198, %max3A_206 : vector<30x1xf32>
    %gt3A_208 = arith.cmpf ogt, %div3A_207, %select_n3A_178 : vector<30x1xf32>
    %jit3A_209 = arith.constant 4 : i32
    %broadcast_in_dim3A_210 = vector.broadcast %jit3A_209 : i32 to vector<30x1xi32>
    %select_n3A_211 = arith.select %gt3A_208, %broadcast_in_dim3A_210, %select_n3A_181 : vector<30x1xi1>, vector<30x1xi32>
    %broadcast_in_dim3A_212 = vector.shape_cast %get3A_190 : vector<1x1xf32> to vector<1x1xf32>
    %broadcast_in_dim3A_213 = vector.broadcast %broadcast_in_dim3A_212 : vector<1x1xf32> to vector<30x1xf32>
    %select_n3A_214 = arith.select %gt3A_208, %broadcast_in_dim3A_213, %select_n3A_184 : vector<30x1xi1>, vector<30x1xf32>
    %broadcast_in_dim3A_215 = vector.shape_cast %get3A_193 : vector<1x1xf32> to vector<1x1xf32>
    %broadcast_in_dim3A_216 = vector.broadcast %broadcast_in_dim3A_215 : vector<1x1xf32> to vector<30x1xf32>
    %select_n3A_217 = arith.select %gt3A_208, %broadcast_in_dim3A_216, %select_n3A_187 : vector<30x1xi1>, vector<30x1xf32>
    %max3A_218 = arith.constant 9.99999996E-13 : f32
    %max3A_219 = vector.broadcast %max3A_218 : f32 to vector<30x1xf32>
    %max3A_220 = arith.maximumf %mul3A_27, %max3A_219 : vector<30x1xf32>
    %div3A_221 = arith.divf %max3A_220, %select_n3A_214 : vector<30x1xf32>
    %log3A = math.log %div3A_221 : vector<30x1xf32>
    %max3A_222 = arith.constant 9.99999996E-13 : f32
    %max3A_223 = vector.broadcast %max3A_222 : f32 to vector<30x1xf32>
    %max3A_224 = arith.maximumf %mul3A_30, %max3A_223 : vector<30x1xf32>
    %div3A_225 = arith.divf %max3A_224, %select_n3A_217 : vector<30x1xf32>
    %log3A_226 = math.log %div3A_225 : vector<30x1xf32>
    %mul3A_227 = arith.constant 676 : i32
    %mul3A_228 = vector.broadcast %mul3A_227 : i32 to vector<30x1xi32>
    %mul3A_229 = arith.muli %select_n3A_211, %mul3A_228 : vector<30x1xi32>
    %mul3A_230 = arith.constant 26 : i32
    %mul3A_231 = vector.broadcast %mul3A_230 : i32 to vector<30x1xi32>
    %mul3A_232 = arith.muli %min3A_46, %mul3A_231 : vector<30x1xi32>
    %add3A_233 = arith.addi %mul3A_229, %mul3A_232 : vector<30x1xi32>
    %add3A_234 = arith.addi %add3A_233, %min3A_36 : vector<30x1xi32>
    %jit3A_235 = arith.constant -1 : i32
    %broadcast_in_dim3A_236 = vector.broadcast %jit3A_235 : i32 to vector<30x1xi32>
    %select_n3A_237 = arith.select %gt3A_25, %add3A_234, %broadcast_in_dim3A_236 : vector<30x1xi1>, vector<30x1xi32>
    %transpose3A = tpu.transpose %select_n3A_237, [1, 0] : vector<30x1xi32> -> vector<1x30xi32>
    %iota3A = tpu.iota {dimensions = array<i32: 0>} : vector<30x1xi32>
    %transpose3A_238 = tpu.transpose %iota3A, [1, 0] : vector<30x1xi32> -> vector<1x30xi32>
    %eq3A = vector.broadcast %select_n3A_237 : vector<30x1xi32> to vector<30x30xi32>
    %eq3A_239 = vector.broadcast %transpose3A : vector<1x30xi32> to vector<30x30xi32>
    %eq3A_240 = arith.cmpi eq, %eq3A, %eq3A_239 : vector<30x30xi32>
    %gt3A_241 = vector.broadcast %transpose3A_238 : vector<1x30xi32> to vector<30x30xi32>
    %gt3A_242 = vector.broadcast %iota3A : vector<30x1xi32> to vector<30x30xi32>
    %gt3A_243 = arith.cmpi sgt, %gt3A_241, %gt3A_242 : vector<30x30xi32>
    %and3A = arith.andi %eq3A_240, %gt3A_243 : vector<30x30xi1>
    %convert_element_type3A_244 = arith.extui %and3A : vector<30x30xi1> to vector<30x30xi32>
    %reduce_max3A = arith.constant dense<-2147483648> : vector<30xi32>
    %reduce_max3A_245 = vector.multi_reduction <maxsi>, %convert_element_type3A_244, %reduce_max3A [1] : vector<30x30xi32> to vector<30xi32>
    %broadcast_in_dim3A_246 = vector.shape_cast %reduce_max3A_245 : vector<30xi32> to vector<30x1xi32>
    %eq3A_247 = arith.constant 0 : i32
    %eq3A_248 = vector.broadcast %eq3A_247 : i32 to vector<30x1xi32>
    %eq3A_249 = arith.cmpi eq, %broadcast_in_dim3A_246, %eq3A_248 : vector<30x1xi32>
    %jit3A_250 = arith.constant -1 : i32
    %broadcast_in_dim3A_251 = vector.broadcast %jit3A_250 : i32 to vector<30x1xi32>
    %select_n3A_252 = arith.select %eq3A_249, %select_n3A_237, %broadcast_in_dim3A_251 : vector<30x1xi1>, vector<30x1xi32>
    %convert_element_type3A_253 = arith.sitofp %select_n3A_252 : vector<30x1xi32> to vector<30x1xf32>
    %broadcast_in_dim3A_254 = arith.constant -1.000000e+00 : f32
    %broadcast_in_dim3A_255 = vector.broadcast %broadcast_in_dim3A_254 : f32 to vector<30x3xf32>
    %concatenate3A = tpu.concatenate %convert_element_type3A_253, %sub3A, %sub3A_55, %log3A, %log3A_226, %sub3A_59, %get3A_23, %get3A_3, %get3A_8, %get3A_13, %get3A_18, %select_n3A_214, %select_n3A_217, %broadcast_in_dim3A_255 in 1 : vector<30x1xf32>, vector<30x1xf32>, vector<30x1xf32>, vector<30x1xf32>, vector<30x1xf32>, vector<30x1xf32>, vector<30x1xf32>, vector<30x1xf32>, vector<30x1xf32>, vector<30x1xf32>, vector<30x1xf32>, vector<30x1xf32>, vector<30x1xf32>, vector<30x3xf32> -> vector<30x16xf32>
    %transpose3A_256 = tpu.transpose %concatenate3A, [1, 0] : vector<30x16xf32> -> vector<16x30xf32>
    %broadcast_in_dim3A_257 = arith.constant -1.000000e+00 : f32
    %broadcast_in_dim3A_258 = vector.broadcast %broadcast_in_dim3A_257 : f32 to vector<16x2xf32>
    %concatenate3A_259 = tpu.concatenate %transpose3A_256, %broadcast_in_dim3A_258 in 1 : vector<16x30xf32>, vector<16x2xf32> -> vector<16x32xf32>
    %swap3A = arith.constant 0 : index
    %swap3A_260 = arith.constant 0 : index
    %swap3A_261 = arith.constant 0 : index
    %swap3A_262 = vector.load %arg8[%swap3A, %swap3A_260, %swap3A_261] : memref<1x16x32xf32, #tpu.memory_space<vmem>>, vector<1x16x32xf32>
    %swap3A_263 = vector.shape_cast %swap3A_262 : vector<1x16x32xf32> to vector<16x32xf32>
    %swap3A_264 = vector.shape_cast %concatenate3A_259 : vector<16x32xf32> to vector<1x16x32xf32>
    tpu.vector_store %arg8[%swap3A, %swap3A_260, %swap3A_261], %swap3A_264 {strides = array<i32>} : memref<1x16x32xf32, #tpu.memory_space<vmem>>, vector<1x16x32xf32>,
    %mul3A_265 = arith.constant 5.000000e-01 : f32
    %mul3A_266 = vector.broadcast %mul3A_265 : f32 to vector<30x1xf32>
    %mul3A_267 = arith.mulf %get3A_13, %mul3A_266 : vector<30x1xf32>
    %mul3A_268 = arith.constant 5.000000e-01 : f32
    %mul3A_269 = vector.broadcast %mul3A_268 : f32 to vector<30x1xf32>
    %mul3A_270 = arith.mulf %get3A_18, %mul3A_269 : vector<30x1xf32>
    %sub3A_271 = arith.subf %get3A_3, %mul3A_267 : vector<30x1xf32>
    %jit3A_272 = arith.constant 1.000000e+30 : f32
    %broadcast_in_dim3A_273 = vector.broadcast %jit3A_272 : f32 to vector<30x1xf32>
    %select_n3A_274 = arith.select %gt3A_25, %sub3A_271, %broadcast_in_dim3A_273 : vector<30x1xi1>, vector<30x1xf32>
    %add3A_275 = arith.addf %get3A_3, %mul3A_267 : vector<30x1xf32>
    %jit3A_276 = arith.constant -1.000000e+30 : f32
    %broadcast_in_dim3A_277 = vector.broadcast %jit3A_276 : f32 to vector<30x1xf32>
    %select_n3A_278 = arith.select %gt3A_25, %add3A_275, %broadcast_in_dim3A_277 : vector<30x1xi1>, vector<30x1xf32>
    %sub3A_279 = arith.subf %get3A_8, %mul3A_270 : vector<30x1xf32>
    %add3A_280 = arith.addf %get3A_8, %mul3A_270 : vector<30x1xf32>
    %mul3A_281 = arith.mulf %get3A_13, %get3A_18 : vector<30x1xf32>
    %mul3A_282 = arith.constant 3.750000e-01 : f32
    %mul3A_283 = vector.broadcast %mul3A_282 : f32 to vector<30x1xf32>
    %mul3A_284 = arith.mulf %mul3A_281, %mul3A_283 : vector<30x1xf32>
    %iota3A_285 = tpu.iota {dimensions = array<i32: 1>} : vector<1x3380xi32>
    %jit3A_286 = arith.constant 26 : i32
    %eq3A_287 = arith.constant 0 : i32
    %eq3A_288 = arith.cmpi eq, %jit3A_286, %eq3A_287 : i32
    %jit3A_289 = arith.constant 1 : i32
    %select_n3A_290 = arith.select %eq3A_288, %jit3A_289, %jit3A_286 : i32
    %rem3A = vector.broadcast %select_n3A_290 : i32 to vector<1x3380xi32>
    %rem3A_291 = arith.remsi %iota3A_285, %rem3A : vector<1x3380xi32>
    %ne3A = arith.constant 0 : i32
    %ne3A_292 = vector.broadcast %ne3A : i32 to vector<1x3380xi32>
    %ne3A_293 = arith.cmpi ne, %rem3A_291, %ne3A_292 : vector<1x3380xi32>
    %lt3A = arith.constant 0 : i32
    %lt3A_294 = vector.broadcast %lt3A : i32 to vector<1x3380xi32>
    %lt3A_295 = arith.cmpi slt, %rem3A_291, %lt3A_294 : vector<1x3380xi32>
    %lt3A_296 = arith.constant 0 : i32
    %lt3A_297 = arith.cmpi slt, %select_n3A_290, %lt3A_296 : i32
    %ne3A_298 = vector.broadcast %lt3A_297 : i1 to vector<1x3380xi1>
    %ne3A_299 = vector.broadcast %ne3A_298 : vector<1x3380xi1> to vector<1x3380xi1>
    %ne3A_300 = arith.xori %lt3A_295, %ne3A_299 : vector<1x3380xi1>
    %and3A_301 = arith.andi %ne3A_300, %ne3A_293 : vector<1x3380xi1>
    %add3A_302 = vector.broadcast %select_n3A_290 : i32 to vector<1x3380xi32>
    %add3A_303 = arith.addi %rem3A_291, %add3A_302 : vector<1x3380xi32>
    %select_n3A_304 = arith.select %and3A_301, %add3A_303, %rem3A_291 : vector<1x3380xi1>, vector<1x3380xi32>
    %convert_element_type3A_305 = arith.sitofp %select_n3A_304 : vector<1x3380xi32> to vector<1x3380xf32>
    %jit3A_306 = arith.constant 26 : i32
    %div3A_307 = vector.broadcast %jit3A_306 : i32 to vector<1x3380xi32>
    %div3A_308 = arith.divsi %iota3A_285, %div3A_307 : vector<1x3380xi32>
    %sign3A = arith.constant 0 : i32
    %sign3A_309 = vector.broadcast %sign3A : i32 to vector<1x3380xi32>
    %sign3A_310 = arith.cmpi sgt, %iota3A_285, %sign3A_309 : vector<1x3380xi32>
    %sign3A_311 = arith.extui %sign3A_310 : vector<1x3380xi1> to vector<1x3380xi32>
    %sign3A_312 = arith.constant 0 : i32
    %sign3A_313 = vector.broadcast %sign3A_312 : i32 to vector<1x3380xi32>
    %sign3A_314 = arith.cmpi slt, %iota3A_285, %sign3A_313 : vector<1x3380xi32>
    %sign3A_315 = arith.extui %sign3A_314 : vector<1x3380xi1> to vector<1x3380xi32>
    %sign3A_316 = arith.subi %sign3A_311, %sign3A_315 : vector<1x3380xi32>
    %sign3A_317 = arith.constant 0 : i32
    %sign3A_318 = arith.cmpi sgt, %jit3A_306, %sign3A_317 : i32
    %sign3A_319 = arith.extui %sign3A_318 : i1 to i32
    %sign3A_320 = arith.constant 0 : i32
    %sign3A_321 = arith.cmpi slt, %jit3A_306, %sign3A_320 : i32
    %sign3A_322 = arith.extui %sign3A_321 : i1 to i32
    %sign3A_323 = arith.subi %sign3A_319, %sign3A_322 : i32
    %ne3A_324 = vector.broadcast %sign3A_323 : i32 to vector<1x3380xi32>
    %ne3A_325 = arith.cmpi ne, %sign3A_316, %ne3A_324 : vector<1x3380xi32>
    %rem3A_326 = vector.broadcast %jit3A_306 : i32 to vector<1x3380xi32>
    %rem3A_327 = arith.remsi %iota3A_285, %rem3A_326 : vector<1x3380xi32>
    %ne3A_328 = arith.constant 0 : i32
    %ne3A_329 = vector.broadcast %ne3A_328 : i32 to vector<1x3380xi32>
    %ne3A_330 = arith.cmpi ne, %rem3A_327, %ne3A_329 : vector<1x3380xi32>
    %and3A_331 = arith.andi %ne3A_325, %ne3A_330 : vector<1x3380xi1>
    %sub3A_332 = arith.constant 1 : i32
    %sub3A_333 = vector.broadcast %sub3A_332 : i32 to vector<1x3380xi32>
    %sub3A_334 = arith.subi %div3A_308, %sub3A_333 : vector<1x3380xi32>
    %select_n3A_335 = arith.select %and3A_331, %sub3A_334, %div3A_308 : vector<1x3380xi1>, vector<1x3380xi32>
    %jit3A_336 = arith.constant 26 : i32
    %eq3A_337 = arith.constant 0 : i32
    %eq3A_338 = arith.cmpi eq, %jit3A_336, %eq3A_337 : i32
    %jit3A_339 = arith.constant 1 : i32
    %select_n3A_340 = arith.select %eq3A_338, %jit3A_339, %jit3A_336 : i32
    %rem3A_341 = vector.broadcast %select_n3A_340 : i32 to vector<1x3380xi32>
    %rem3A_342 = arith.remsi %select_n3A_335, %rem3A_341 : vector<1x3380xi32>
    %ne3A_343 = arith.constant 0 : i32
    %ne3A_344 = vector.broadcast %ne3A_343 : i32 to vector<1x3380xi32>
    %ne3A_345 = arith.cmpi ne, %rem3A_342, %ne3A_344 : vector<1x3380xi32>
    %lt3A_346 = arith.constant 0 : i32
    %lt3A_347 = vector.broadcast %lt3A_346 : i32 to vector<1x3380xi32>
    %lt3A_348 = arith.cmpi slt, %rem3A_342, %lt3A_347 : vector<1x3380xi32>
    %lt3A_349 = arith.constant 0 : i32
    %lt3A_350 = arith.cmpi slt, %select_n3A_340, %lt3A_349 : i32
    %ne3A_351 = vector.broadcast %lt3A_350 : i1 to vector<1x3380xi1>
    %ne3A_352 = vector.broadcast %ne3A_351 : vector<1x3380xi1> to vector<1x3380xi1>
    %ne3A_353 = arith.xori %lt3A_348, %ne3A_352 : vector<1x3380xi1>
    %and3A_354 = arith.andi %ne3A_353, %ne3A_345 : vector<1x3380xi1>
    %add3A_355 = vector.broadcast %select_n3A_340 : i32 to vector<1x3380xi32>
    %add3A_356 = arith.addi %rem3A_342, %add3A_355 : vector<1x3380xi32>
    %select_n3A_357 = arith.select %and3A_354, %add3A_356, %rem3A_342 : vector<1x3380xi1>, vector<1x3380xi32>
    %convert_element_type3A_358 = arith.sitofp %select_n3A_357 : vector<1x3380xi32> to vector<1x3380xf32>
    %get3A_359 = arith.constant 0 : index
    %get3A_360 = arith.constant 0 : index
    %get3A_361 = arith.constant 0 : index
    %get3A_362 = vector.load %arg1[%get3A_359, %get3A_360, %get3A_361] : memref<1x2x3380xf32, #tpu.memory_space<vmem>>, vector<1x1x3380xf32>
    %get3A_363 = vector.shape_cast %get3A_362 : vector<1x1x3380xf32> to vector<1x3380xf32>
    %get3A_364 = arith.constant 0 : index
    %get3A_365 = arith.constant 1 : index
    %get3A_366 = arith.constant 0 : index
    %get3A_367 = vector.load %arg1[%get3A_364, %get3A_365, %get3A_366] : memref<1x2x3380xf32, #tpu.memory_space<vmem>>, vector<1x1x3380xf32>
    %get3A_368 = vector.shape_cast %get3A_367 : vector<1x1x3380xf32> to vector<1x3380xf32>
    %get3A_369 = arith.constant 0 : index
    %get3A_370 = arith.constant 0 : index
    %get3A_371 = arith.constant 0 : index
    %get3A_372 = vector.load %arg2[%get3A_369, %get3A_370, %get3A_371] : memref<1x2x3380xf32, #tpu.memory_space<vmem>>, vector<1x1x3380xf32>
    %get3A_373 = vector.shape_cast %get3A_372 : vector<1x1x3380xf32> to vector<1x3380xf32>
    %get3A_374 = arith.constant 0 : index
    %get3A_375 = arith.constant 1 : index
    %get3A_376 = arith.constant 0 : index
    %get3A_377 = vector.load %arg2[%get3A_374, %get3A_375, %get3A_376] : memref<1x2x3380xf32, #tpu.memory_space<vmem>>, vector<1x1x3380xf32>
    %get3A_378 = vector.shape_cast %get3A_377 : vector<1x1x3380xf32> to vector<1x3380xf32>
    %get3A_379 = arith.constant 0 : index
    %get3A_380 = arith.constant 0 : index
    %get3A_381 = arith.constant 0 : index
    %get3A_382 = vector.load %arg3[%get3A_379, %get3A_380, %get3A_381] : memref<1x1x3380xf32, #tpu.memory_space<vmem>>, vector<1x1x3380xf32>
    %get3A_383 = vector.shape_cast %get3A_382 : vector<1x1x3380xf32> to vector<1x3380xf32>
    %get3A_384 = arith.constant 0 : index
    %get3A_385 = arith.constant 0 : index
    %get3A_386 = arith.constant 0 : index
    %get3A_387 = vector.load %arg6[%get3A_384, %get3A_385, %get3A_386] : memref<1x2x3380xf32, #tpu.memory_space<vmem>>, vector<1x1x3380xf32>
    %get3A_388 = vector.shape_cast %get3A_387 : vector<1x1x3380xf32> to vector<1x3380xf32>
    %get3A_389 = arith.constant 0 : index
    %get3A_390 = arith.constant 1 : index
    %get3A_391 = arith.constant 0 : index
    %get3A_392 = vector.load %arg6[%get3A_389, %get3A_390, %get3A_391] : memref<1x2x3380xf32, #tpu.memory_space<vmem>>, vector<1x1x3380xf32>
    %get3A_393 = vector.shape_cast %get3A_392 : vector<1x1x3380xf32> to vector<1x3380xf32>
    %add3A_394 = arith.addf %convert_element_type3A_305, %get3A_363 : vector<1x3380xf32>
    %mul3A_395 = arith.constant 0.0384615399 : f32
    %mul3A_396 = vector.broadcast %mul3A_395 : f32 to vector<1x3380xf32>
    %mul3A_397 = arith.mulf %add3A_394, %mul3A_396 : vector<1x3380xf32>
    %add3A_398 = arith.addf %convert_element_type3A_358, %get3A_368 : vector<1x3380xf32>
    %mul3A_399 = arith.constant 0.0384615399 : f32
    %mul3A_400 = vector.broadcast %mul3A_399 : f32 to vector<1x3380xf32>
    %mul3A_401 = arith.mulf %add3A_398, %mul3A_400 : vector<1x3380xf32>
    %exp3A = math.exp %get3A_373 : vector<1x3380xf32>
    %mul3A_402 = arith.mulf %exp3A, %get3A_388 : vector<1x3380xf32>
    %exp3A_403 = math.exp %get3A_378 : vector<1x3380xf32>
    %mul3A_404 = arith.mulf %exp3A_403, %get3A_393 : vector<1x3380xf32>
    %mul3A_405 = arith.constant 5.000000e-01 : f32
    %mul3A_406 = vector.broadcast %mul3A_405 : f32 to vector<1x3380xf32>
    %mul3A_407 = arith.mulf %mul3A_402, %mul3A_406 : vector<1x3380xf32>
    %sub3A_408 = arith.subf %mul3A_397, %mul3A_407 : vector<1x3380xf32>
    %mul3A_409 = arith.constant 5.000000e-01 : f32
    %mul3A_410 = vector.broadcast %mul3A_409 : f32 to vector<1x3380xf32>
    %mul3A_411 = arith.mulf %mul3A_402, %mul3A_410 : vector<1x3380xf32>
    %add3A_412 = arith.addf %mul3A_397, %mul3A_411 : vector<1x3380xf32>
    %mul3A_413 = arith.constant 5.000000e-01 : f32
    %mul3A_414 = vector.broadcast %mul3A_413 : f32 to vector<1x3380xf32>
    %mul3A_415 = arith.mulf %mul3A_404, %mul3A_414 : vector<1x3380xf32>
    %sub3A_416 = arith.subf %mul3A_401, %mul3A_415 : vector<1x3380xf32>
    %mul3A_417 = arith.constant 5.000000e-01 : f32
    %mul3A_418 = vector.broadcast %mul3A_417 : f32 to vector<1x3380xf32>
    %mul3A_419 = arith.mulf %mul3A_404, %mul3A_418 : vector<1x3380xf32>
    %add3A_420 = arith.addf %mul3A_401, %mul3A_419 : vector<1x3380xf32>
    %mul3A_421 = arith.mulf %mul3A_402, %mul3A_404 : vector<1x3380xf32>
    %mul3A_422 = arith.constant 3.750000e-01 : f32
    %mul3A_423 = vector.broadcast %mul3A_422 : f32 to vector<1x3380xf32>
    %mul3A_424 = arith.mulf %mul3A_421, %mul3A_423 : vector<1x3380xf32>
    %max3A_425 = vector.broadcast %sub3A_408 : vector<1x3380xf32> to vector<30x3380xf32>
    %max3A_426 = vector.broadcast %select_n3A_274 : vector<30x1xf32> to vector<30x3380xf32>
    %max3A_427 = arith.maximumf %max3A_425, %max3A_426 : vector<30x3380xf32>
    %min3A_428 = vector.broadcast %add3A_412 : vector<1x3380xf32> to vector<30x3380xf32>
    %min3A_429 = vector.broadcast %select_n3A_278 : vector<30x1xf32> to vector<30x3380xf32>
    %min3A_430 = arith.minimumf %min3A_428, %min3A_429 : vector<30x3380xf32>
    %max3A_431 = vector.broadcast %sub3A_416 : vector<1x3380xf32> to vector<30x3380xf32>
    %max3A_432 = vector.broadcast %sub3A_279 : vector<30x1xf32> to vector<30x3380xf32>
    %max3A_433 = arith.maximumf %max3A_431, %max3A_432 : vector<30x3380xf32>
    %min3A_434 = vector.broadcast %add3A_420 : vector<1x3380xf32> to vector<30x3380xf32>
    %min3A_435 = vector.broadcast %add3A_280 : vector<30x1xf32> to vector<30x3380xf32>
    %min3A_436 = arith.minimumf %min3A_434, %min3A_435 : vector<30x3380xf32>
    %sub3A_437 = arith.subf %min3A_430, %max3A_427 : vector<30x3380xf32>
    %max3A_438 = arith.constant 0.000000e+00 : f32
    %max3A_439 = vector.broadcast %max3A_438 : f32 to vector<30x3380xf32>
    %max3A_440 = arith.maximumf %sub3A_437, %max3A_439 : vector<30x3380xf32>
    %sub3A_441 = arith.subf %min3A_436, %max3A_433 : vector<30x3380xf32>
    %max3A_442 = arith.constant 0.000000e+00 : f32
    %max3A_443 = vector.broadcast %max3A_442 : f32 to vector<30x3380xf32>
    %max3A_444 = arith.maximumf %sub3A_441, %max3A_443 : vector<30x3380xf32>
    %mul3A_445 = arith.mulf %max3A_440, %max3A_444 : vector<30x3380xf32>
    %add3A_446 = vector.broadcast %mul3A_424 : vector<1x3380xf32> to vector<30x3380xf32>
    %add3A_447 = vector.broadcast %mul3A_284 : vector<30x1xf32> to vector<30x3380xf32>
    %add3A_448 = arith.addf %add3A_446, %add3A_447 : vector<30x3380xf32>
    %gt3A_449 = arith.cmpf ogt, %mul3A_445, %add3A_448 : vector<30x3380xf32>
    %convert_element_type3A_450 = arith.extui %gt3A_449 : vector<30x3380xi1> to vector<30x3380xi32>
    %convert_element_type3A_451 = arith.sitofp %convert_element_type3A_450 : vector<30x3380xi32> to vector<30x3380xf32>
    %reduce_max3A_452 = arith.constant dense<0xFF800000> : vector<3380xf32>
    %reduce_max3A_453 = vector.multi_reduction <maximumf>, %convert_element_type3A_451, %reduce_max3A_452 [0] : vector<30x3380xf32> to vector<3380xf32>
    %broadcast_in_dim3A_454 = vector.shape_cast %reduce_max3A_453 : vector<3380xf32> to vector<1x3380xf32>
    %gt3A_455 = arith.constant 0.000000e+00 : f32
    %gt3A_456 = vector.broadcast %gt3A_455 : f32 to vector<1x3380xf32>
    %gt3A_457 = arith.cmpf ogt, %broadcast_in_dim3A_454, %gt3A_456 : vector<1x3380xf32>
    %jit3A_458 = arith.constant 0.000000e+00 : f32
    %broadcast_in_dim3A_459 = vector.broadcast %jit3A_458 : f32 to vector<1x3380xf32>
    %select_n3A_460 = arith.select %gt3A_457, %get3A_383, %broadcast_in_dim3A_459 : vector<1x3380xi1>, vector<1x3380xf32>
    %swap3A_461 = arith.constant 0 : index
    %swap3A_462 = arith.constant 0 : index
    %swap3A_463 = arith.constant 0 : index
    %swap3A_464 = vector.load %arg7[%swap3A_461, %swap3A_462, %swap3A_463] : memref<1x1x3380xf32, #tpu.memory_space<vmem>>, vector<1x1x3380xf32>
    %swap3A_465 = vector.shape_cast %swap3A_464 : vector<1x1x3380xf32> to vector<1x3380xf32>
    %swap3A_466 = vector.shape_cast %select_n3A_460 : vector<1x3380xf32> to vector<1x1x3380xf32>
    tpu.vector_store %arg7[%swap3A_461, %swap3A_462, %swap3A_463], %swap3A_466 {strides = array<i32>} : memref<1x1x3380xf32, #tpu.memory_space<vmem>>, vector<1x1x3380xf32>,
    return
  }
  func.func @transform_0(%arg0: i32) -> (i32, i32, i32) {
    %c0_i32 = arith.constant 0 : i32
    %c0_i32_0 = arith.constant 0 : i32
    %c0_i32_1 = arith.constant 0 : i32
    return %arg0, %c0_i32, %c0_i32_0 : i32, i32, i32
  }
  func.func @transform_1(%arg0: i32) -> (i32, i32, i32) {
    %c0_i32 = arith.constant 0 : i32
    %c0_i32_0 = arith.constant 0 : i32
    %c0_i32_1 = arith.constant 0 : i32
    return %arg0, %c0_i32, %c0_i32_0 : i32, i32, i32
  }
  func.func @transform_2(%arg0: i32) -> (i32, i32, i32) {
    %c0_i32 = arith.constant 0 : i32
    %c0_i32_0 = arith.constant 0 : i32
    %c0_i32_1 = arith.constant 0 : i32
    return %arg0, %c0_i32, %c0_i32_0 : i32, i32, i32
  }
  func.func @transform_3(%arg0: i32) -> (i32, i32, i32) {
    %c0_i32 = arith.constant 0 : i32
    %c0_i32_0 = arith.constant 0 : i32
    %c0_i32_1 = arith.constant 0 : i32
    return %arg0, %c0_i32, %c0_i32_0 : i32, i32, i32
  }
  func.func @transform_4(%arg0: i32) -> (i32, i32) {
    %c0_i32 = arith.constant 0 : i32
    %c0_i32_0 = arith.constant 0 : i32
    %c0_i32_1 = arith.constant 0 : i32
    return %c0_i32, %c0_i32_0 : i32, i32
  }
  func.func @transform_5(%arg0: i32) -> (i32, i32, i32) {
    %c0_i32 = arith.constant 0 : i32
    %c0_i32_0 = arith.constant 0 : i32
    %c0_i32_1 = arith.constant 0 : i32
    %c0_i32_2 = arith.constant 0 : i32
    return %c0_i32, %c0_i32_0, %c0_i32_1 : i32, i32, i32
  }
  func.func @transform_6(%arg0: i32) -> (i32, i32, i32) {
    %c0_i32 = arith.constant 0 : i32
    %c0_i32_0 = arith.constant 0 : i32
    %c0_i32_1 = arith.constant 0 : i32
    return %arg0, %c0_i32, %c0_i32_0 : i32, i32, i32
  }
  func.func @transform_7(%arg0: i32) -> (i32, i32, i32) {
    %c0_i32 = arith.constant 0 : i32
    %c0_i32_0 = arith.constant 0 : i32
    %c0_i32_1 = arith.constant 0 : i32
    return %arg0, %c0_i32, %c0_i32_0 : i32, i32, i32
  }
}

</mosaic_0001>

<sc_bundles>
// kernel: kernel.4.cloned.1.call-start
scs
__scs_entry_jumppad:
0x0: {  	(pc) =	sbr.rel $0x88, $3  }
0x1: {  	(tag) =	ssettag $0x0;
	lr =	simm.s32 $0x1  }
0x2: {  	[smem:$0x3F9C] =	sst lr;
	_ =	strace $0xD0000000  }
0x3: {  	_ = 	snop  }
0x4: {  	_ = 	snop  }
0x5: {  	_ = 	snop  }
0x6: {  	_ = 	snop  }
0x7: {  	_ = 	snop  }
__scs_overlays_trampoline_lowered:
0x8: {  	[smem:$0x3FAB] =	sst s0  }
0x9: {  	[smem:$0x3FAC] =	sst s1  }
0xa: {  	[smem:$0x3FAD] =	sst s2  }
0xb: {  	[smem:$0x3FAE] =	sst s3  }
0xc: {  	[smem:$0x3FAF] =	sst s4  }
0xd: {  	[smem:$0x3FB0] =	sst s5  }
0xe: {  	[smem:$0x3FB1] =	sst s6  }
0xf: {  	[smem:$0x3FB2] =	sst s7  }
0x10: {  	[smem:$0x3FB3] =	sst s8  }
0x11: {  	[smem:$0x3FB4] =	sst s9;
	s0 =	simm.s32 @!p0 $0x0  }
0x12: {  	s1 =	sld [smem:$0x3F9A];
	s0 =	simm.s32 @p0 $0x1  }
0x13: {  	[smem:$0x3FB5] =	sst s0;
	s0 =	simm.s32 @!p1 $0x0  }
0x14: {  	s2 =	sld [smem:$0x3F99];
	s0 =	simm.s32 @p1 $0x1  }
0x15: {  	[smem:$0x3FB6] =	sst s0;
	s0 =	simm.s32 @!p2 $0x0  }
0x16: {  	s3 =	sld [smem:$0x3FDB];
	s0 =	simm.s32 @p2 $0x1  }
0x17: {  	s4 =	simm.s32 $0x1BF5;
	[smem:$0x3FB8] =	sst s0  }
0x18: {  	s0 =	sld [smem:$0x3F9B];
	_ =	swait.ge [sflag:s4], $0x0  }
0x19: {  	s7 =	sld [smem:$0x3F9C]  }
0x1a: {  	s8 =	sadd.s32 $0xFFFFE003, lr  }
0x1b: {  	s9 =	sadd.s32 $0xFFFFFEF7, lr;
	s5 =	simm.s32 $0xFFFFFFFF;
	p2 =	slt.u32 s8, $0xFFFFF086  }
0x1c: {  	p1 =	slt.u32 s9, $0xF7A;
	s5 =	simm.s32 @!p2 $0x0  }
0x1d: {  	s5 =	simm.s32 @p1 $0x1;
	p0 =	seq.s32 s7, s2  }
0x1e: {  	s7 =	smul.u32 @!p0 $0xF7A, s2;
	p2 =	seq.s32 @!p0 s5, $0x0  }
0x1f: {  	s9 =	smul.u32 $0xF7A, s1;
	s8 =	simm.s32 @!p0 $0x1BF5;
	p2 =	por !p2, p0  }
0x20: {  	[sflag:s8] =	ssyncset.s32 @!p0 $0xFFFFF086;
	s6 =	sadd.s32 @!p0 s3, s7;
	s7 =	simm.s32 @!p0 $0x108  }
0x21: {  	s3 =	sadd.s32 s3, s9;
	s6 =	sadd.s32 @!p0 $0x88, s6;
	s7 =	simm.s32 @p2 $0x1082  }
0x22: {  	[simem:s7], [sflag:s8] =	dma.local @!p0 [hbm:s6], $0xF7A  }
0x23: {  	s9 =	sor.u32 $0xD0000000, s2;
	s6 =	simm.s32 $0x108;
	_ =	swait.ge @!p0 [sflag:s8], $0x0  }
0x24: {  	s3 =	sadd.s32 $0x88, s3;
	s6 =	simm.s32 @!p1 $0x1082;
	[sflag:s4] =	ssyncset.s32 $0xFFFFF086  }
0x25: {  	[simem:s6], [sflag:s4] =	dma.local [hbm:s3], $0xF7A  }
0x26: {  	[smem:$0x3F9C] =	sst s1;
	(tag) =	ssettag s2;
	_ =	strace s9  }
0x27: {  	s1 =	sld [smem:$0x3FAC]  }
0x28: {  	s2 =	sld [smem:$0x3FAD]  }
0x29: {  	s4 =	sld [smem:$0x3FAF]  }
0x2a: {  	p0 =	seq.s32 s5, $0x0;
	s5 =	sld [smem:$0x3FB0]  }
0x2b: {  	s6 =	sld [smem:$0x3FB1]  }
0x2c: {  	s7 =	sld [smem:$0x3FB2]  }
0x2d: {  	s3 =	simm.s32 $0x108;
	s8 =	sld [smem:$0x3FB3]  }
0x2e: {  	s3 =	simm.s32 @!p0 $0x1082;
	s9 =	sld [smem:$0x3FB4]  }
0x2f: {  	lr =	sadd.s32 s0, s3;
	s0 =	sld [smem:$0x3FAB]  }
0x30: {  	s3 =	sld [smem:$0x3FAE]  }
0x31: {  	[smem:$0x3FB7] =	sst s10  }
0x32: {  	s10 =	sld [smem:$0x3FB5];
	_ =	sdelay $0x3  }
0x33: {  	p0 =	seq.s32 s10, $0x1;
	s10 =	sld [smem:$0x3FB7];
	_ =	sdelay $0x3  }
0x34: {  	[smem:$0x3FB7] =	sst s10  }
0x35: {  	s10 =	sld [smem:$0x3FB6];
	_ =	sdelay $0x3  }
0x36: {  	p1 =	seq.s32 s10, $0x1;
	s10 =	sld [smem:$0x3FB7];
	_ =	sdelay $0x3  }
0x37: {  	[smem:$0x3FB7] =	sst s10  }
0x38: {  	s10 =	sld [smem:$0x3FB8]  }
0x39: {  	_ = 	snop;
	(pc) =	sbr.ind lr, $3  }
0x3a: {  	_ = 	snop  }
0x3b: {  	_ = 	snop  }
0x3c: {  	p2 =	seq.s32 s10, $0x1;
	s10 =	sld [smem:$0x3FB7]  }
0x3d: {  	_ =	shalt  }
0x3e: {  	_ =	shalt  }
0x3f: {  	_ =	shalt  }
0x40: {  	_ =	shalt  }
0x41: {  	_ =	shalt  }
0x42: {  	_ =	shalt  }
0x43: {  	_ =	shalt  }
0x44: {  	_ =	shalt  }
0x45: {  	_ =	shalt  }
0x46: {  	_ =	shalt  }
0x47: {  	_ =	shalt  }
0x48: {  	_ =	shalt  }
0x49: {  	_ =	shalt  }
0x4a: {  	_ =	shalt  }
0x4b: {  	_ =	shalt  }
0x4c: {  	_ =	shalt  }
0x4d: {  	_ =	shalt  }
0x4e: {  	_ =	shalt  }
0x4f: {  	_ =	shalt  }
0x50: {  	_ =	shalt  }
0x51: {  	_ =	shalt  }
0x52: {  	_ =	shalt  }
0x53: {  	_ =	shalt  }
0x54: {  	_ =	shalt  }
0x55: {  	_ =	shalt  }
0x56: {  	_ =	shalt  }
0x57: {  	_ =	shalt  }
0x58: {  	_ =	shalt  }
0x59: {  	_ =	shalt  }
0x5a: {  	_ =	shalt  }
0x5b: {  	_ =	shalt  }
0x5c: {  	_ =	shalt  }
0x5d: {  	_ =	shalt  }
0x5e: {  	_ =	shalt  }
0x5f: {  	_ =	shalt  }
0x60: {  	_ =	shalt  }
0x61: {  	_ =	shalt  }
0x62: {  	_ =	shalt  }
0x63: {  	_ =	shalt  }
0x64: {  	_ =	shalt  }
0x65: {  	_ =	shalt  }
0x66: {  	_ =	shalt  }
0x67: {  	_ =	shalt  }
0x68: {  	_ =	shalt  }
0x69: {  	_ =	shalt  }
0x6a: {  	_ =	shalt  }
0x6b: {  	_ =	shalt  }
0x6c: {  	_ =	shalt  }
0x6d: {  	_ =	shalt  }
0x6e: {  	_ =	shalt  }
0x6f: {  	_ =	shalt  }
0x70: {  	_ =	shalt  }
0x71: {  	_ =	shalt  }
0x72: {  	_ =	shalt  }
0x73: {  	_ =	shalt  }
0x74: {  	_ =	shalt  }
0x75: {  	_ =	shalt  }
0x76: {  	_ =	shalt  }
0x77: {  	_ =	shalt  }
0x78: {  	_ =	shalt  }
0x79: {  	_ =	shalt  }
0x7a: {  	_ =	shalt  }
0x7b: {  	_ =	shalt  }
0x7c: {  	_ =	shalt  }
0x7d: {  	_ =	shalt  }
0x7e: {  	_ =	shalt  }
0x7f: {  	_ =	shalt  }
0x80: {  	_ =	shalt  }
0x81: {  	_ =	shalt  }
0x82: {  	_ =	shalt  }
0x83: {  	_ =	shalt  }
0x84: {  	_ =	shalt  }
0x85: {  	_ =	shalt  }
0x86: {  	_ =	shalt  }
0x87: {  	_ =	shalt  }
.Lfunc_end0:
.L_simem_size_0:
called_computation_lowered:
.L_overlay_start_0:
0x88: {  	s2 =	sld [smem:$0x3FD9]  }
0x89: {  	s3 =	sld [smem:$0x3FFE];
	_ =	sdelay $0x1  }
0x8a: {  	s1 =	srdreg.scid  }
0x8b: {  	s0 =	sand.u32 $0x1, s1  }
0x8c: {  	s14 =	sshll.u32 s0, $0xA;
	s2 =	sadd.s32 s3, s2  }
0x8d: {  	s2 =	sadd.s32 s2, s14  }
0x8e: {  	[smem:$0x3FC3] =	sst s2  }
0x8f: {  	_ = 	snop  }
0x90: {  	s2 =	sld [smem:$0x3FD0];
	_ =	sdelay $0x2  }
0x91: {  	s15 =	simm.s32 $0xA;
	s4 =	simm.s32 $0x10  }
0x92: {  	[smem:s4], [sflag:s15] =	dma.local [hbm:s2], $0x1  }
0x93: {  	_ =	swait.eq [sflag:s15], $0x1  }
0x94: {  	s16 =	sld [smem:$0x10]  }
0x95: {  	s17 =	sld [smem:$0x11]  }
0x96: {  	s5 =	sld [smem:$0x12]  }
0x97: {  	s6 =	sld [smem:$0x13];
	[sflag:s15] =	ssyncset.done $0x0  }
0x98: {  	s7 =	sld [smem:$0x14];
	[sflag:s15] =	ssyncadd.s32 $0xFFFFFFFF  }
0x99: {  	s18 =	sld [smem:$0x15];
	(tm) =	ssettm $0x1  }
0x9a: {  	s8 =	sld [smem:$0x3FFB];
	_ =	sdelay $0x3  }
0x9b: {  	_ =	strace s8  }
0x9c: {  	s8 =	sld [smem:$0x3FFC];
	_ =	sdelay $0x3  }
0x9d: {  	_ =	strace s8  }
0x9e: {  	s8 =	sld [smem:$0x3FFD];
	_ =	sdelay $0x3  }
0x9f: {  	_ =	strace s8  }
0xa0: {  	_ =	strace $0x8FFFFFFF  }
0xa1: {  	s19 =	sld [smem:$0x3FDB];
	_ =	sdelay $0x1  }
0xa2: {  	s9 =	simm.s32 $_scs_section_size  }
0xa3: {  	s10 =	simm.s32 $_size__tile_overlayer_lowered;
	s11 =	simm.s32 $_tile_overlayer_lowered  }
0xa4: {  	s22 =	simm.s32 $0x1BFF;
	s21 =	sshll.u32 s11, $0x1;
	s8 =	sadd.s32 s9, s19  }
0xa5: {  	s12 =	simm.s32 $0x0;
	s20 =	sshll.u32 s10, $0x1;
	s10 =	sadd.s32 s21, s8  }
0xa6: {  	[timem:s12], [sflag:s22] =	dma.local [hbm:s10], s20  }
0xa7: {  	_ =	swait.ge [sflag:s22], s20  }
0xa8: {  	s9 =	ssub.s32 $0x0, s20;
	[sflag:s22] =	ssyncset.done $0x0  }
0xa9: {  	[sflag:s22] =	ssyncadd.s32 s9;
	_ =	sdelay $0x1  }
0xaa: {  	s23 =	simm.s32 $0x1B8B  }
0xab: {  	_ =	swait.ge [sflag:s23], $0x1  }
0xac: {  	[sflag:s23] =	ssyncset.done $0x0  }
0xad: {  	s25 =	simm.s32 $0x1B8E;
	s24 =	sld [smem:$0x3FFE];
	[sflag:s23] =	ssyncadd.s32 $0xFFFFFFFF  }
0xae: {  	s26 =	simm.s32 $execute0_lowered;
	[smem:$0x3FD2] =	sst s25  }
0xaf: {  	s10 =	sshll.u32 s26, $0x1;
	_ =	strace $0x80000046;
	[dreg:$0x1] =	wrdreg $0xFFFFFFFF  }
0xb0: {  	s28 =	simm.s32 $_size_execute0_lowered;
	s8 =	sadd.s32 s8, s10;
	[dreg:$0x0] =	wrdreg $0x0  }
0xb1: {  	s10 =	sshll.u32 s28, $0x1;
	[dreg:$0x2] =	wrdreg s8  }
0xb2: {  	[dreg:$0x3] =	wrdreg s10  }
0xb3: {  	[dreg:$0x4] =	wrdreg $0xC0  }
0xb4: {  	_ =	task [dreg:s12], $0x5FFFF  }
0xb5: {  	[dreg:$0x1] =	wrdreg $0xFFFFFFFF  }
0xb6: {  	[dreg:$0x0] =	wrdreg $0x60  }
0xb7: {  	[dreg:$0x2] =	wrdreg s18  }
0xb8: {  	[dreg:$0x3] =	wrdreg s7  }
0xb9: {  	[dreg:$0x4] =	wrdreg s5  }
0xba: {  	[dreg:$0x5] =	wrdreg s16  }
0xbb: {  	[dreg:$0x6] =	wrdreg s24  }
0xbc: {  	[dreg:$0x7] =	wrdreg s6  }
0xbd: {  	[dreg:$0x8] =	wrdreg s17  }
0xbe: {  	[dreg:$0x9] =	wrdreg $0x9  }
0xbf: {  	_ =	task.clear_ibuf [dreg:s12], $0xAFFFF;
	_ =	strace $0x90000046  }
0xc0: {  	s29 =	simm.s32 $0x9;
	_ =	strace $0x80000048  }
0xc1: {  	_ =	swait.ge [sflag:s29], $0x1  }
0xc2: {  	[sflag:s29] =	ssyncadd.s32 $0xFFFFFFFF  }
0xc3: {  	_ =	strace $0x90000048  }
0xc4: {  	_ =	sfence  }
0xc5: {  	s30 =	sld [smem:$0x0];
	_ =	sdelay $0x2  }
0xc6: {  	s31 =	sshll.u32 s1, $0xD;
	s1 =	sshrl.u32 s1, $0x2  }
0xc7: {  	s3 =	sand.u32 $0x4000, s31;
	s1 =	sadd.s32 s1, s30  }
0xc8: {  	s0 =	sor.u32 s3, s0;
	s1 =	sshll.u32 s1, $0x11  }
0xc9: {  	s0 =	sor.u32 s1, s0  }
0xca: {  	s0 =	sadd.s32 $0x8F2B, s0  }
0xcb: {  	[sflag:s0] =	ssyncadd.remote.s32 $0x1  }
0xcc: {  	_ =	sfence.sel $0xFFFF  }
0xcd: {  	[dreg:$0x0] =	wrdreg $0xFFFFFFFF;
	(pc) =	sbr.abs _section_cstart, $3  }
0xce: {  	[dreg:$0x1] =	wrdreg $0xFFFFFFFF  }
0xcf: {  	_ =	task.clear_ibuf [dreg:s12], $0x2FFFF;
	_ =	strace $0x9FFFFFFF  }
0xd0: {  	(tm) =	ssettm $0x7FFFFFFF  }
0xd1: {  	_ =	shalt  }
tec
execute0_lowered:
.L_overlay_start_1:
0x0: {  	(tag) =	ssettag $0x1  }
0x1: {  	s5 =	rddreg [dreg:$0x0]  }
0x2: {  	s6 =	rddreg [dreg:$0x1]  }
0x3: {  	s7 =	rddreg [dreg:$0x2]  }
0x4: {  	s8 =	rddreg [dreg:$0x3]  }
0x5: {  	s0 =	rddreg [dreg:$0x4]  }
0x6: {  	s4 =	rddreg [dreg:$0x5];
	s2 =	srdreg.scid  }
0x7: {  	s13 =	stileid.u32;
	s1 =	rddreg [dreg:$0x6]  }
0x8: {  	s17 =	simm.s32 $0x0;
	s3 =	sand.u32 $0x1, s2;
	s9 =	smul.u32 $0x6C00, s13  }
0x9: {  	[smem:$0x7FF] =	sst s17;
	s11 =	sshll.u32 s13, $0x1;
	s13 =	sshrl.u32 s13, $0x1  }
0xa: {  	s17 =	sadd.s32 $0x1E00, s0;
	s10 =	sshll.u32 s3, $0x9;
	_ =	strace $0x80000047  }
0xb: {  	s11 =	sor.u32 s3, s11;
	s13 =	smul.u32 $0x6C00, s13;
	s10 =	sor.u32 s10, s9  }
0xc: {  	s15 =	sshll.u32 s11, $0x8;
	s16 =	sshllo.u32 s11, $0x1;
	s11 =	sshll.u32 s11, $0x9  }
0xd: {  	s10 =	sshrl.u32 s10, $0x3;
	s15 =	sand.u32 $0x300, s15;
	s11 =	sadd.s32 s17, s11  }
0xe: {  	s22 =	sshll.u32 s16, $0x8;
	s12 =	sadd.s32 s5, s10;
	[dreg:$0xe] =	wrdreg s11  }
0xf: {  	s16 =	sshll.u32 s16, $0x7;
	s19 =	sadd.s32 s6, s10;
	[dreg:$0x8] =	wrdreg s12  }
0x10: {  	s14 =	sor.u32 $0x10, s10;
	s31 =	sadd.s32 s17, s22;
	[dreg:$0xa] =	wrdreg s19  }
0x11: {  	s15 =	sor.u32 s13, s15;
	s2 =	sadd.s32 s4, s10;
	[dreg:$0x15] =	wrdreg s31  }
0x12: {  	s25 =	sand.u32 $0x380, s16;
	s18 =	sadd.s32 s5, s14;
	[dreg:$0x16] =	wrdreg s2  }
0x13: {  	s17 =	sadd.s32 $0x1A600, s0;
	s20 =	sadd.s32 s6, s14;
	[dreg:$0x9] =	wrdreg s18  }
0x14: {  	s15 =	sshrl.u32 s15, $0x3;
	s31 =	simm.s32 $0xE000;
	[dreg:$0xb] =	wrdreg s20  }
0x15: {  	s19 =	sand.u32 $0x300, s22;
	s21 =	sadd.s32 s7, s15;
	[smem:$0x7FD] =	sst s31  }
0x16: {  	s12 =	sadd.s32 $0xCE00, s0;
	s18 =	sadd.s32 s8, s15;
	[dreg:$0xc] =	wrdreg s21  }
0x17: {  	s9 =	sor.u32 s9, s19;
	s16 =	sadd.s32 s12, s15;
	[dreg:$0xd] =	wrdreg s18  }
0x18: {  	s20 =	sadd.s32 s17, s15;
	s9 =	sshrl.u32 s9, $0x3;
	[dreg:$0x1b] =	wrdreg s16  }
0x19: {  	[dreg:$0x1d] =	wrdreg s20;
	s23 =	sadd.s32 s5, s9  }
0x1a: {  	s26 =	sadd.s32 s6, s9;
	[dreg:$0xf] =	wrdreg s23  }
0x1b: {  	s21 =	sadd.s32 s4, s9;
	[dreg:$0x11] =	wrdreg s26  }
0x1c: {  	s24 =	sor.u32 $0x10, s9;
	s22 =	sadd.s32 s1, s9;
	[dreg:$0x1e] =	wrdreg s21  }
0x1d: {  	s5 =	sadd.s32 s5, s24;
	[smem:$0x7F5] =	sst s22  }
0x1e: {  	s11 =	sor.u32 s13, s25;
	s28 =	sadd.s32 s6, s24;
	[dreg:$0x10] =	wrdreg s5  }
0x1f: {  	s6 =	sshrl.u32 s11, $0x3;
	s11 =	sadd.s32 s1, s14;
	[dreg:$0x12] =	wrdreg s28  }
0x20: {  	s23 =	sadd.s32 $0x5E00, s0;
	[dreg:$0x19] =	wrdreg s11  }
0x21: {  	s29 =	sadd.s32 s7, s6;
	[smem:$0x7F4] =	sst s23  }
0x22: {  	s30 =	sadd.s32 s8, s6;
	[dreg:$0x13] =	wrdreg s29  }
0x23: {  	s7 =	sadd.s32 s4, s14;
	[dreg:$0x14] =	wrdreg s30  }
0x24: {  	s8 =	sadd.s32 s1, s10;
	[dreg:$0x17] =	wrdreg s7  }
0x25: {  	s4 =	sadd.s32 s4, s24;
	[dreg:$0x18] =	wrdreg s8  }
0x26: {  	s1 =	sadd.s32 s1, s24;
	[dreg:$0x1f] =	wrdreg s4  }
0x27: {  	s10 =	sadd.s32 $0x6200, s0;
	s26 =	sadd.s32 s12, s6;
	[smem:$0x7F6] =	sst s1  }
0x28: {  	s14 =	sadd.s32 $0x13A00, s0;
	s0 =	sadd.s32 $0x5E10, s0;
	[smem:$0x7F8] =	sst s26  }
0x29: {  	s13 =	sadd.s32 s10, s15;
	[smem:$0x7F9] =	sst s0  }
0x2a: {  	s3 =	ssub.s32 $0x2, s3;
	s19 =	sadd.s32 s14, s15;
	[dreg:$0x1a] =	wrdreg s13  }
0x2b: {  	s25 =	sshrl.u32 s3, $0x1;
	s24 =	sadd.s32 s10, s6;
	[dreg:$0x1c] =	wrdreg s19  }
0x2c: {  	v0 =	vimm.s32 $0xECA86420;
	vm0 =	vcmask $0xB08;
	vm1 =	vcmask $0x1310;
	s3 =	ssub.s32 s3, s25;
	s28 =	sadd.s32 s14, s6;
	[smem:$0x7F7] =	sst s24  }
0x2d: {  	vm2 =	vcmask $0x1B18;
	v2 =	vlaneseq.u32;
	v1 =	vunpack.c.l.s4.s8 v0;
	s29 =	sadd.s32 s17, s6;
	s1 =	smax.u32 s3, $0x1;
	[smem:$0x7FA] =	sst s28  }
0x2e: {  	vm8 =	vmmov $0xff;
	vm14 =	vcmask $0x1F1C;
	vm15 =	vcmask $0x2724;
	s6 =	simm.s32 $0x80;
	s30 =	simm.s32 $0xD800;
	[smem:$0x7FB] =	sst s29  }
0x2f: {  	v0 =	vimm.s32 $0x0;
	v2 =	vmul.u32 $0x2, v2;
	v1 =	vunpack.c.0.s8.s32 v1;
	s7 =	simm.s32 $0x400;
	s26 =	simm.s32 $0x3;
	[smem:$0x7FC] =	sst s30  }
.LBB2_1:
0x30: {  	s0 =	rddreg [dreg:$0x8]  }
0x31: {  	s23 =	rddreg [dreg:$0x9];
	s25 =	simm.s32 $0x0  }
0x32: {  	[tilespmem:s25], [sflag:$0x1] =	stream.strided.gather [hbm4b:s0+s6], $0xD80, s7, s6, $0x38;
	[tilespmem:$0xE800] =	vst v63  }
0x33: {  	s24 =	rddreg [dreg:$0xa];
	s2 =	simm.s32 $0xD80  }
0x34: {  	[tilespmem:s2], [sflag:$0x1] =	stream.strided.gather [hbm4b:s23+s6], $0xD80, s7, s6, $0x38;
	[tilespmem:$0xE800] =	vst v63  }
0x35: {  	s28 =	rddreg [dreg:$0xb];
	s29 =	simm.s32 $0x1B00  }
0x36: {  	[tilespmem:s29], [sflag:$0x1] =	stream.strided.gather [hbm4b:s24+s6], $0xD80, s7, s6, $0x38;
	[tilespmem:$0xE800] =	vst v63  }
0x37: {  	s30 =	rddreg [dreg:$0xc];
	s31 =	simm.s32 $0x2880  }
0x38: {  	[tilespmem:s31], [sflag:$0x1] =	stream.strided.gather [hbm4b:s28+s6], $0xD80, s7, s6, $0x38;
	[tilespmem:$0xE800] =	vst v63  }
0x39: {  	s3 =	rddreg [dreg:$0xd];
	s4 =	simm.s32 $0x3600  }
0x3a: {  	[tilespmem:s4], [sflag:$0x1] =	stream.strided.gather [hbm4b:s30+s6], $0xD80, s7, s6, $0x38;
	[tilespmem:$0xE800] =	vst v63  }
0x3b: {  	s5 =	simm.s32 $0x4380;
	s8 =	sld [smem:$0x7F4]  }
0x3c: {  	[tilespmem:s5], [sflag:$0x1] =	stream.strided.gather [hbm4b:s3+s6], $0xD80, s7, s6, $0x38;
	[tilespmem:$0xE800] =	vst v63  }
0x3d: {  	s9 =	simm.s32 $0x5100;
	s4 =	sld [smem:$0x7F9];
	s5 =	simm.s32 $0x100  }
0x3e: {  	[tilespmem:s9], [sflag:$0x1] =	stream.strided.gather [hbm4b:s8+s6], $0xD80, s5, s6, $0x38;
	[tilespmem:$0xE800] =	vst v63  }
0x3f: {  	s11 =	sld [smem:$0x7FC];
	s3 =	simm.s32 $0x5E80  }
0x40: {  	[tilespmem:s3], [sflag:$0x1] =	stream.strided.gather [hbm4b:s4+s6], $0xD80, s5, s6, $0x38;
	[tilespmem:$0xE800] =	vst v63  }
0x41: {  	s10 =	rddreg [dreg:$0xe]  }
0x42: {  	[tilespmem:s11], [sflag:$0x1] =	stream.linear.gather [hbm4b:s10+s25], $0x800, $0x38;
	[tilespmem:$0xE800] =	vst v63  }
0x43: {  	s12 =	rddreg [dreg:$0xf];
	s14 =	simm.s32 $0x6C00  }
0x44: {  	[tilespmem:s14], [sflag:$0x2] =	stream.strided.gather [hbm4b:s12+s6], $0xD80, s7, s6, $0x38;
	[tilespmem:$0xE800] =	vst v63  }
0x45: {  	s13 =	rddreg [dreg:$0x10];
	s16 =	simm.s32 $0x7980  }
0x46: {  	[tilespmem:s16], [sflag:$0x2] =	stream.strided.gather [hbm4b:s13+s6], $0xD80, s7, s6, $0x38;
	[tilespmem:$0xE800] =	vst v63  }
0x47: {  	s15 =	rddreg [dreg:$0x11];
	s18 =	simm.s32 $0x8700  }
0x48: {  	[tilespmem:s18], [sflag:$0x2] =	stream.strided.gather [hbm4b:s15+s6], $0xD80, s7, s6, $0x38;
	[tilespmem:$0xE800] =	vst v63  }
0x49: {  	s17 =	rddreg [dreg:$0x12];
	s20 =	simm.s32 $0x9480  }
0x4a: {  	[tilespmem:s20], [sflag:$0x2] =	stream.strided.gather [hbm4b:s17+s6], $0xD80, s7, s6, $0x38;
	[tilespmem:$0xE800] =	vst v63  }
0x4b: {  	s19 =	rddreg [dreg:$0x13];
	s22 =	simm.s32 $0xA200  }
0x4c: {  	[tilespmem:s22], [sflag:$0x2] =	stream.strided.gather [hbm4b:s19+s6], $0xD80, s7, s6, $0x38;
	[tilespmem:$0xE800] =	vst v63  }
0x4d: {  	s21 =	rddreg [dreg:$0x14];
	s23 =	simm.s32 $0xAF80  }
0x4e: {  	[tilespmem:s23], [sflag:$0x2] =	stream.strided.gather [hbm4b:s21+s6], $0xD80, s7, s6, $0x38;
	[tilespmem:$0xE800] =	vst v63  }
0x4f: {  	[smem:$0x7F3] =	sst s1;
	s24 =	simm.s32 $0xBD00  }
0x50: {  	[tilespmem:s24], [sflag:$0x2] =	stream.strided.gather [hbm4b:s8+s6], $0xD80, s5, s6, $0x38;
	[tilespmem:$0xE800] =	vst v63  }
0x51: {  	s29 =	sld [smem:$0x7FD];
	s30 =	simm.s32 $0xCA80  }
0x52: {  	[tilespmem:s30], [sflag:$0x2] =	stream.strided.gather [hbm4b:s4+s6], $0xD80, s5, s6, $0x38;
	[tilespmem:$0xE800] =	vst v63  }
0x53: {  	s28 =	rddreg [dreg:$0x15];
	s31 =	simm.s32 $0x1  }
0x54: {  	[tilespmem:s29], [sflag:$0x2] =	stream.linear.gather [hbm4b:s28+s25], $0x800, $0x38;
	[tilespmem:$0xE800] =	vst v63  }
0x55: {  	_ =	swait.ge [sflag:s31], $0xD80  }
0x56: {  	[sflag:s31] =	ssyncset.done $0x0  }
0x57: {  	[sflag:s31] =	ssyncadd.s32 $0xFFFFF280  }
0x58: {  	_ =	swait.ge [sflag:s31], $0xD80  }
0x59: {  	[sflag:s31] =	ssyncset.done $0x0  }
0x5a: {  	[sflag:s31] =	ssyncadd.s32 $0xFFFFF280  }
0x5b: {  	_ =	swait.ge [sflag:s31], $0xD80  }
0x5c: {  	[sflag:s31] =	ssyncset.done $0x0  }
0x5d: {  	[sflag:s31] =	ssyncadd.s32 $0xFFFFF280  }
0x5e: {  	_ =	swait.ge [sflag:s31], $0xD80  }
0x5f: {  	[sflag:s31] =	ssyncset.done $0x0  }
0x60: {  	[sflag:s31] =	ssyncadd.s32 $0xFFFFF280  }
0x61: {  	_ =	swait.ge [sflag:s31], $0xD80  }
0x62: {  	[sflag:s31] =	ssyncset.done $0x0  }
0x63: {  	[sflag:s31] =	ssyncadd.s32 $0xFFFFF280  }
0x64: {  	_ =	swait.ge [sflag:s31], $0xD80  }
0x65: {  	[sflag:s31] =	ssyncset.done $0x0  }
0x66: {  	[sflag:s31] =	ssyncadd.s32 $0xFFFFF280  }
0x67: {  	_ =	swait.ge [sflag:s31], $0xD80  }
0x68: {  	[sflag:s31] =	ssyncset.done $0x0  }
0x69: {  	[sflag:s31] =	ssyncadd.s32 $0xFFFFF280  }
0x6a: {  	_ =	swait.ge [sflag:s31], $0xD80  }
0x6b: {  	[sflag:s31] =	ssyncset.done $0x0  }
0x6c: {  	[sflag:s31] =	ssyncadd.s32 $0xFFFFF280  }
0x6d: {  	_ =	swait.ge [sflag:s31], $0x800  }
0x6e: {  	[sflag:s31] =	ssyncset.done $0x0  }
0x6f: {  	[sflag:s31] =	ssyncadd.s32 $0xFFFFF800  }
0x70: {  	v3 =	vld [tilespmem:$0xD800];
	_ =	sdelay $0x4  }
0x71: {  	v3 =	vtrunc.f32 v3  }
0x72: {  	v4 =	vcvt.f32.s32 v3;
	_ =	sdelay $0x1  }
0x73: {  	vm9 =	vgt.s32 v4, $0x0  }
0x74: {  	v3 =	vnsel vm9, $0x0, v4  }
0x75: {  	v5 =	vmulhi.u32 $0x4EC4EC4F, v3;
	_ =	sdelay $0x1  }
0x76: {  	v6 =	vshrl.u32 v5, $0x3  }
0x77: {  	v5 =	vmul.u32 $0xFFFFFFE6, v6;
	_ =	sdelay $0x1  }
0x78: {  	v5 =	vadd.s32 v3, v5  }
0x79: {  	vm10 =	vlt.s32 v4, $0x1;
	vm9 =	vne.s32 v5, $0x0  }
0x7a: {  	vm9 =	vmand vm10, vm9  }
0x7b: {  	v7 =	vsel vm9, $0xFFFFFFFF, v0  }
0x7c: {  	v6 =	vadd.s32 v7, v6  }
0x7d: {  	(v2sf) =	vpush v6, $0xD;
	_ =	sdelay $0x1  }
0x7e: {  	(v2sf) =	vpush v6, $0xC;
	_ =	sdelay $0x1  }
0x7f: {  	(v2sf) =	vpush v6, $0xE;
	_ =	sdelay $0x1  }
0x80: {  	(v2sf) =	vpush v6, $0xF;
	_ =	sdelay $0x1  }
0x81: {  	(v2sf) =	vpush v6, $0x9;
	_ =	sdelay $0x1  }
0x82: {  	(v2sf) =	vpush v6, $0x8;
	_ =	sdelay $0x1  }
0x83: {  	(v2sf) =	vpush v6, $0xA;
	_ =	sdelay $0x2  }
0x84: {  	s1 =	spop (v2sf)  }
0x85: {  	(v2sf) =	vpush v6, $0xB;
	s2 =	smulhi.u32 $0x4EC4EC4F, s1;
	s0 =	sshra.s32 s1, $0x1F  }
0x86: {  	s4 =	spop (v2sf);
	s0 =	smul.u32 $0x4EC4EC4F, s0  }
0x87: {  	(v2sf) =	vpush v6, $0x0;
	s5 =	smulhi.u32 $0x4EC4EC4F, s4;
	s3 =	sshra.s32 s4, $0x1F  }
0x88: {  	(v2sf) =	vpush v6, $0x1;
	s12 =	spop (v2sf);
	s3 =	smul.u32 $0x4EC4EC4F, s3  }
0x89: {  	(v2sf) =	vpush v6, $0x2;
	s13 =	smulhi.u32 $0x4EC4EC4F, s12;
	s12 =	sshra.s32 s12, $0x1F  }
0x8a: {  	s14 =	spop (v2sf);
	(v2sf) =	vpush v6, $0x3;
	s12 =	smul.u32 $0x4EC4EC4F, s12  }
0x8b: {  	s29 =	smulhi.u32 $0x4EC4EC4F, s14;
	s14 =	sshra.s32 s14, $0x1F;
	s28 =	sadd.s32 s0, s2;
	(v2sf) =	vpush v6, $0x4  }
0x8c: {  	s9 =	spop (v2sf);
	s8 =	smul.u32 $0x4EC4EC4F, s14;
	s14 =	sshrl.u32 s28, $0x1F;
	(v2sf) =	vpush v6, $0x5  }
0x8d: {  	s15 =	smulhi.u32 $0x4EC4EC4F, s9;
	s1 =	sshra.s32 s9, $0x1F;
	s31 =	sadd.s32 s3, s5;
	(v2sf) =	vpush v6, $0x6  }
0x8e: {  	s10 =	spop (v2sf);
	s1 =	smul.u32 $0x4EC4EC4F, s1;
	s21 =	sshrl.u32 s31, $0x1F;
	(v2sf) =	vpush v6, $0x7  }
0x8f: {  	s11 =	smulhi.u32 $0x4EC4EC4F, s10;
	s3 =	sshra.s32 s10, $0x1F;
	s30 =	sadd.s32 s12, s13  }
0x90: {  	s16 =	spop (v2sf);
	s3 =	smul.u32 $0x4EC4EC4F, s3;
	s13 =	sshrl.u32 s30, $0x1F  }
0x91: {  	s22 =	smulhi.u32 $0x4EC4EC4F, s16;
	s12 =	sshra.s32 s16, $0x1F;
	s29 =	sadd.s32 s8, s29  }
0x92: {  	s1 =	sadd.s32 s1, s15;
	s17 =	smul.u32 $0x4EC4EC4F, s12;
	s15 =	sshrl.u32 s29, $0x1F  }
0x93: {  	s23 =	sshrl.u32 s1, $0x1F;
	s4 =	sadd.s32 s3, s11;
	s1 =	sshra.s32 s1, $0x3  }
0x94: {  	s8 =	sshrl.u32 s4, $0x1F;
	s0 =	sadd.s32 s17, s22;
	s18 =	spop (v2sf)  }
0x95: {  	s4 =	sshra.s32 s4, $0x3;
	s19 =	smulhi.u32 $0x4EC4EC4F, s18;
	s3 =	sshra.s32 s18, $0x1F  }
0x96: {  	s9 =	sshrl.u32 s0, $0x1F;
	s20 =	spop (v2sf);
	s3 =	smul.u32 $0x4EC4EC4F, s3  }
0x97: {  	s10 =	spop (v2sf);
	s11 =	smulhi.u32 $0x4EC4EC4F, s20;
	s22 =	sshra.s32 s20, $0x1F  }
0x98: {  	s0 =	sshra.s32 s0, $0x3;
	s16 =	spop (v2sf);
	s24 =	smul.u32 $0x4EC4EC4F, s22  }
0x99: {  	s17 =	smulhi.u32 $0x4EC4EC4F, s10;
	s10 =	sshra.s32 s10, $0x1F;
	s22 =	spop (v2sf)  }
0x9a: {  	s3 =	sadd.s32 s3, s19;
	s10 =	smul.u32 $0x4EC4EC4F, s10;
	s18 =	spop (v2sf)  }
0x9b: {  	v32 =	vmov s21;
	s2 =	smulhi.u32 $0x4EC4EC4F, s16;
	s16 =	sshra.s32 s16, $0x1F;
	s20 =	spop (v2sf)  }
0x9c: {  	v7 =	vsel vm0, s14, v32;
	s19 =	sshrl.u32 s3, $0x1F;
	s12 =	smul.u32 $0x4EC4EC4F, s16;
	s5 =	spop (v2sf)  }
0x9d: {  	v7 =	vsel vm1, s13, v7;
	s11 =	sadd.s32 s24, s11;
	s13 =	smulhi.u32 $0x4EC4EC4F, s18;
	s24 =	spop (v2sf)  }
0x9e: {  	v9 =	vmov s8;
	s10 =	sadd.s32 s10, s17;
	s17 =	smulhi.u32 $0x4EC4EC4F, s24;
	s16 =	sshra.s32 s24, $0x1F  }
0x9f: {  	v9 =	vsel vm0, s23, v9;
	s21 =	sshra.s32 s22, $0x1F;
	s2 =	sadd.s32 s12, s2;
	s12 =	smul.u32 $0x4EC4EC4F, s16  }
0xa0: {  	v9 =	vsel vm1, s9, v9;
	s3 =	sshra.s32 s3, $0x3;
	s18 =	sshra.s32 s18, $0x1F;
	s16 =	smulhi.u32 $0x4EC4EC4F, s22  }
0xa1: {  	vm4 =	vcmask $0x300;
	v9 =	vsel vm2, s19, v9;
	s19 =	sshra.s32 s31, $0x3;
	s12 =	sadd.s32 s12, s17;
	s17 =	smul.u32 $0x4EC4EC4F, s21  }
0xa2: {  	vm11 =	vcmask $0x704;
	vm12 =	vcmask $0xF0C;
	vm3 =	vcmask $0x2320;
	s8 =	smulhi.u32 $0x4EC4EC4F, s20;
	s24 =	sshrl.u32 s11, $0x1F;
	s21 =	sshra.s32 s12, $0x1F  }
0xa3: {  	vm13 =	vcmask $0x1714;
	v7 =	vsel vm2, s15, v7;
	s15 =	sadd.s32 s17, s16;
	s16 =	smul.u32 $0x4EC4EC4F, s18;
	s18 =	sshra.s32 s11, $0x3;
	v8 =	vmov s21  }
0xa4: {  	vm6 =	vcmask $0x2B28;
	s20 =	sshra.s32 s20, $0x1F;
	s23 =	sshra.s32 s10, $0x3;
	v10 =	vmov s24;
	s11 =	sshra.s32 s11, $0x1F;
	v8 =	vsel vm4, s18, v8  }
0xa5: {  	vm7 =	vcmask $0x3330;
	s22 =	sshrl.u32 s10, $0x1F;
	s24 =	smulhi.u32 $0x4EC4EC4F, s5;
	s5 =	sshra.s32 s5, $0x1F;
	v10 =	vnsel vm4, $0x0, v10;
	v8 =	vsel vm11, s11, v8  }
0xa6: {  	v13 =	vmov s4;
	s14 =	sshrl.u32 s2, $0x1F;
	s10 =	sshra.s32 s10, $0x1F;
	s5 =	smul.u32 $0x4EC4EC4F, s5;
	v10 =	vsel vm0, s22, v10;
	v8 =	vsel vm0, s23, v8  }
0xa7: {  	v13 =	vsel vm0, s1, v13;
	v10 =	vsel vm1, s14, v10;
	s14 =	sshra.s32 s2, $0x3;
	s2 =	sshra.s32 s2, $0x1F;
	s18 =	smul.u32 $0x4EC4EC4F, s20;
	v8 =	vsel vm12, s10, v8  }
0xa8: {  	v13 =	vsel vm1, s0, v13;
	v7 =	vcombine.low v9, v7;
	s5 =	sadd.s32 s5, s24;
	s21 =	sshrl.u32 s15, $0x1F;
	s11 =	sadd.s32 s16, s13;
	v8 =	vsel vm1, s14, v8  }
0xa9: {  	v13 =	vsel vm2, s3, v13;
	v11 =	vmov s19;
	s16 =	simm.s32 $0x1B00;
	s8 =	sadd.s32 s18, s8;
	s18 =	sshra.s32 s15, $0x3;
	v8 =	vsel vm13, s2, v8  }
0xaa: {  	v7 =	vperm.xlane v7, v1;
	s20 =	sshra.s32 s15, $0x1F;
	v33 =	vsel vm2, s21, v10;
	s21 =	sshra.s32 s28, $0x3;
	v34 =	vld.idx.msk [tilespmem:v3+s16+$0x0], $0xffff;
	s23 =	simm.s32 $0x2880;
	v8 =	vsel vm2, s18, v8  }
0xab: {  	s24 =	sshra.s32 s30, $0x3;
	vm11 =	vcmask $0x3734;
	s13 =	sshrl.u32 s11, $0x1F;
	s22 =	sshra.s32 s11, $0x3;
	v11 =	vsel vm0, s21, v11;
	v12 =	vld.idx.msk [tilespmem:v3+s23+$0x0], $0xffff;
	v8 =	vsel vm14, s20, v8  }
0xac: {  	s28 =	sshra.s32 s11, $0x1F;
	v9 =	vsel vm3, s13, v33;
	s17 =	sshrl.u32 s8, $0x1F;
	v11 =	vsel vm1, s24, v11;
	v8 =	vsel vm3, s22, v8  }
0xad: {  	s31 =	sshra.s32 s29, $0x3;
	s30 =	sshra.s32 s8, $0x3;
	vm12 =	vcmask $0x3B38;
	v9 =	vsel vm6, s17, v9;
	v8 =	vsel vm15, s28, v8  }
0xae: {  	s9 =	sshrl.u32 s5, $0x1F;
	s4 =	sshra.s32 s8, $0x1F;
	v11 =	vsel vm2, s31, v11;
	vm13 =	vcmask $0x2F2C;
	v8 =	vsel vm6, s30, v8  }
0xaf: {  	s8 =	sshra.s32 s5, $0x3;
	v9 =	vsel vm7, s9, v9;
	v10 =	vmul.f32 $1.442695020e+00, v34;
	v8 =	vsel vm13, s4, v8  }
0xb0: {  	s11 =	sshra.s32 s5, $0x1F;
	s9 =	sshrl.u32 s12, $0x1F;
	v11 =	vcombine.low v13, v11;
	v35 =	vmul.f32 $1.442695020e+00, v12;
	v8 =	vsel vm7, s8, v8  }
0xb1: {  	s12 =	sshra.s32 s12, $0x3;
	v9 =	vsel vm12, s9, v9;
	(erf) = vpow2.f32 v10;
	v8 =	vsel vm11, s11, v8  }
0xb2: {  	v36 =	vld [tilespmem:$0xDD80];
	v9 =	vperm.xlane v9, v2;
	(erf) = vpow2.f32 v35;
	v8 =	vsel vm12, s12, v8  }
0xb3: {  	v38 =	vld [tilespmem:$0xDE00];
	v11 =	vperm.xlane v11, v1;
	v8 =	vperm.xlane v8, v2  }
0xb4: {  	v41 =	vld [tilespmem:$0xDC80]  }
0xb5: {  	v44 =	vld [tilespmem:$0xDD00];
	v7 =	vsel vm8, v9, v7;
	v8 =	vsel vm8, v8, v11  }
0xb6: {  	v43 =	vld [tilespmem:$0xDB80];
	v7 =	vadd.s32 v7, v8  }
0xb7: {  	v46 =	vld [tilespmem:$0xDC00];
	v7 =	vmul.u32 $0x1A, v7  }
0xb8: {  	v37 =	vld.idx.msk [tilespmem:v3+s25+$0x0], $0xffff;
	s13 =	simm.s32 $0xD80  }
0xb9: {  	v14 =	vmul.f32 $5.000000000e-01, v41;
	v39 =	vld.idx.msk [tilespmem:v3+s13+$0x0], $0xffff;
	v6 =	vsub.s32 v6, v7  }
0xba: {  	v18 =	vmul.f32 $5.000000000e-01, v44;
	v40 =	vpop (erf);
	vm9 =	vlt.s32 v6, $0x0;
	v42 =	vadd.s32 $0x1A, v6  }
0xbb: {  	v5 =	vcvt.s32.f32 v5;
	v45 =	vpop (erf);
	v7 =	vmul.f32 v40, v36;
	v6 =	vsel vm9, v42, v6  }
0xbc: {  	v8 =	vmul.f32 v45, v38;
	v6 =	vcvt.s32.f32 v6  }
0xbd: {  	v16 =	vsub.f32 v43, v14;
	v5 =	vadd.f32 v5, v37;
	v7 =	vmul.f32 $3.846153990e-02, v7  }
0xbe: {  	v49 =	vsub.f32 v46, v18;
	v8 =	vmul.f32 $3.846153990e-02, v8;
	v6 =	vadd.f32 v6, v39  }
0xbf: {  	v5 =	vmul.f32 $3.846153990e-02, v5;
	v10 =	vadd.f32 v14, v43;
	v47 =	vmul.f32 $5.000000000e-01, v7  }
0xc0: {  	v9 =	vadd.f32 v18, v46;
	v17 =	vmul.f32 $5.000000000e-01, v8;
	v6 =	vmul.f32 $3.846153990e-02, v6  }
0xc1: {  	v15 =	vsub.f32 v5, v47;
	v5 =	vadd.f32 v47, v5  }
0xc2: {  	v48 =	vsub.f32 v6, v17;
	v6 =	vadd.f32 v17, v6  }
0xc3: {  	v15 =	vmax.f32 v15, v16  }
0xc4: {  	v5 =	vmin.f32 v5, v10;
	v50 =	vmax.f32 v48, v49;
	v6 =	vmin.f32 v6, v9  }
0xc5: {  	v5 =	vsub.f32 v5, v15;
	v6 =	vsub.f32 v6, v50  }
0xc6: {  	v51 =	vmul.f32 v44, v41;
	v7 =	vmul.f32 v8, v7  }
0xc7: {  	v5 =	vmax.f32 v5, $0.0e+00;
	v6 =	vmax.f32 v6, $0.0e+00  }
0xc8: {  	v52 =	vadd.f32 v7, v51;
	v5 =	vmul.f32 v6, v5;
	_ =	sdelay $0x1  }
0xc9: {  	v6 =	vsub.f32 v52, v5;
	_ =	sdelay $0x1  }
0xca: {  	v53 =	vmax.f32 v6, $9.999999960e-13  }
0xcb: {  	(erf) = vrcp.f32 v53;
	_ =	sdelay $0x1  }
0xcc: {  	v54 =	vld [tilespmem:$0xD880];
	vm9 =	vgt.s32 v4, $0xFFFFFFFF  }
0xcd: {  	v55 =	vld [tilespmem:$0xD900]  }
0xce: {  	v56 =	vld [tilespmem:$0xD980]  }
0xcf: {  	v57 =	vld [tilespmem:$0xDA00]  }
0xd0: {  	v58 =	vld [tilespmem:$0xDA80]  }
0xd1: {  	v59 =	vld [tilespmem:$0xDB00];
	s15 =	simm.s32 $0x3600  }
0xd2: {  	v60 =	vld.idx.msk [tilespmem:v3+s15+$0x0], $0xffff;
	[tilespmem:v3+s25+$0x0] =	vst.idx.msk vm9, v54  }
0xd3: {  	[tilespmem:v3+s13+$0x0] =	vst.idx.msk vm9, v55;
	v61 =	vpop (erf)  }
0xd4: {  	[tilespmem:v3+s16+$0x0] =	vst.idx.msk vm9, v56;
	v62 =	vmul.f32 v61, v5  }
0xd5: {  	s16 =	simm.s32 $0x5100;
	[tilespmem:v3+s23+$0x0] =	vst.idx.msk vm9, v57;
	vm10 =	vgt.f32 v6, $0.0e+00  }
0xd6: {  	[tilespmem:v3+s16+$0x0] =	vst.idx.msk vm9, v58;
	v4 =	vnsel vm10, $0x0, v62  }
0xd7: {  	s17 =	simm.s32 $0x4380;
	[tilespmem:v3+s15+$0x0] =	vst.idx.msk vm9, v4  }
0xd8: {  	s18 =	simm.s32 $0x5E80;
	[tilespmem:v3+s17+$0x0] =	vst.idx.msk vm9, v60  }
0xd9: {  	[tilespmem:v3+s18+$0x0] =	vst.idx.msk vm9, v59  }
0xda: {  	v3 =	vld [tilespmem:$0xD810];
	_ =	sdelay $0x4  }
0xdb: {  	v3 =	vtrunc.f32 v3  }
0xdc: {  	v63 =	vcvt.f32.s32 v3;
	_ =	sdelay $0x1  }
0xdd: {  	vm9 =	vgt.s32 v63, $0x0  }
0xde: {  	v3 =	vnsel vm9, $0x0, v63  }
0xdf: {  	v19 =	vmulhi.u32 $0x4EC4EC4F, v3;
	_ =	sdelay $0x1  }
0xe0: {  	v20 =	vshrl.u32 v19, $0x3  }
0xe1: {  	v5 =	vmul.u32 $0xFFFFFFE6, v20;
	_ =	sdelay $0x1  }
0xe2: {  	v5 =	vadd.s32 v3, v5  }
0xe3: {  	vm10 =	vlt.s32 v63, $0x1;
	vm9 =	vne.s32 v5, $0x0  }
0xe4: {  	vm9 =	vmand vm10, vm9  }
0xe5: {  	v21 =	vsel vm9, $0xFFFFFFFF, v0  }
0xe6: {  	v6 =	vadd.s32 v21, v20  }
0xe7: {  	(v2sf) =	vpush v6, $0xD;
	_ =	sdelay $0x1  }
0xe8: {  	(v2sf) =	vpush v6, $0xC;
	_ =	sdelay $0x1  }
0xe9: {  	(v2sf) =	vpush v6, $0xE;
	_ =	sdelay $0x1  }
0xea: {  	(v2sf) =	vpush v6, $0xF;
	_ =	sdelay $0x1  }
0xeb: {  	(v2sf) =	vpush v6, $0x9;
	_ =	sdelay $0x1  }
0xec: {  	(v2sf) =	vpush v6, $0x8;
	_ =	sdelay $0x1  }
0xed: {  	(v2sf) =	vpush v6, $0xA;
	_ =	sdelay $0x1  }
0xee: {  	(v2sf) =	vpush v6, $0xB  }
0xef: {  	(v2sf) =	vpush v6, $0x0;
	s19 =	spop (v2sf)  }
0xf0: {  	s20 =	smulhi.u32 $0x4EC4EC4F, s19;
	s0 =	sshra.s32 s19, $0x1F  }
0xf1: {  	(v2sf) =	vpush v6, $0x1;
	s21 =	spop (v2sf);
	s0 =	smul.u32 $0x4EC4EC4F, s0  }
0xf2: {  	s22 =	smulhi.u32 $0x4EC4EC4F, s21;
	s2 =	sshra.s32 s21, $0x1F  }
0xf3: {  	(v2sf) =	vpush v6, $0x2;
	s23 =	spop (v2sf);
	s2 =	smul.u32 $0x4EC4EC4F, s2  }
0xf4: {  	(v2sf) =	vpush v6, $0x3;
	s24 =	smulhi.u32 $0x4EC4EC4F, s23;
	s4 =	sshra.s32 s23, $0x1F  }
0xf5: {  	(v2sf) =	vpush v6, $0x4;
	s28 =	spop (v2sf);
	s4 =	smul.u32 $0x4EC4EC4F, s4  }
0xf6: {  	(v2sf) =	vpush v6, $0x5;
	s29 =	smulhi.u32 $0x4EC4EC4F, s28;
	s8 =	sshra.s32 s28, $0x1F;
	s28 =	sadd.s32 s0, s20  }
0xf7: {  	(v2sf) =	vpush v6, $0x6;
	s12 =	spop (v2sf);
	s10 =	smul.u32 $0x4EC4EC4F, s8;
	s8 =	sshrl.u32 s28, $0x1F  }
0xf8: {  	(v2sf) =	vpush v6, $0x7;
	s13 =	smulhi.u32 $0x4EC4EC4F, s12;
	s1 =	sshra.s32 s12, $0x1F;
	s31 =	sadd.s32 s2, s22  }
0xf9: {  	s14 =	spop (v2sf);
	s1 =	smul.u32 $0x4EC4EC4F, s1;
	s11 =	sshrl.u32 s31, $0x1F  }
0xfa: {  	s15 =	smulhi.u32 $0x4EC4EC4F, s14;
	s2 =	sshra.s32 s14, $0x1F;
	s30 =	sadd.s32 s4, s24  }
0xfb: {  	s16 =	spop (v2sf);
	s2 =	smul.u32 $0x4EC4EC4F, s2;
	s5 =	sshrl.u32 s30, $0x1F  }
0xfc: {  	s17 =	smulhi.u32 $0x4EC4EC4F, s16;
	s4 =	sshra.s32 s16, $0x1F;
	s29 =	sadd.s32 s10, s29  }
0xfd: {  	s19 =	spop (v2sf);
	s0 =	sadd.s32 s1, s13;
	s18 =	smul.u32 $0x4EC4EC4F, s4  }
0xfe: {  	s20 =	smulhi.u32 $0x4EC4EC4F, s19;
	s3 =	sshra.s32 s19, $0x1F;
	s21 =	spop (v2sf)  }
0xff: {  	s10 =	sshrl.u32 s0, $0x1F;
	s4 =	sadd.s32 s2, s15;
	s3 =	smul.u32 $0x4EC4EC4F, s3  }
0x100: {  	s22 =	spop (v2sf);
	s16 =	smulhi.u32 $0x4EC4EC4F, s21;
	s13 =	sshra.s32 s21, $0x1F  }
0x101: {  	s2 =	sshrl.u32 s4, $0x1F;
	s1 =	sadd.s32 s18, s17;
	s24 =	smul.u32 $0x4EC4EC4F, s13  }
0x102: {  	s23 =	spop (v2sf);
	s18 =	smulhi.u32 $0x4EC4EC4F, s22;
	s15 =	sshra.s32 s22, $0x1F  }
0x103: {  	s14 =	sshrl.u32 s1, $0x1F;
	s15 =	smul.u32 $0x4EC4EC4F, s15;
	s13 =	spop (v2sf)  }
0x104: {  	s22 =	smulhi.u32 $0x4EC4EC4F, s23;
	s17 =	sshra.s32 s23, $0x1F;
	s19 =	spop (v2sf)  }
0x105: {  	s3 =	sadd.s32 s3, s20;
	s12 =	smul.u32 $0x4EC4EC4F, s17;
	s21 =	spop (v2sf)  }
0x106: {  	v22 =	vmov s11;
	s11 =	smulhi.u32 $0x4EC4EC4F, s13;
	s13 =	sshra.s32 s13, $0x1F;
	s23 =	spop (v2sf)  }
0x107: {  	v24 =	vmov s2;
	s16 =	sadd.s32 s24, s16;
	s13 =	smul.u32 $0x4EC4EC4F, s13;
	s24 =	spop (v2sf)  }
0x108: {  	v9 =	vsel vm0, s10, v24;
	s15 =	sadd.s32 s15, s18;
	s18 =	smulhi.u32 $0x4EC4EC4F, s24;
	s17 =	sshra.s32 s24, $0x1F  }
0x109: {  	v7 =	vsel vm0, s8, v22;
	s20 =	sshrl.u32 s3, $0x1F;
	v9 =	vsel vm1, s14, v9;
	s22 =	sadd.s32 s12, s22;
	s12 =	smul.u32 $0x4EC4EC4F, s17  }
0x10a: {  	s9 =	sshrl.u32 s29, $0x1F;
	v7 =	vsel vm1, s5, v7;
	v9 =	vsel vm2, s20, v9;
	s20 =	simm.s32 $0x1B00;
	s5 =	smulhi.u32 $0x4EC4EC4F, s19  }
0x10b: {  	s8 =	sshrl.u32 s22, $0x1F;
	s2 =	smulhi.u32 $0x4EC4EC4F, s21;
	s12 =	sadd.s32 s12, s18  }
0x10c: {  	s24 =	sshrl.u32 s16, $0x1F;
	s18 =	sshra.s32 s19, $0x1F;
	s19 =	sshra.s32 s12, $0x1F  }
0x10d: {  	v7 =	vsel vm2, s9, v7;
	s9 =	sadd.s32 s13, s11;
	v25 =	vmov s24;
	s11 =	smul.u32 $0x4EC4EC4F, s18;
	s18 =	sshra.s32 s16, $0x3;
	v23 =	vmov s19  }
0x10e: {  	s21 =	sshra.s32 s21, $0x1F;
	s17 =	sshrl.u32 s15, $0x1F;
	s24 =	sshra.s32 s16, $0x1F;
	v10 =	vnsel vm4, $0x0, v25;
	v8 =	vsel vm4, s18, v23;
	vm4 =	vcmask $0x704  }
0x10f: {  	vm5 =	vcmask $0xF0C;
	s13 =	simm.s32 $0x2880;
	v10 =	vsel vm0, s17, v10;
	s19 =	smul.u32 $0x4EC4EC4F, s21;
	s21 =	sshra.s32 s15, $0x3;
	v8 =	vsel vm4, s24, v8  }
0x110: {  	vm9 =	vmmov vm3;
	v27 =	vld.idx.msk [tilespmem:v3+s20+$0x0], $0xffff;
	s16 =	sshrl.u32 s9, $0x1F;
	v10 =	vsel vm1, s8, v10;
	s5 =	sadd.s32 s11, s5;
	s24 =	sshra.s32 s15, $0x1F;
	v8 =	vsel vm0, s21, v8  }
0x111: {  	s0 =	sshra.s32 s0, $0x3;
	v7 =	vcombine.low v9, v7;
	v12 =	vld.idx.msk [tilespmem:v3+s13+$0x0], $0xffff;
	s17 =	sshra.s32 s22, $0x3;
	v26 =	vsel vm2, s16, v10;
	s18 =	sshrl.u32 s5, $0x1F;
	v8 =	vsel vm5, s24, v8  }
0x112: {  	s4 =	sshra.s32 s4, $0x3;
	s2 =	sadd.s32 s19, s2;
	s19 =	sshra.s32 s22, $0x1F;
	v9 =	vsel vm3, s18, v26;
	vm3 =	vcmask $0x1714;
	v8 =	vsel vm1, s17, v8  }
0x113: {  	v29 =	vmov s4;
	s14 =	smulhi.u32 $0x4EC4EC4F, s23;
	s23 =	sshra.s32 s23, $0x1F;
	s22 =	sshra.s32 s9, $0x3;
	v8 =	vsel vm3, s19, v8  }
0x114: {  	v13 =	vsel vm0, s0, v29;
	s15 =	smul.u32 $0x4EC4EC4F, s23;
	s9 =	sshra.s32 s9, $0x1F;
	v8 =	vsel vm2, s22, v8  }
0x115: {  	v7 =	vperm.xlane v7, v1;
	s16 =	sshra.s32 s1, $0x3;
	v10 =	vmul.f32 $1.442695020e+00, v27;
	s24 =	sshra.s32 s31, $0x3;
	s31 =	sshra.s32 s5, $0x3;
	v8 =	vsel vm14, s9, v8  }
0x116: {  	v30 =	vmul.f32 $1.442695020e+00, v12;
	v13 =	vsel vm1, s16, v13;
	s8 =	sadd.s32 s15, s14;
	s15 =	sshra.s32 s5, $0x1F;
	v8 =	vsel vm9, s31, v8  }
0x117: {  	s28 =	sshra.s32 s28, $0x3;
	(erf) = vpow2.f32 v10;
	s21 =	sshrl.u32 s2, $0x1F;
	v28 =	vmov s24;
	s17 =	sshra.s32 s2, $0x3;
	v8 =	vsel vm15, s15, v8  }
0x118: {  	s20 =	sshra.s32 s2, $0x1F;
	v9 =	vsel vm6, s21, v9;
	s14 =	sshra.s32 s30, $0x3;
	s23 =	sshrl.u32 s8, $0x1F;
	v11 =	vsel vm0, s28, v28;
	v8 =	vsel vm6, s17, v8  }
0x119: {  	s18 =	sshra.s32 s29, $0x3;
	s21 =	sshra.s32 s8, $0x3;
	v9 =	vsel vm7, s23, v9;
	s19 =	sshra.s32 s3, $0x3;
	v11 =	vsel vm1, s14, v11;
	v8 =	vsel vm13, s20, v8  }
0x11a: {  	s23 =	sshra.s32 s8, $0x1F;
	v13 =	vsel vm2, s19, v13;
	s22 =	sshrl.u32 s12, $0x1F;
	v11 =	vsel vm2, s18, v11;
	v8 =	vsel vm7, s21, v8  }
0x11b: {  	s24 =	sshra.s32 s12, $0x3;
	v9 =	vsel vm12, s22, v9;
	v11 =	vcombine.low v13, v11;
	v8 =	vsel vm11, s23, v8  }
0x11c: {  	v31 =	vld [tilespmem:$0xDD90];
	(erf) = vpow2.f32 v30;
	v9 =	vperm.xlane v9, v2;
	v8 =	vsel vm12, s24, v8  }
0x11d: {  	v33 =	vld [tilespmem:$0xDE10];
	v11 =	vperm.xlane v11, v1;
	v8 =	vperm.xlane v8, v2  }
0x11e: {  	v36 =	vld [tilespmem:$0xDC90]  }
0x11f: {  	v39 =	vld [tilespmem:$0xDD10];
	v7 =	vsel vm8, v9, v7;
	v8 =	vsel vm8, v8, v11  }
0x120: {  	v38 =	vld [tilespmem:$0xDB90];
	v7 =	vadd.s32 v7, v8  }
0x121: {  	v41 =	vld [tilespmem:$0xDC10];
	v7 =	vmul.u32 $0x1A, v7  }
0x122: {  	v32 =	vld.idx.msk [tilespmem:v3+s25+$0x0], $0xffff;
	s28 =	simm.s32 $0xD80  }
0x123: {  	v43 =	vmul.f32 $5.000000000e-01, v36;
	v34 =	vld.idx.msk [tilespmem:v3+s28+$0x0], $0xffff;
	v6 =	vsub.s32 v6, v7  }
0x124: {  	v47 =	vmul.f32 $5.000000000e-01, v39;
	v35 =	vpop (erf);
	vm9 =	vlt.s32 v6, $0x0;
	v37 =	vadd.s32 $0x1A, v6  }
0x125: {  	v5 =	vcvt.s32.f32 v5;
	v40 =	vpop (erf);
	v7 =	vmul.f32 v35, v31;
	v6 =	vsel vm9, v37, v6  }
0x126: {  	v8 =	vmul.f32 v40, v33;
	v6 =	vcvt.s32.f32 v6  }
0x127: {  	v45 =	vsub.f32 v38, v43;
	v5 =	vadd.f32 v5, v32;
	v7 =	vmul.f32 $3.846153990e-02, v7  }
0x128: {  	v49 =	vsub.f32 v41, v47;
	v8 =	vmul.f32 $3.846153990e-02, v8;
	v6 =	vadd.f32 v6, v34  }
0x129: {  	v5 =	vmul.f32 $3.846153990e-02, v5;
	v10 =	vadd.f32 v43, v38;
	v42 =	vmul.f32 $5.000000000e-01, v7  }
0x12a: {  	v9 =	vadd.f32 v47, v41;
	v46 =	vmul.f32 $5.000000000e-01, v8;
	v6 =	vmul.f32 $3.846153990e-02, v6  }
0x12b: {  	v44 =	vsub.f32 v5, v42;
	v5 =	vadd.f32 v42, v5  }
0x12c: {  	v48 =	vsub.f32 v6, v46;
	v6 =	vadd.f32 v46, v6  }
0x12d: {  	v15 =	vmax.f32 v44, v45  }
0x12e: {  	v5 =	vmin.f32 v5, v10;
	v50 =	vmax.f32 v48, v49;
	v6 =	vmin.f32 v6, v9  }
0x12f: {  	v5 =	vsub.f32 v5, v15;
	v6 =	vsub.f32 v6, v50  }
0x130: {  	v51 =	vmul.f32 v39, v36;
	v7 =	vmul.f32 v8, v7  }
0x131: {  	v5 =	vmax.f32 v5, $0.0e+00;
	v6 =	vmax.f32 v6, $0.0e+00  }
0x132: {  	v52 =	vadd.f32 v7, v51;
	v5 =	vmul.f32 v6, v5;
	_ =	sdelay $0x1  }
0x133: {  	v6 =	vsub.f32 v52, v5;
	_ =	sdelay $0x1  }
0x134: {  	v53 =	vmax.f32 v6, $9.999999960e-13  }
0x135: {  	(erf) = vrcp.f32 v53;
	_ =	sdelay $0x1  }
0x136: {  	v54 =	vld [tilespmem:$0xD890];
	vm9 =	vgt.s32 v63, $0xFFFFFFFF  }
0x137: {  	v55 =	vld [tilespmem:$0xD910]  }
0x138: {  	v56 =	vld [tilespmem:$0xD990]  }
0x139: {  	v57 =	vld [tilespmem:$0xDA10]  }
0x13a: {  	v58 =	vld [tilespmem:$0xDA90]  }
0x13b: {  	v59 =	vld [tilespmem:$0xDB10];
	s29 =	simm.s32 $0x3600  }
0x13c: {  	v60 =	vld.idx.msk [tilespmem:v3+s29+$0x0], $0xffff;
	[tilespmem:v3+s25+$0x0] =	vst.idx.msk vm9, v54  }
0x13d: {  	s31 =	simm.s32 $0x1B00;
	[tilespmem:v3+s28+$0x0] =	vst.idx.msk vm9, v55;
	v61 =	vpop (erf)  }
0x13e: {  	s2 =	simm.s32 $0x2880;
	[tilespmem:v3+s31+$0x0] =	vst.idx.msk vm9, v56;
	v62 =	vmul.f32 v61, v5  }
0x13f: {  	s3 =	simm.s32 $0x5100;
	[tilespmem:v3+s2+$0x0] =	vst.idx.msk vm9, v57;
	vm10 =	vgt.f32 v6, $0.0e+00  }
0x140: {  	[tilespmem:v3+s3+$0x0] =	vst.idx.msk vm9, v58;
	v4 =	vnsel vm10, $0x0, v62  }
0x141: {  	s12 =	simm.s32 $0x4380;
	[tilespmem:v3+s29+$0x0] =	vst.idx.msk vm9, v4  }
0x142: {  	s13 =	simm.s32 $0x5E80;
	[tilespmem:v3+s12+$0x0] =	vst.idx.msk vm9, v60  }
0x143: {  	s11 =	rddreg [dreg:$0x16];
	[tilespmem:v3+s13+$0x0] =	vst.idx.msk vm9, v59  }
0x144: {  	[hbm4b:s11+s6] =	stream.strided.scatter [tilespmem:s25], [sflag:$0x3], $0xD80, s7, s6, $0x38;
	[tilespmem:$0xE800] =	vst v63  }
0x145: {  	s30 =	simm.s32 $0xD80;
	s14 =	rddreg [dreg:$0x17]  }
0x146: {  	[hbm4b:s14+s6] =	stream.strided.scatter [tilespmem:s30], [sflag:$0x3], $0xD80, s7, s6, $0x38;
	[tilespmem:$0xE800] =	vst v63  }
0x147: {  	s15 =	rddreg [dreg:$0x18]  }
0x148: {  	[hbm4b:s15+s6] =	stream.strided.scatter [tilespmem:s31], [sflag:$0x3], $0xD80, s7, s6, $0x38;
	[tilespmem:$0xE800] =	vst v63  }
0x149: {  	s16 =	rddreg [dreg:$0x19]  }
0x14a: {  	[hbm4b:s16+s6] =	stream.strided.scatter [tilespmem:s2], [sflag:$0x3], $0xD80, s7, s6, $0x38;
	[tilespmem:$0xE800] =	vst v63  }
0x14b: {  	s17 =	rddreg [dreg:$0x1a]  }
0x14c: {  	[hbm4b:s17+s6] =	stream.strided.scatter [tilespmem:s3], [sflag:$0x3], $0xD80, s7, s6, $0x38;
	[tilespmem:$0xE800] =	vst v63  }
0x14d: {  	s9 =	simm.s32 $0x3600;
	s18 =	rddreg [dreg:$0x1b]  }
0x14e: {  	[hbm4b:s18+s6] =	stream.strided.scatter [tilespmem:s9], [sflag:$0x3], $0xD80, s7, s6, $0x38;
	[tilespmem:$0xE800] =	vst v63  }
0x14f: {  	s19 =	rddreg [dreg:$0x1c]  }
0x150: {  	[hbm4b:s19+s6] =	stream.strided.scatter [tilespmem:s12], [sflag:$0x3], $0xD80, s7, s6, $0x38;
	[tilespmem:$0xE800] =	vst v63  }
0x151: {  	s20 =	rddreg [dreg:$0x1d];
	s21 =	simm.s32 $0x2  }
0x152: {  	[hbm4b:s20+s6] =	stream.strided.scatter [tilespmem:s13], [sflag:$0x3], $0xD80, s7, s6, $0x38;
	[tilespmem:$0xE800] =	vst v63  }
0x153: {  	_ =	swait.ge [sflag:s21], $0xD80  }
0x154: {  	[sflag:s21] =	ssyncset.done $0x0  }
0x155: {  	[sflag:s21] =	ssyncadd.s32 $0xFFFFF280  }
0x156: {  	_ =	swait.ge [sflag:s21], $0xD80  }
0x157: {  	[sflag:s21] =	ssyncset.done $0x0  }
0x158: {  	[sflag:s21] =	ssyncadd.s32 $0xFFFFF280  }
0x159: {  	_ =	swait.ge [sflag:s21], $0xD80  }
0x15a: {  	[sflag:s21] =	ssyncset.done $0x0  }
0x15b: {  	[sflag:s21] =	ssyncadd.s32 $0xFFFFF280  }
0x15c: {  	_ =	swait.ge [sflag:s21], $0xD80  }
0x15d: {  	[sflag:s21] =	ssyncset.done $0x0  }
0x15e: {  	[sflag:s21] =	ssyncadd.s32 $0xFFFFF280  }
0x15f: {  	_ =	swait.ge [sflag:s21], $0xD80  }
0x160: {  	[sflag:s21] =	ssyncset.done $0x0  }
0x161: {  	[sflag:s21] =	ssyncadd.s32 $0xFFFFF280  }
0x162: {  	_ =	swait.ge [sflag:s21], $0xD80  }
0x163: {  	[sflag:s21] =	ssyncset.done $0x0  }
0x164: {  	[sflag:s21] =	ssyncadd.s32 $0xFFFFF280  }
0x165: {  	_ =	swait.ge [sflag:s21], $0xD80  }
0x166: {  	[sflag:s21] =	ssyncset.done $0x0  }
0x167: {  	[sflag:s21] =	ssyncadd.s32 $0xFFFFF280  }
0x168: {  	_ =	swait.ge [sflag:s21], $0xD80  }
0x169: {  	[sflag:s21] =	ssyncset.done $0x0  }
0x16a: {  	[sflag:s21] =	ssyncadd.s32 $0xFFFFF280  }
0x16b: {  	_ =	swait.ge [sflag:s21], $0x800  }
0x16c: {  	[sflag:s21] =	ssyncset.done $0x0  }
0x16d: {  	[sflag:s21] =	ssyncadd.s32 $0xFFFFF800  }
0x16e: {  	v3 =	vld [tilespmem:$0xE000];
	_ =	sdelay $0x4  }
0x16f: {  	v3 =	vtrunc.f32 v3  }
0x170: {  	v63 =	vcvt.f32.s32 v3;
	_ =	sdelay $0x1  }
0x171: {  	vm9 =	vgt.s32 v63, $0x0  }
0x172: {  	v3 =	vnsel vm9, $0x0, v63  }
0x173: {  	v18 =	vmulhi.u32 $0x4EC4EC4F, v3;
	_ =	sdelay $0x1  }
0x174: {  	v19 =	vshrl.u32 v18, $0x3  }
0x175: {  	v5 =	vmul.u32 $0xFFFFFFE6, v19;
	_ =	sdelay $0x1  }
0x176: {  	v5 =	vadd.s32 v3, v5  }
0x177: {  	vm10 =	vlt.s32 v63, $0x1;
	vm9 =	vne.s32 v5, $0x0  }
0x178: {  	vm9 =	vmand vm10, vm9  }
0x179: {  	v20 =	vsel vm9, $0xFFFFFFFF, v0  }
0x17a: {  	v6 =	vadd.s32 v20, v19  }
0x17b: {  	(v2sf) =	vpush v6, $0xD;
	_ =	sdelay $0x1  }
0x17c: {  	(v2sf) =	vpush v6, $0xC;
	_ =	sdelay $0x1  }
0x17d: {  	(v2sf) =	vpush v6, $0xE;
	_ =	sdelay $0x1  }
0x17e: {  	(v2sf) =	vpush v6, $0xF;
	_ =	sdelay $0x1  }
0x17f: {  	(v2sf) =	vpush v6, $0x9;
	_ =	sdelay $0x1  }
0x180: {  	(v2sf) =	vpush v6, $0x8;
	_ =	sdelay $0x1  }
0x181: {  	(v2sf) =	vpush v6, $0xA;
	_ =	sdelay $0x1  }
0x182: {  	(v2sf) =	vpush v6, $0xB  }
0x183: {  	s22 =	spop (v2sf)  }
0x184: {  	(v2sf) =	vpush v6, $0x0;
	s23 =	smulhi.u32 $0x4EC4EC4F, s22;
	s0 =	sshra.s32 s22, $0x1F  }
0x185: {  	s24 =	spop (v2sf);
	s0 =	smul.u32 $0x4EC4EC4F, s0  }
0x186: {  	(v2sf) =	vpush v6, $0x1;
	s25 =	smulhi.u32 $0x4EC4EC4F, s24;
	s2 =	sshra.s32 s24, $0x1F  }
0x187: {  	s29 =	spop (v2sf);
	s2 =	smul.u32 $0x4EC4EC4F, s2  }
0x188: {  	(v2sf) =	vpush v6, $0x2;
	s30 =	smulhi.u32 $0x4EC4EC4F, s29;
	s4 =	sshra.s32 s29, $0x1F  }
0x189: {  	(v2sf) =	vpush v6, $0x3;
	s9 =	spop (v2sf);
	s4 =	smul.u32 $0x4EC4EC4F, s4  }
0x18a: {  	(v2sf) =	vpush v6, $0x4;
	s10 =	smulhi.u32 $0x4EC4EC4F, s9;
	s8 =	sshra.s32 s9, $0x1F  }
0x18b: {  	(v2sf) =	vpush v6, $0x5;
	s28 =	sadd.s32 s0, s23;
	s14 =	spop (v2sf);
	s13 =	smul.u32 $0x4EC4EC4F, s8  }
0x18c: {  	(v2sf) =	vpush v6, $0x6;
	s8 =	sshrl.u32 s28, $0x1F;
	s15 =	smulhi.u32 $0x4EC4EC4F, s14;
	s1 =	sshra.s32 s14, $0x1F  }
0x18d: {  	(v2sf) =	vpush v6, $0x7;
	s31 =	sadd.s32 s2, s25;
	s16 =	spop (v2sf);
	s1 =	smul.u32 $0x4EC4EC4F, s1  }
0x18e: {  	s11 =	sshrl.u32 s31, $0x1F;
	s17 =	smulhi.u32 $0x4EC4EC4F, s16;
	s2 =	sshra.s32 s16, $0x1F  }
0x18f: {  	s30 =	sadd.s32 s4, s30;
	s18 =	spop (v2sf);
	s2 =	smul.u32 $0x4EC4EC4F, s2  }
0x190: {  	s5 =	sshrl.u32 s30, $0x1F;
	s12 =	smulhi.u32 $0x4EC4EC4F, s18;
	s4 =	sshra.s32 s18, $0x1F  }
0x191: {  	s29 =	sadd.s32 s13, s10;
	s19 =	spop (v2sf);
	s4 =	smul.u32 $0x4EC4EC4F, s4  }
0x192: {  	s9 =	sshrl.u32 s29, $0x1F;
	s13 =	smulhi.u32 $0x4EC4EC4F, s19;
	s20 =	sshra.s32 s19, $0x1F  }
0x193: {  	s0 =	sadd.s32 s1, s15;
	s21 =	spop (v2sf);
	s10 =	smul.u32 $0x4EC4EC4F, s20  }
0x194: {  	s14 =	sshrl.u32 s0, $0x1F;
	s15 =	smulhi.u32 $0x4EC4EC4F, s21;
	s22 =	sshra.s32 s21, $0x1F  }
0x195: {  	s1 =	sadd.s32 s2, s17;
	s23 =	spop (v2sf);
	s2 =	smul.u32 $0x4EC4EC4F, s22  }
0x196: {  	s0 =	sshra.s32 s0, $0x3;
	s16 =	smulhi.u32 $0x4EC4EC4F, s23;
	s3 =	sshra.s32 s23, $0x1F  }
0x197: {  	s24 =	spop (v2sf);
	s18 =	sshrl.u32 s1, $0x1F;
	s19 =	smul.u32 $0x4EC4EC4F, s3  }
0x198: {  	s21 =	smulhi.u32 $0x4EC4EC4F, s24;
	s17 =	sshra.s32 s24, $0x1F;
	s25 =	spop (v2sf)  }
0x199: {  	s3 =	sadd.s32 s4, s12;
	s12 =	smul.u32 $0x4EC4EC4F, s17;
	s22 =	spop (v2sf)  }
0x19a: {  	v21 =	vmov s11;
	s23 =	smulhi.u32 $0x4EC4EC4F, s25;
	s20 =	sshra.s32 s25, $0x1F;
	s17 =	spop (v2sf)  }
0x19b: {  	v7 =	vsel vm0, s8, v21;
	s4 =	sadd.s32 s10, s13;
	s10 =	smul.u32 $0x4EC4EC4F, s20;
	s24 =	spop (v2sf)  }
0x19c: {  	v7 =	vsel vm1, s5, v7;
	s1 =	sshra.s32 s1, $0x3;
	s5 =	smulhi.u32 $0x4EC4EC4F, s22;
	s20 =	spop (v2sf)  }
0x19d: {  	v23 =	vmov s18;
	s2 =	sadd.s32 s2, s15;
	s25 =	smulhi.u32 $0x4EC4EC4F, s20;
	s13 =	sshra.s32 s20, $0x1F  }
0x19e: {  	s11 =	sshrl.u32 s4, $0x1F;
	v9 =	vsel vm0, s14, v23;
	s14 =	simm.s32 $0x8700;
	s13 =	smul.u32 $0x4EC4EC4F, s13  }
0x19f: {  	s16 =	sadd.s32 s19, s16;
	s19 =	sshrl.u32 s3, $0x1F;
	s18 =	smulhi.u32 $0x4EC4EC4F, s17  }
0x1a0: {  	s17 =	sshra.s32 s17, $0x1F;
	s20 =	sadd.s32 s12, s21;
	s12 =	sadd.s32 s13, s25  }
0x1a1: {  	s8 =	sadd.s32 s10, s23;
	s10 =	sshrl.u32 s16, $0x1F;
	s15 =	sshra.s32 s12, $0x1F  }
0x1a2: {  	vm6 =	vcmask $0x300;
	vm7 =	vcmask $0x2320;
	s23 =	sshra.s32 s22, $0x1F;
	s21 =	sshrl.u32 s2, $0x1F;
	s25 =	sshra.s32 s2, $0x3;
	v22 =	vmov s15  }
0x1a3: {  	v29 =	vmov s1;
	v26 =	vld.idx.msk [tilespmem:v3+s14+$0x0], $0xffff;
	s22 =	sshra.s32 s16, $0x3;
	v24 =	vmov s21;
	s21 =	smul.u32 $0x4EC4EC4F, s17;
	s2 =	sshra.s32 s2, $0x1F;
	v8 =	vsel vm6, s25, v22  }
0x1a4: {  	v7 =	vsel vm2, s9, v7;
	v13 =	vsel vm0, s0, v29;
	s9 =	sshrl.u32 s20, $0x1F;
	s17 =	sshra.s32 s20, $0x3;
	s13 =	smul.u32 $0x4EC4EC4F, s23;
	v8 =	vsel vm4, s2, v8  }
0x1a5: {  	v9 =	vsel vm1, s19, v9;
	s20 =	sshra.s32 s20, $0x1F;
	v10 =	vnsel vm6, $0x0, v24;
	s23 =	smulhi.u32 $0x4EC4EC4F, s24;
	s25 =	sshra.s32 s16, $0x1F;
	v8 =	vsel vm0, s22, v8  }
0x1a6: {  	v9 =	vsel vm2, s11, v9;
	v10 =	vsel vm0, s10, v10;
	s24 =	sshra.s32 s24, $0x1F;
	s15 =	sshrl.u32 s8, $0x1F;
	s5 =	sadd.s32 s13, s5;
	v8 =	vsel vm5, s25, v8  }
0x1a7: {  	v7 =	vcombine.low v9, v7;
	v10 =	vsel vm1, s9, v10;
	s13 =	sadd.s32 s21, s18;
	s16 =	smul.u32 $0x4EC4EC4F, s24;
	s19 =	sshrl.u32 s5, $0x1F;
	v8 =	vsel vm1, s17, v8  }
0x1a8: {  	v25 =	vsel vm2, s15, v10;
	s21 =	sshrl.u32 s13, $0x1F;
	s24 =	sshra.s32 s8, $0x1F;
	v10 =	vmul.f32 $1.442695020e+00, v26;
	s22 =	sshra.s32 s8, $0x3;
	v8 =	vsel vm3, s20, v8  }
0x1a9: {  	v9 =	vsel vm7, s19, v25;
	vm4 =	vcmask $0x2B28;
	s9 =	sadd.s32 s16, s23;
	s23 =	sshra.s32 s31, $0x3;
	s31 =	simm.s32 $0x9480;
	v8 =	vsel vm2, s22, v8  }
0x1aa: {  	v7 =	vperm.xlane v7, v1;
	v9 =	vsel vm4, s21, v9;
	s25 =	sshra.s32 s28, $0x3;
	s28 =	sshra.s32 s5, $0x3;
	v28 =	vld.idx.msk [tilespmem:v3+s31+$0x0], $0xffff;
	v8 =	vsel vm14, s24, v8  }
0x1ab: {  	s15 =	sshra.s32 s5, $0x1F;
	s16 =	sshra.s32 s3, $0x3;
	(erf) = vpow2.f32 v10;
	v27 =	vmov s23;
	v8 =	vsel vm7, s28, v8  }
0x1ac: {  	s19 =	sshra.s32 s4, $0x3;
	v13 =	vsel vm1, s16, v13;
	v11 =	vsel vm0, s25, v27;
	s17 =	sshra.s32 s13, $0x3;
	v8 =	vsel vm15, s15, v8  }
0x1ad: {  	s11 =	sshra.s32 s30, $0x3;
	s10 =	sshrl.u32 s9, $0x1F;
	v13 =	vsel vm2, s19, v13;
	vm3 =	vcmask $0x3330;
	s20 =	sshra.s32 s13, $0x1F;
	v8 =	vsel vm4, s17, v8  }
0x1ae: {  	s18 =	sshra.s32 s29, $0x3;
	s21 =	sshra.s32 s9, $0x3;
	v11 =	vsel vm1, s11, v11;
	v9 =	vsel vm3, s10, v9;
	v8 =	vsel vm13, s20, v8  }
0x1af: {  	s23 =	sshra.s32 s9, $0x1F;
	v11 =	vsel vm2, s18, v11;
	s22 =	sshrl.u32 s12, $0x1F;
	v30 =	vmul.f32 $1.442695020e+00, v28;
	v8 =	vsel vm3, s21, v8  }
0x1b0: {  	v11 =	vcombine.low v13, v11;
	v9 =	vsel vm12, s22, v9;
	s24 =	sshra.s32 s12, $0x3;
	v8 =	vsel vm11, s23, v8  }
0x1b1: {  	v31 =	vld [tilespmem:$0xE580];
	v9 =	vperm.xlane v9, v2;
	(erf) = vpow2.f32 v30;
	v8 =	vsel vm12, s24, v8  }
0x1b2: {  	v33 =	vld [tilespmem:$0xE600];
	v11 =	vperm.xlane v11, v1;
	v8 =	vperm.xlane v8, v2  }
0x1b3: {  	v36 =	vld [tilespmem:$0xE480]  }
0x1b4: {  	v39 =	vld [tilespmem:$0xE500];
	v7 =	vsel vm8, v9, v7;
	v8 =	vsel vm8, v8, v11  }
0x1b5: {  	v38 =	vld [tilespmem:$0xE380];
	v7 =	vadd.s32 v7, v8  }
0x1b6: {  	v41 =	vld [tilespmem:$0xE400];
	s25 =	simm.s32 $0x6C00;
	v7 =	vmul.u32 $0x1A, v7  }
0x1b7: {  	v32 =	vld.idx.msk [tilespmem:v3+s25+$0x0], $0xffff;
	s28 =	simm.s32 $0x7980  }
0x1b8: {  	v43 =	vmul.f32 $5.000000000e-01, v36;
	v34 =	vld.idx.msk [tilespmem:v3+s28+$0x0], $0xffff;
	v6 =	vsub.s32 v6, v7  }
0x1b9: {  	v47 =	vmul.f32 $5.000000000e-01, v39;
	v35 =	vpop (erf);
	vm9 =	vlt.s32 v6, $0x0;
	v37 =	vadd.s32 $0x1A, v6  }
0x1ba: {  	v5 =	vcvt.s32.f32 v5;
	v40 =	vpop (erf);
	v7 =	vmul.f32 v35, v31;
	v6 =	vsel vm9, v37, v6  }
0x1bb: {  	v8 =	vmul.f32 v40, v33;
	v6 =	vcvt.s32.f32 v6  }
0x1bc: {  	v45 =	vsub.f32 v38, v43;
	v5 =	vadd.f32 v5, v32;
	v7 =	vmul.f32 $3.846153990e-02, v7  }
0x1bd: {  	v49 =	vsub.f32 v41, v47;
	v8 =	vmul.f32 $3.846153990e-02, v8;
	v6 =	vadd.f32 v6, v34  }
0x1be: {  	v10 =	vadd.f32 v43, v38;
	v5 =	vmul.f32 $3.846153990e-02, v5;
	v42 =	vmul.f32 $5.000000000e-01, v7  }
0x1bf: {  	v9 =	vadd.f32 v47, v41;
	v46 =	vmul.f32 $5.000000000e-01, v8;
	v6 =	vmul.f32 $3.846153990e-02, v6  }
0x1c0: {  	v44 =	vsub.f32 v5, v42;
	v5 =	vadd.f32 v42, v5  }
0x1c1: {  	v48 =	vsub.f32 v6, v46;
	v6 =	vadd.f32 v46, v6  }
0x1c2: {  	v15 =	vmax.f32 v44, v45  }
0x1c3: {  	v5 =	vmin.f32 v5, v10;
	v50 =	vmax.f32 v48, v49;
	v6 =	vmin.f32 v6, v9  }
0x1c4: {  	v5 =	vsub.f32 v5, v15;
	v6 =	vsub.f32 v6, v50  }
0x1c5: {  	v51 =	vmul.f32 v39, v36;
	v7 =	vmul.f32 v8, v7  }
0x1c6: {  	v5 =	vmax.f32 v5, $0.0e+00;
	v6 =	vmax.f32 v6, $0.0e+00  }
0x1c7: {  	v52 =	vadd.f32 v7, v51;
	v5 =	vmul.f32 v6, v5;
	_ =	sdelay $0x1  }
0x1c8: {  	v6 =	vsub.f32 v52, v5;
	_ =	sdelay $0x1  }
0x1c9: {  	v53 =	vmax.f32 v6, $9.999999960e-13  }
0x1ca: {  	(erf) = vrcp.f32 v53;
	_ =	sdelay $0x1  }
0x1cb: {  	v54 =	vld [tilespmem:$0xE080];
	vm9 =	vgt.s32 v63, $0xFFFFFFFF  }
0x1cc: {  	v55 =	vld [tilespmem:$0xE100]  }
0x1cd: {  	v56 =	vld [tilespmem:$0xE180]  }
0x1ce: {  	v57 =	vld [tilespmem:$0xE200]  }
0x1cf: {  	v58 =	vld [tilespmem:$0xE280]  }
0x1d0: {  	v59 =	vld [tilespmem:$0xE300];
	s29 =	simm.s32 $0xA200  }
0x1d1: {  	v60 =	vld.idx.msk [tilespmem:v3+s29+$0x0], $0xffff;
	[tilespmem:v3+s25+$0x0] =	vst.idx.msk vm9, v54  }
0x1d2: {  	[tilespmem:v3+s28+$0x0] =	vst.idx.msk vm9, v55;
	v61 =	vpop (erf)  }
0x1d3: {  	[tilespmem:v3+s14+$0x0] =	vst.idx.msk vm9, v56;
	v62 =	vmul.f32 v61, v5  }
0x1d4: {  	s30 =	simm.s32 $0xBD00;
	[tilespmem:v3+s31+$0x0] =	vst.idx.msk vm9, v57;
	vm10 =	vgt.f32 v6, $0.0e+00  }
0x1d5: {  	[tilespmem:v3+s30+$0x0] =	vst.idx.msk vm9, v58;
	v4 =	vnsel vm10, $0x0, v62  }
0x1d6: {  	s31 =	simm.s32 $0xAF80;
	[tilespmem:v3+s29+$0x0] =	vst.idx.msk vm9, v4  }
0x1d7: {  	s1 =	simm.s32 $0xCA80;
	[tilespmem:v3+s31+$0x0] =	vst.idx.msk vm9, v60  }
0x1d8: {  	[tilespmem:v3+s1+$0x0] =	vst.idx.msk vm9, v59  }
0x1d9: {  	v3 =	vld [tilespmem:$0xE010];
	_ =	sdelay $0x4  }
0x1da: {  	v3 =	vtrunc.f32 v3  }
0x1db: {  	v63 =	vcvt.f32.s32 v3;
	_ =	sdelay $0x1  }
0x1dc: {  	vm9 =	vgt.s32 v63, $0x0  }
0x1dd: {  	v3 =	vnsel vm9, $0x0, v63  }
0x1de: {  	v19 =	vmulhi.u32 $0x4EC4EC4F, v3;
	_ =	sdelay $0x1  }
0x1df: {  	v20 =	vshrl.u32 v19, $0x3  }
0x1e0: {  	v5 =	vmul.u32 $0xFFFFFFE6, v20;
	_ =	sdelay $0x1  }
0x1e1: {  	v5 =	vadd.s32 v3, v5  }
0x1e2: {  	vm10 =	vlt.s32 v63, $0x1;
	vm9 =	vne.s32 v5, $0x0  }
0x1e3: {  	vm9 =	vmand vm10, vm9  }
0x1e4: {  	v21 =	vsel vm9, $0xFFFFFFFF, v0  }
0x1e5: {  	v6 =	vadd.s32 v21, v20  }
0x1e6: {  	(v2sf) =	vpush v6, $0xD;
	_ =	sdelay $0x1  }
0x1e7: {  	(v2sf) =	vpush v6, $0xC;
	_ =	sdelay $0x1  }
0x1e8: {  	(v2sf) =	vpush v6, $0xE;
	_ =	sdelay $0x1  }
0x1e9: {  	(v2sf) =	vpush v6, $0xF;
	_ =	sdelay $0x1  }
0x1ea: {  	(v2sf) =	vpush v6, $0x9;
	_ =	sdelay $0x1  }
0x1eb: {  	(v2sf) =	vpush v6, $0x8;
	_ =	sdelay $0x1  }
0x1ec: {  	(v2sf) =	vpush v6, $0xA;
	_ =	sdelay $0x1  }
0x1ed: {  	(v2sf) =	vpush v6, $0xB  }
0x1ee: {  	s2 =	spop (v2sf)  }
0x1ef: {  	(v2sf) =	vpush v6, $0x0;
	s3 =	smulhi.u32 $0x4EC4EC4F, s2;
	s0 =	sshra.s32 s2, $0x1F  }
0x1f0: {  	s16 =	spop (v2sf);
	s0 =	smul.u32 $0x4EC4EC4F, s0  }
0x1f1: {  	(v2sf) =	vpush v6, $0x1;
	s17 =	smulhi.u32 $0x4EC4EC4F, s16;
	s2 =	sshra.s32 s16, $0x1F  }
0x1f2: {  	(v2sf) =	vpush v6, $0x2;
	s20 =	spop (v2sf);
	s2 =	smul.u32 $0x4EC4EC4F, s2  }
0x1f3: {  	s5 =	smulhi.u32 $0x4EC4EC4F, s20;
	s4 =	sshra.s32 s20, $0x1F  }
0x1f4: {  	s21 =	spop (v2sf);
	s4 =	smul.u32 $0x4EC4EC4F, s4  }
0x1f5: {  	s10 =	smulhi.u32 $0x4EC4EC4F, s21;
	s8 =	sshra.s32 s21, $0x1F  }
0x1f6: {  	(v2sf) =	vpush v6, $0x3;
	s22 =	spop (v2sf);
	s8 =	smul.u32 $0x4EC4EC4F, s8  }
0x1f7: {  	(v2sf) =	vpush v6, $0x4;
	s13 =	smulhi.u32 $0x4EC4EC4F, s22;
	s9 =	sshra.s32 s22, $0x1F  }
0x1f8: {  	(v2sf) =	vpush v6, $0x5;
	s23 =	spop (v2sf);
	s9 =	smul.u32 $0x4EC4EC4F, s9  }
0x1f9: {  	(v2sf) =	vpush v6, $0x6;
	s15 =	smulhi.u32 $0x4EC4EC4F, s23;
	s11 =	sshra.s32 s23, $0x1F  }
0x1fa: {  	(v2sf) =	vpush v6, $0x7;
	s24 =	spop (v2sf);
	s11 =	smul.u32 $0x4EC4EC4F, s11  }
0x1fb: {  	s19 =	smulhi.u32 $0x4EC4EC4F, s24;
	s12 =	sshra.s32 s24, $0x1F  }
0x1fc: {  	s0 =	sadd.s32 s0, s3;
	s25 =	spop (v2sf);
	s12 =	smul.u32 $0x4EC4EC4F, s12  }
0x1fd: {  	s30 =	sadd.s32 s2, s17;
	s22 =	smulhi.u32 $0x4EC4EC4F, s25;
	s14 =	sshra.s32 s25, $0x1F  }
0x1fe: {  	s1 =	sadd.s32 s8, s10;
	s28 =	spop (v2sf);
	s14 =	smul.u32 $0x4EC4EC4F, s14  }
0x1ff: {  	s25 =	sshrl.u32 s0, $0x1F;
	s24 =	smulhi.u32 $0x4EC4EC4F, s28;
	s31 =	sshra.s32 s28, $0x1F  }
0x200: {  	s3 =	sadd.s32 s9, s13;
	s29 =	spop (v2sf);
	s28 =	smul.u32 $0x4EC4EC4F, s31  }
0x201: {  	s0 =	sshra.s32 s0, $0x3;
	s18 =	spop (v2sf);
	s2 =	smulhi.u32 $0x4EC4EC4F, s29  }
0x202: {  	s17 =	sshra.s32 s29, $0x1F;
	s29 =	sadd.s32 s4, s5;
	s5 =	sshrl.u32 s30, $0x1F  }
0x203: {  	s31 =	sadd.s32 s11, s15;
	s12 =	sadd.s32 s12, s19;
	s17 =	smul.u32 $0x4EC4EC4F, s17  }
0x204: {  	s15 =	sshrl.u32 s1, $0x1F;
	s8 =	smulhi.u32 $0x4EC4EC4F, s18;
	s18 =	sshra.s32 s18, $0x1F  }
0x205: {  	s20 =	spop (v2sf);
	s9 =	sshrl.u32 s29, $0x1F;
	s10 =	smul.u32 $0x4EC4EC4F, s18  }
0x206: {  	s21 =	spop (v2sf);
	s11 =	smulhi.u32 $0x4EC4EC4F, s20;
	s20 =	sshra.s32 s20, $0x1F  }
0x207: {  	s4 =	sadd.s32 s14, s22;
	s13 =	smul.u32 $0x4EC4EC4F, s20;
	s23 =	spop (v2sf)  }
0x208: {  	s14 =	smulhi.u32 $0x4EC4EC4F, s21;
	s22 =	sshra.s32 s21, $0x1F;
	s16 =	spop (v2sf)  }
0x209: {  	s19 =	sadd.s32 s28, s24;
	s18 =	smul.u32 $0x4EC4EC4F, s22;
	s28 =	spop (v2sf)  }
0x20a: {  	s2 =	sadd.s32 s17, s2;
	s21 =	smulhi.u32 $0x4EC4EC4F, s28;
	s20 =	sshra.s32 s28, $0x1F  }
0x20b: {  	s17 =	sshrl.u32 s31, $0x1F;
	s24 =	sshrl.u32 s19, $0x1F;
	s20 =	smul.u32 $0x4EC4EC4F, s20  }
0x20c: {  	v22 =	vmov s5;
	s11 =	sadd.s32 s13, s11;
	s13 =	smulhi.u32 $0x4EC4EC4F, s23;
	s22 =	sshra.s32 s23, $0x1F  }
0x20d: {  	v7 =	vsel vm0, s25, v22;
	s25 =	sshra.s32 s19, $0x1F;
	s23 =	smul.u32 $0x4EC4EC4F, s22;
	s28 =	sadd.s32 s20, s21  }
0x20e: {  	v7 =	vsel vm1, s9, v7;
	s8 =	sadd.s32 s10, s8;
	s10 =	sshrl.u32 s3, $0x1F;
	v25 =	vmov s17;
	s21 =	sshra.s32 s28, $0x1F  }
0x20f: {  	v23 =	vmov s24;
	v10 =	vsel vm0, s10, v25;
	s10 =	sshrl.u32 s4, $0x1F;
	s13 =	sadd.s32 s23, s13;
	s23 =	sshra.s32 s19, $0x3;
	v24 =	vmov s21  }
0x210: {  	v8 =	vnsel vm6, $0x0, v23;
	s14 =	sadd.s32 s18, s14;
	s18 =	sshra.s32 s30, $0x3;
	s22 =	sshrl.u32 s2, $0x1F;
	v9 =	vsel vm6, s23, v24;
	vm6 =	vcmask $0x704  }
0x211: {  	v7 =	vsel vm2, s15, v7;
	s24 =	smulhi.u32 $0x4EC4EC4F, s16;
	s16 =	sshra.s32 s16, $0x1F;
	s21 =	sshra.s32 s2, $0x3;
	v9 =	vsel vm6, s25, v9  }
0x212: {  	v26 =	vmov s18;
	v8 =	vsel vm0, s22, v8;
	s22 =	sshrl.u32 s12, $0x1F;
	s19 =	sshrl.u32 s8, $0x1F;
	s2 =	sshra.s32 s2, $0x1F;
	v9 =	vsel vm0, s21, v9  }
0x213: {  	v12 =	vsel vm0, s0, v26;
	v10 =	vsel vm1, s22, v10;
	s22 =	sshra.s32 s29, $0x3;
	s20 =	smul.u32 $0x4EC4EC4F, s16;
	s25 =	sshra.s32 s8, $0x3;
	v9 =	vsel vm5, s2, v9  }
0x214: {  	s29 =	sshra.s32 s1, $0x3;
	v8 =	vsel vm1, s19, v8;
	s16 =	simm.s32 $0x8700;
	s8 =	sshra.s32 s8, $0x1F;
	vm5 =	vcmask $0x1714;
	v9 =	vsel vm1, s25, v9  }
0x215: {  	v10 =	vsel vm2, s10, v10;
	s19 =	sshra.s32 s11, $0x3;
	v12 =	vsel vm1, s22, v12;
	v11 =	vld.idx.msk [tilespmem:v3+s16+$0x0], $0xffff;
	s9 =	sadd.s32 s20, s24;
	s23 =	sshrl.u32 s11, $0x1F;
	v9 =	vsel vm5, s8, v9  }
0x216: {  	v7 =	vcombine.low v10, v7;
	s24 =	sshrl.u32 s14, $0x1F;
	v8 =	vsel vm2, s23, v8;
	s21 =	sshra.s32 s11, $0x1F;
	s25 =	simm.s32 $0x9480;
	v9 =	vsel vm2, s19, v9  }
0x217: {  	v12 =	vsel vm2, s29, v12;
	s23 =	sshra.s32 s31, $0x3;
	v8 =	vsel vm7, s24, v8;
	s24 =	sshra.s32 s14, $0x3;
	v28 =	vld.idx.msk [tilespmem:v3+s25+$0x0], $0xffff;
	v9 =	vsel vm14, s21, v9  }
0x218: {  	s30 =	sshra.s32 s3, $0x3;
	s15 =	sshrl.u32 s13, $0x1F;
	v7 =	vperm.xlane v7, v1;
	s31 =	sshra.s32 s14, $0x1F;
	v27 =	vmov s23;
	v9 =	vsel vm7, s24, v9  }
0x219: {  	s3 =	sshra.s32 s4, $0x3;
	s17 =	sshrl.u32 s9, $0x1F;
	v8 =	vsel vm4, s15, v8;
	v13 =	vsel vm0, s30, v27;
	s2 =	sshra.s32 s13, $0x3;
	v9 =	vsel vm15, s31, v9  }
0x21a: {  	s1 =	sshra.s32 s12, $0x3;
	s4 =	sshra.s32 s13, $0x1F;
	s20 =	sshrl.u32 s28, $0x1F;
	v11 =	vmul.f32 $1.442695020e+00, v11;
	v8 =	vsel vm3, s17, v8;
	v9 =	vsel vm4, s2, v9  }
0x21b: {  	s5 =	sshra.s32 s9, $0x3;
	v13 =	vsel vm1, s1, v13;
	v8 =	vsel vm12, s20, v8;
	v9 =	vsel vm13, s4, v9  }
0x21c: {  	v13 =	vsel vm2, s3, v13;
	s8 =	sshra.s32 s9, $0x1F;
	v30 =	vmul.f32 $1.442695020e+00, v28;
	v9 =	vsel vm3, s5, v9  }
0x21d: {  	(erf) = vpow2.f32 v11;
	s9 =	sshra.s32 s28, $0x3;
	v29 =	vcombine.low v13, v12;
	v9 =	vsel vm11, s8, v9  }
0x21e: {  	v31 =	vld [tilespmem:$0xE590];
	v8 =	vperm.xlane v8, v2;
	(erf) = vpow2.f32 v30;
	v9 =	vsel vm12, s9, v9  }
0x21f: {  	v34 =	vld [tilespmem:$0xE610];
	v10 =	vperm.xlane v29, v1;
	v9 =	vperm.xlane v9, v2  }
0x220: {  	v37 =	vld [tilespmem:$0xE490]  }
0x221: {  	v40 =	vld [tilespmem:$0xE510];
	v7 =	vsel vm8, v8, v7;
	v32 =	vsel vm8, v9, v10  }
0x222: {  	v39 =	vld [tilespmem:$0xE390];
	v7 =	vadd.s32 v7, v32  }
0x223: {  	v43 =	vld [tilespmem:$0xE410];
	s10 =	simm.s32 $0x6C00;
	v7 =	vmul.u32 $0x1A, v7  }
0x224: {  	v33 =	vld.idx.msk [tilespmem:v3+s10+$0x0], $0xffff;
	s11 =	simm.s32 $0x7980  }
0x225: {  	v45 =	vmul.f32 $5.000000000e-01, v37;
	v36 =	vld.idx.msk [tilespmem:v3+s11+$0x0], $0xffff;
	v6 =	vsub.s32 v6, v7  }
0x226: {  	v49 =	vmul.f32 $5.000000000e-01, v40;
	v35 =	vpop (erf);
	vm9 =	vlt.s32 v6, $0x0;
	v38 =	vadd.s32 $0x1A, v6  }
0x227: {  	v5 =	vcvt.s32.f32 v5;
	v10 =	vmul.f32 v35, v31;
	v42 =	vpop (erf);
	v6 =	vsel vm9, v38, v6  }
0x228: {  	v9 =	vmul.f32 v42, v34;
	v6 =	vcvt.s32.f32 v6  }
0x229: {  	v47 =	vsub.f32 v39, v45;
	v5 =	vadd.f32 v5, v33;
	v41 =	vmul.f32 $3.846153990e-02, v10  }
0x22a: {  	v51 =	vsub.f32 v43, v49;
	v9 =	vmul.f32 $3.846153990e-02, v9;
	v6 =	vadd.f32 v6, v36  }
0x22b: {  	v5 =	vmul.f32 $3.846153990e-02, v5;
	v11 =	vadd.f32 v45, v39;
	v44 =	vmul.f32 $5.000000000e-01, v41  }
0x22c: {  	v10 =	vadd.f32 v49, v43;
	v48 =	vmul.f32 $5.000000000e-01, v9;
	v6 =	vmul.f32 $3.846153990e-02, v6  }
0x22d: {  	v46 =	vsub.f32 v5, v44;
	v5 =	vadd.f32 v44, v5  }
0x22e: {  	v50 =	vsub.f32 v6, v48;
	v6 =	vadd.f32 v48, v6  }
0x22f: {  	v15 =	vmax.f32 v46, v47  }
0x230: {  	v5 =	vmin.f32 v5, v11;
	v52 =	vmax.f32 v50, v51;
	v6 =	vmin.f32 v6, v10  }
0x231: {  	v5 =	vsub.f32 v5, v15;
	v6 =	vsub.f32 v6, v52  }
0x232: {  	v7 =	vmul.f32 v40, v37;
	v8 =	vmul.f32 v9, v41  }
0x233: {  	v5 =	vmax.f32 v5, $0.0e+00;
	v6 =	vmax.f32 v6, $0.0e+00  }
0x234: {  	v53 =	vadd.f32 v8, v7;
	v5 =	vmul.f32 v6, v5;
	_ =	sdelay $0x1  }
0x235: {  	v6 =	vsub.f32 v53, v5;
	_ =	sdelay $0x1  }
0x236: {  	v54 =	vmax.f32 v6, $9.999999960e-13  }
0x237: {  	(erf) = vrcp.f32 v54;
	_ =	sdelay $0x1  }
0x238: {  	v55 =	vld [tilespmem:$0xE090];
	vm9 =	vgt.s32 v63, $0xFFFFFFFF  }
0x239: {  	v56 =	vld [tilespmem:$0xE110]  }
0x23a: {  	v57 =	vld [tilespmem:$0xE190]  }
0x23b: {  	v58 =	vld [tilespmem:$0xE210]  }
0x23c: {  	v59 =	vld [tilespmem:$0xE290]  }
0x23d: {  	v60 =	vld [tilespmem:$0xE310];
	s12 =	simm.s32 $0xA200  }
0x23e: {  	v61 =	vld.idx.msk [tilespmem:v3+s12+$0x0], $0xffff;
	[tilespmem:v3+s10+$0x0] =	vst.idx.msk vm9, v55  }
0x23f: {  	s15 =	simm.s32 $0x8700;
	[tilespmem:v3+s11+$0x0] =	vst.idx.msk vm9, v56;
	v62 =	vpop (erf)  }
0x240: {  	s16 =	simm.s32 $0x9480;
	[tilespmem:v3+s15+$0x0] =	vst.idx.msk vm9, v57;
	v63 =	vmul.f32 v62, v5  }
0x241: {  	s17 =	simm.s32 $0xBD00;
	[tilespmem:v3+s16+$0x0] =	vst.idx.msk vm9, v58;
	vm10 =	vgt.f32 v6, $0.0e+00  }
0x242: {  	[tilespmem:v3+s17+$0x0] =	vst.idx.msk vm9, v59;
	v4 =	vnsel vm10, $0x0, v63  }
0x243: {  	s20 =	simm.s32 $0xAF80;
	[tilespmem:v3+s12+$0x0] =	vst.idx.msk vm9, v4  }
0x244: {  	s22 =	rddreg [dreg:$0x1f];
	s21 =	simm.s32 $0xCA80;
	[tilespmem:v3+s20+$0x0] =	vst.idx.msk vm9, v61  }
0x245: {  	s13 =	simm.s32 $0x6C00;
	s19 =	rddreg [dreg:$0x1e];
	[tilespmem:v3+s21+$0x0] =	vst.idx.msk vm9, v60  }
0x246: {  	[hbm4b:s19+s6] =	stream.strided.scatter [tilespmem:s13], [sflag:$0x3], $0xD80, s7, s6, $0x38;
	[tilespmem:$0xE800] =	vst v63  }
0x247: {  	s14 =	simm.s32 $0x7980;
	s23 =	sld [smem:$0x7F5]  }
0x248: {  	[hbm4b:s22+s6] =	stream.strided.scatter [tilespmem:s14], [sflag:$0x3], $0xD80, s7, s6, $0x38;
	[tilespmem:$0xE800] =	vst v63  }
0x249: {  	s24 =	sld [smem:$0x7F6]  }
0x24a: {  	[hbm4b:s23+s6] =	stream.strided.scatter [tilespmem:s15], [sflag:$0x3], $0xD80, s7, s6, $0x38;
	[tilespmem:$0xE800] =	vst v63  }
0x24b: {  	s25 =	sld [smem:$0x7F7]  }
0x24c: {  	[hbm4b:s24+s6] =	stream.strided.scatter [tilespmem:s16], [sflag:$0x3], $0xD80, s7, s6, $0x38;
	[tilespmem:$0xE800] =	vst v63  }
0x24d: {  	s28 =	sld [smem:$0x7F8]  }
0x24e: {  	[hbm4b:s25+s6] =	stream.strided.scatter [tilespmem:s17], [sflag:$0x3], $0xD80, s7, s6, $0x38;
	[tilespmem:$0xE800] =	vst v63  }
0x24f: {  	s18 =	simm.s32 $0xA200;
	s29 =	sld [smem:$0x7FA]  }
0x250: {  	[hbm4b:s28+s6] =	stream.strided.scatter [tilespmem:s18], [sflag:$0x3], $0xD80, s7, s6, $0x38;
	[tilespmem:$0xE800] =	vst v63  }
0x251: {  	s30 =	sld [smem:$0x7FB]  }
0x252: {  	[hbm4b:s29+s6] =	stream.strided.scatter [tilespmem:s20], [sflag:$0x3], $0xD80, s7, s6, $0x38;
	[tilespmem:$0xE800] =	vst v63  }
0x253: {  	_ = 	snop  }
0x254: {  	[hbm4b:s30+s6] =	stream.strided.scatter [tilespmem:s21], [sflag:$0x3], $0xD80, s7, s6, $0x38;
	[tilespmem:$0xE800] =	vst v63  }
0x255: {  	s31 =	sld [smem:$0x7F3];
	_ =	swait.ge [sflag:s26], $0xD80  }
0x256: {  	[sflag:s26] =	ssyncset.done $0x0  }
0x257: {  	[sflag:s26] =	ssyncadd.s32 $0xFFFFF280  }
0x258: {  	_ =	swait.ge [sflag:s26], $0xD80  }
0x259: {  	[sflag:s26] =	ssyncset.done $0x0  }
0x25a: {  	[sflag:s26] =	ssyncadd.s32 $0xFFFFF280  }
0x25b: {  	_ =	swait.ge [sflag:s26], $0xD80  }
0x25c: {  	[sflag:s26] =	ssyncset.done $0x0  }
0x25d: {  	[sflag:s26] =	ssyncadd.s32 $0xFFFFF280  }
0x25e: {  	_ =	swait.ge [sflag:s26], $0xD80  }
0x25f: {  	[sflag:s26] =	ssyncset.done $0x0  }
0x260: {  	[sflag:s26] =	ssyncadd.s32 $0xFFFFF280  }
0x261: {  	_ =	swait.ge [sflag:s26], $0xD80  }
0x262: {  	[sflag:s26] =	ssyncset.done $0x0  }
0x263: {  	[sflag:s26] =	ssyncadd.s32 $0xFFFFF280  }
0x264: {  	_ =	swait.ge [sflag:s26], $0xD80  }
0x265: {  	[sflag:s26] =	ssyncset.done $0x0  }
0x266: {  	[sflag:s26] =	ssyncadd.s32 $0xFFFFF280  }
0x267: {  	_ =	swait.ge [sflag:s26], $0xD80  }
0x268: {  	[sflag:s26] =	ssyncset.done $0x0  }
0x269: {  	[sflag:s26] =	ssyncadd.s32 $0xFFFFF280  }
0x26a: {  	_ =	swait.ge [sflag:s26], $0xD80  }
0x26b: {  	[sflag:s26] =	ssyncset.done $0x0  }
0x26c: {  	[sflag:s26] =	ssyncadd.s32 $0xFFFFF280  }
0x26d: {  	_ =	swait.ge [sflag:s26], $0xD80  }
0x26e: {  	[sflag:s26] =	ssyncset.done $0x0  }
0x26f: {  	[sflag:s26] =	ssyncadd.s32 $0xFFFFF280  }
0x270: {  	_ =	swait.ge [sflag:s26], $0xD80  }
0x271: {  	[sflag:s26] =	ssyncset.done $0x0  }
0x272: {  	[sflag:s26] =	ssyncadd.s32 $0xFFFFF280  }
0x273: {  	_ =	swait.ge [sflag:s26], $0xD80  }
0x274: {  	[sflag:s26] =	ssyncset.done $0x0  }
0x275: {  	[sflag:s26] =	ssyncadd.s32 $0xFFFFF280  }
0x276: {  	_ =	swait.ge [sflag:s26], $0xD80  }
0x277: {  	[sflag:s26] =	ssyncset.done $0x0  }
0x278: {  	[sflag:s26] =	ssyncadd.s32 $0xFFFFF280  }
0x279: {  	_ =	swait.ge [sflag:s26], $0xD80  }
0x27a: {  	[sflag:s26] =	ssyncset.done $0x0  }
0x27b: {  	[sflag:s26] =	ssyncadd.s32 $0xFFFFF280  }
0x27c: {  	_ =	swait.ge [sflag:s26], $0xD80  }
0x27d: {  	[sflag:s26] =	ssyncset.done $0x0  }
0x27e: {  	[sflag:s26] =	ssyncadd.s32 $0xFFFFF280  }
0x27f: {  	p0 =	sne.s32 s31, $0x1;
	_ =	swait.ge [sflag:s26], $0xD80  }
.Ltmp0:
0x280: {  	[sflag:s26] =	ssyncset.done $0x0;
	(pc) =	sbr.rel @p0 .LBB2_1-.Ltmp0, $4  }
0x281: {  	[sflag:s26] =	ssyncadd.s32 $0xFFFFF280  }
0x282: {  	_ =	swait.ge [sflag:s26], $0xD80  }
0x283: {  	[sflag:s26] =	ssyncset.done $0x0  }
0x284: {  	s1 =	sadd.s32 $0xFFFFFFFF, s31;
	[sflag:s26] =	ssyncadd.s32 $0xFFFFF280  }
0x285: {  	_ =	sfence.sel $0x180000  }
0x286: {  	[bflag:$0x0] =	sbarrier.arrive $0xFFFF  }
0x287: {  	_ =	strace $0x90000047  }
0x288: {  	s0 =	stileid.u32;
	[bflag:$0x2] =	sbarrier.arrive $0xFFFF  }
0x289: {  	p0 =	sne.s32 s0, $0x0;
	s0 =	rddreg [dreg:$0x7]  }
0x28a: {  	s0 =	sadd.s32 @!p0 $0x100000, s0  }
0x28b: {  	[sflag:s0] =	ssyncadd.tile.s32 @!p0 $0x1;
	_ =	shalt  }
.Lfunc_end2:
_tile_overlayer_lowered:
.L_overlay_start_2:
0x28c: {  	(tag) =	ssettag $0x2  }
0x28d: {  	s0 =	rddreg [dreg:$0x0];
	s2 =	stileid.u32  }
0x28e: {  	s1 =	rddreg [dreg:$0x1];
	p0 =	sne.s32 s2, $0x0  }
0x28f: {  	s3 =	rddreg [dreg:$0x2];
	[bflag:$0x3] =	sbarrier.arrive $0xFFFF;
	s2 =	simm.s32 @!p0 $0x1C04  }
0x290: {  	[timem:s3], [sflag:s2] =	dma.local @!p0 [hbm:s0], s1  }
0x291: {  	s0 =	simm.s32 @!p0 $0x4  }
0x292: {  	_ =	swait.ge @!p0 [sflag:s0], s1  }
0x293: {  	s1 =	ssub.s32 @!p0 $0x0, s1;
	[sflag:s0] =	ssyncset.done @!p0 $0x0  }
0x294: {  	[sflag:s0] =	ssyncadd.s32 @!p0 s1  }
0x295: {  	[bflag:$0x3] =	sbarrier.arrive $0xFFFF  }
0x296: {  	_ =	shalt  }

</sc_bundles>
